<compile_context>
chip_gen: v7x
topology: tpu7x:2x2x1
jax: 0.10.2.dev20260603
libtpu: 0.0.44.dev20260713+nightly
codegen_flags: <defaults>
</compile_context>

<pallas_src>
import functools
import math

import jax
import jax.numpy as jnp
from jax import lax
from jax.experimental import pallas as pl
from jax.experimental.pallas import tpu as pltpu
from jax.experimental.pallas import tpu_sc as plsc

N = 10000
E = 160000
H = 128
HEADS = 4
D_HEAD = H // HEADS

SC_CORES = 2
SC_SUBCORES = 16
SC_WORKERS = SC_CORES * SC_SUBCORES
CHUNK = 128
EPAD = 163840
NPAD = 10240
ROWS_PER_SUB = NPAD // SC_SUBCORES
HALF = NPAD // SC_CORES
ACC_ROWS = 5248
AGG_ROWS_PER_SUB = ACC_ROWS // SC_SUBCORES
AGG_CHUNKS_PER_SUB = EPAD // (SC_SUBCORES * CHUNK)


def _sc_mesh():
    return plsc.VectorSubcoreMesh(core_axis_name="c", subcore_axis_name="s")


def _sc_edge_aggregate(xs, srcp, dstloc, zeros_ah):
    nch = EPAD // (SC_SUBCORES * CHUNK)

    @functools.partial(
        pl.kernel,
        out_type=jax.ShapeDtypeStruct((SC_CORES, ACC_ROWS, H), jnp.float32),
        mesh=_sc_mesh(),
        scratch_types=[
            pltpu.VMEM((2, CHUNK, H), jnp.float32),
            pltpu.VMEM((2, CHUNK), jnp.int32),
            pltpu.VMEM((2, CHUNK), jnp.int32),
            pltpu.VMEM_SHARED((ACC_ROWS, H), jnp.float32),
            pltpu.SemaphoreType.DMA,
            pltpu.SemaphoreType.DMA,
        ],
    )
    def agg_kernel(xs_hbm, src_hbm, dst_hbm, z_hbm, out_hbm, buf_v, isrc_v,
                   idst_v, acc_sh, sem0, sem1):
        c = lax.axis_index("c")
        s = lax.axis_index("s")

        arow = s * AGG_ROWS_PER_SUB
        pltpu.sync_copy(z_hbm, acc_sh.at[pl.ds(arow, AGG_ROWS_PER_SUB)])
        plsc.subcore_barrier()

        base = s * nch

        def load_idx(chunk, slot):
            pltpu.sync_copy(src_hbm.at[pl.ds(chunk, 1)],
                            isrc_v.at[pl.ds(slot, 1)])
            pltpu.sync_copy(dst_hbm.at[c].at[pl.ds(chunk, 1)],
                            idst_v.at[pl.ds(slot, 1)])

        load_idx(base, 0)
        pltpu.async_copy(xs_hbm.at[isrc_v.at[0]], buf_v.at[0], sem0)

        @pl.loop(0, nch, step=2)
        def _(i):
            load_idx(base + i + 1, 1)
            pltpu.async_copy(xs_hbm.at[isrc_v.at[1]], buf_v.at[1], sem1)
            pltpu.make_async_copy(xs_hbm.at[isrc_v.at[0]], buf_v.at[0],
                                  sem0).wait()
            pltpu.sync_copy(buf_v.at[0], acc_sh.at[idst_v.at[0]], add=True)

            @pl.when(i + 2 < nch)
            def _():
                load_idx(base + i + 2, 0)
                pltpu.async_copy(xs_hbm.at[isrc_v.at[0]], buf_v.at[0], sem0)

            pltpu.make_async_copy(xs_hbm.at[isrc_v.at[1]], buf_v.at[1],
                                  sem1).wait()
            pltpu.sync_copy(buf_v.at[1], acc_sh.at[idst_v.at[1]], add=True)

        plsc.subcore_barrier()
        pltpu.sync_copy(acc_sh.at[pl.ds(arow, AGG_ROWS_PER_SUB)],
                        out_hbm.at[c].at[pl.ds(arow, AGG_ROWS_PER_SUB)])

    return agg_kernel(xs, srcp, dstloc, zeros_ah)


def _sc_edge_count(dstloc, ones_ch, zeros_ah):
    nch = EPAD // (SC_SUBCORES * CHUNK)

    @functools.partial(
        pl.kernel,
        out_type=jax.ShapeDtypeStruct((SC_CORES, ACC_ROWS, H), jnp.float32),
        mesh=_sc_mesh(),
        scratch_types=[
            pltpu.VMEM((CHUNK, H), jnp.float32),
            pltpu.VMEM((2, CHUNK), jnp.int32),
            pltpu.VMEM_SHARED((ACC_ROWS, H), jnp.float32),
            pltpu.SemaphoreType.DMA,
        ],
    )
    def count_kernel(dst_hbm, one_hbm, z_hbm, out_hbm, buf_v, idst_v, acc_sh,
                     sem):
        c = lax.axis_index("c")
        s = lax.axis_index("s")

        arow = s * AGG_ROWS_PER_SUB
        pltpu.sync_copy(z_hbm, acc_sh.at[pl.ds(arow, AGG_ROWS_PER_SUB)])
        pltpu.sync_copy(one_hbm, buf_v)
        plsc.subcore_barrier()

        base = s * nch

        pltpu.sync_copy(dst_hbm.at[c].at[pl.ds(base, 1)],
                        idst_v.at[pl.ds(0, 1)])

        @pl.loop(0, nch, step=2)
        def _(i):
            pltpu.sync_copy(dst_hbm.at[c].at[pl.ds(base + i + 1, 1)],
                            idst_v.at[pl.ds(1, 1)])
            pltpu.sync_copy(buf_v, acc_sh.at[idst_v.at[0]], add=True)

            @pl.when(i + 2 < nch)
            def _():
                pltpu.sync_copy(dst_hbm.at[c].at[pl.ds(base + i + 2, 1)],
                                idst_v.at[pl.ds(0, 1)])

            pltpu.sync_copy(buf_v, acc_sh.at[idst_v.at[1]], add=True)

        plsc.subcore_barrier()
        pltpu.sync_copy(acc_sh.at[pl.ds(arow, AGG_ROWS_PER_SUB)],
                        out_hbm.at[c].at[pl.ds(arow, AGG_ROWS_PER_SUB)])

    return count_kernel(dstloc, ones_ch, zeros_ah)



_F32 = jnp.float32


def _mm_bias(x, w, b, relu, block_rows=2000):
    n, k = x.shape
    m = w.shape[1]

    def body(x_ref, w_ref, b_ref, o_ref):
        acc = jnp.dot(x_ref[...], w_ref[...], preferred_element_type=_F32)
        acc = acc + b_ref[...]
        if relu:
            acc = jnp.maximum(acc, 0.0)
        o_ref[...] = acc

    return pl.pallas_call(
        body,
        grid=(n // block_rows,),
        in_specs=[
            pl.BlockSpec((block_rows, k), lambda i: (i, 0)),
            pl.BlockSpec((k, m), lambda i: (0, 0)),
            pl.BlockSpec((1, m), lambda i: (0, 0)),
        ],
        out_specs=pl.BlockSpec((block_rows, m), lambda i: (i, 0)),
        out_shape=jax.ShapeDtypeStruct((n, m), _F32),
    )(x, w, b.reshape(1, m))


def _xs_kernel(h, w, degp, block_rows=2000):
    n = h.shape[0]

    def body(h_ref, w_ref, d_ref, o_ref):
        deg = 1.0 + d_ref[...][:, 0:1]
        dinv = lax.rsqrt(deg)
        xw = jnp.dot(h_ref[...], w_ref[...], preferred_element_type=_F32)
        o_ref[...] = xw * dinv

    return pl.pallas_call(
        body,
        grid=(n // block_rows,),
        in_specs=[
            pl.BlockSpec((block_rows, H), lambda i: (i, 0)),
            pl.BlockSpec((H, H), lambda i: (0, 0)),
            pl.BlockSpec((block_rows, H), lambda i: (i, 0)),
        ],
        out_specs=pl.BlockSpec((block_rows, H), lambda i: (i, 0)),
        out_shape=jax.ShapeDtypeStruct((n, H), _F32),
    )(h, w, degp)


def _attention_kernel(qkv, block_q=400):
    n = qkv.shape[0]
    scale = 1.0 / math.sqrt(D_HEAD)

    def body(q_ref, k_ref, v_ref, o_ref):
        q = q_ref[...] * scale
        k = k_ref[...]
        v = v_ref[...]
        head_of_col = lax.broadcasted_iota(jnp.int32, (1, H), 1) // D_HEAD
        acc = jnp.zeros((block_q, H), _F32)
        for hh in range(HEADS):
            qh = jnp.where(head_of_col == hh, q, 0.0)
            s = lax.dot_general(qh, k, (((1,), (1,)), ((), ())),
                                preferred_element_type=_F32)
            e = jnp.exp(s)
            den = jnp.sum(e, axis=1, keepdims=True)
            av = jnp.dot(e, v, preferred_element_type=_F32)
            acc = acc + jnp.where(head_of_col == hh, av / den, 0.0)
        o_ref[...] = acc

    return pl.pallas_call(
        body,
        grid=(n // block_q,),
        in_specs=[
            pl.BlockSpec((block_q, H), lambda i: (i, 0)),
            pl.BlockSpec((n, H), lambda i: (0, 1)),
            pl.BlockSpec((n, H), lambda i: (0, 2)),
        ],
        out_specs=pl.BlockSpec((block_q, H), lambda i: (i, 0)),
        out_shape=jax.ShapeDtypeStruct((n, H), _F32),
    )(qkv, qkv, qkv)


def _bn(v, g, b):
    mu = jnp.mean(v, axis=0, keepdims=True)
    var = jnp.mean((v - mu) * (v - mu), axis=0, keepdims=True)
    return (v - mu) * lax.rsqrt(var + 1e-5) * g + b


def _local_tail_kernel(h, xs, p_all, degp, gcn_b, bn1_g, bn1_b):

    def body(h_ref, xs_ref, p_ref, d_ref, gb_ref, g_ref, b_ref, o_ref):
        deg = 1.0 + d_ref[...][:, 0:1]
        dinv = lax.rsqrt(deg)
        gl = dinv * (p_ref[...] + xs_ref[...]) + gb_ref[...]
        o_ref[...] = _bn(gl + h_ref[...], g_ref[...], b_ref[...])

    return pl.pallas_call(
        body,
        out_shape=jax.ShapeDtypeStruct((N, H), _F32),
    )(h, xs, p_all, degp, gcn_b.reshape(1, H),
      bn1_g.reshape(1, H), bn1_b.reshape(1, H))


def _attn_tail_kernel(h, o, wo, bo, bn2_g, bn2_b):

    def body(h_ref, o_ref, wo_ref, bo_ref, g_ref, b_ref, out_ref):
        att = jnp.dot(o_ref[...], wo_ref[...], preferred_element_type=_F32)
        att = att + bo_ref[...] + h_ref[...]
        out_ref[...] = _bn(att, g_ref[...], b_ref[...])

    return pl.pallas_call(
        body,
        out_shape=jax.ShapeDtypeStruct((N, H), _F32),
    )(h, o, wo, bo.reshape(1, H), bn2_g.reshape(1, H), bn2_b.reshape(1, H))


def _ffn_tail_kernel(h_local, h_attn, w1, b1, w2, b2, bn3_g, bn3_b):
    hid = w1.shape[1]

    def body(hl_ref, ha_ref, w1_ref, b1_ref, w2_ref, b2_ref, g_ref, b_ref,
             out_ref):
        out = hl_ref[...] + ha_ref[...]
        f1 = jnp.maximum(
            jnp.dot(out, w1_ref[...], preferred_element_type=_F32)
            + b1_ref[...], 0.0)
        ff = jnp.dot(f1, w2_ref[...], preferred_element_type=_F32) + b2_ref[...]
        out_ref[...] = jnp.maximum(_bn(out + ff, g_ref[...], b_ref[...]), 0.0)

    return pl.pallas_call(
        body,
        out_shape=jax.ShapeDtypeStruct((N, H), _F32),
    )(h_local, h_attn, w1, b1.reshape(1, hid), w2, b2.reshape(1, H),
      bn3_g.reshape(1, H), bn3_b.reshape(1, H))


def _head_kernel(h, w1, b1, w2, b2):
    hid = w1.shape[1]
    dout = w2.shape[1]

    def body(h_ref, w1_ref, b1_ref, w2_ref, b2_ref, out_ref):
        f1 = jnp.maximum(
            jnp.dot(h_ref[...], w1_ref[...], preferred_element_type=_F32)
            + b1_ref[...], 0.0)
        out_ref[...] = (jnp.dot(f1, w2_ref[...], preferred_element_type=_F32)
                        + b2_ref[...])

    return pl.pallas_call(
        body,
        out_shape=jax.ShapeDtypeStruct((N, dout), _F32),
    )(h, w1, b1.reshape(1, hid), w2, b2.reshape(1, dout))


def _gps_layer(h, srcp, dstloc, degp, p):
    xs = _xs_kernel(h, p['gcn_W'], degp)
    part = _sc_edge_aggregate(xs, srcp, dstloc,
                              jnp.zeros((AGG_ROWS_PER_SUB, H), _F32))
    p_all = jnp.concatenate([part[0, :HALF, :], part[1, :N - HALF, :]], axis=0)

    wqkv = jnp.concatenate([p['Wq'], p['Wk'], p['Wv']], axis=1)
    bqkv = jnp.concatenate([p['bq'], p['bk'], p['bv']])
    qkv = _mm_bias(h, wqkv, bqkv, relu=False)
    o = _attention_kernel(qkv)

    h_local = _local_tail_kernel(h, xs, p_all, degp, p['gcn_b'], p['bn1_g'],
                                 p['bn1_b'])
    h_attn = _attn_tail_kernel(h, o, p['Wo'], p['bo'], p['bn2_g'], p['bn2_b'])
    return _ffn_tail_kernel(h_local, h_attn, p['ff_W1'], p['ff_b1'],
                            p['ff_W2'], p['ff_b2'], p['bn3_g'], p['bn3_b'])


@jax.jit
def _forward_impl(x, edge_index, params):
    src = edge_index[0]
    dst = edge_index[1]
    pad = EPAD - E
    srcp = jnp.concatenate([src, jnp.zeros((pad,), jnp.int32)])
    dstp = jnp.concatenate([dst, jnp.full((pad,), N, jnp.int32)])
    srcp = srcp.reshape(EPAD // CHUNK, CHUNK)
    los = jnp.array([0, HALF], jnp.int32)[:, None]
    dl = dstp[None, :] - los
    dstloc = jnp.where((dl >= 0) & (dl < HALF), dl, HALF).astype(jnp.int32)
    dstloc = dstloc.reshape(SC_CORES, EPAD // CHUNK, CHUNK)

    zeros_ah = jnp.zeros((AGG_ROWS_PER_SUB, H), _F32)
    degp_raw = _sc_edge_count(dstloc, jnp.ones((CHUNK, H), _F32), zeros_ah)
    degp = jnp.concatenate(
        [degp_raw[0, :HALF, :], degp_raw[1, :N - HALF, :]], axis=0)
    h = _mm_bias(x, params['pre_W'], params['pre_b'], relu=True)
    h = _gps_layer(h, srcp, dstloc, degp, params['l1'])
    h = _gps_layer(h, srcp, dstloc, degp, params['l2'])
    return _head_kernel(h, params['head_W1'], params['head_b1'],
                        params['head_W2'], params['head_b2'])


def kernel(x, edge_index, params):
    return _forward_impl(x, edge_index, params)

# --- scband reference (transcript-rebuilt; emitter-appended) ---
"""Pipeline reference for scband-gps-mlp-30528627540348 (READ-ONLY COPY).

The authoritative reference and input builder live on the scoring server;
editing this copy changes nothing except your own understanding.
"""

import jax, jax.numpy as jnp
import numpy as np

N = 10000
E = 160000
D_IN = 128
H = 128
HEADS = 4
D_HEAD = H // HEADS
MLP_HIDDEN = 256
D_OUT = 64


def _glorot(key, shape):
    lim = float(np.sqrt(6.0 / (shape[0] + shape[1])))
    return jax.random.uniform(key, shape, minval=-lim, maxval=lim, dtype=jnp.float32)


def _gps_layer_params(key):
    ks = jax.random.split(key, 8)
    return {
        'gcn_W': _glorot(ks[0], (H, H)), 'gcn_b': jnp.zeros((H,), jnp.float32),
        'Wq': _glorot(ks[1], (H, H)), 'bq': jnp.zeros((H,), jnp.float32),
        'Wk': _glorot(ks[2], (H, H)), 'bk': jnp.zeros((H,), jnp.float32),
        'Wv': _glorot(ks[3], (H, H)), 'bv': jnp.zeros((H,), jnp.float32),
        'Wo': _glorot(ks[4], (H, H)), 'bo': jnp.zeros((H,), jnp.float32),
        'bn1_g': jnp.ones((H,), jnp.float32), 'bn1_b': jnp.zeros((H,), jnp.float32),
        'bn2_g': jnp.ones((H,), jnp.float32), 'bn2_b': jnp.zeros((H,), jnp.float32),
        'bn3_g': jnp.ones((H,), jnp.float32), 'bn3_b': jnp.zeros((H,), jnp.float32),
        'ff_W1': _glorot(ks[5], (H, 2 * H)), 'ff_b1': jnp.zeros((2 * H,), jnp.float32),
        'ff_W2': _glorot(ks[6], (2 * H, H)), 'ff_b2': jnp.zeros((H,), jnp.float32),
    }


def setup_inputs(seed: int = 0):
    key = jax.random.key(seed)
    ks = jax.random.split(key, 8)
    x = jax.random.normal(ks[0], (N, D_IN), dtype=jnp.float32)
    edge_index = jax.random.randint(ks[1], (2, E), 0, N, dtype=jnp.int32)
    params = {
        'pre_W': _glorot(ks[2], (D_IN, H)), 'pre_b': jnp.zeros((H,), jnp.float32),
        'l1': _gps_layer_params(ks[3]),
        'l2': _gps_layer_params(ks[4]),
        'head_W1': _glorot(ks[5], (H, MLP_HIDDEN)), 'head_b1': jnp.zeros((MLP_HIDDEN,), jnp.float32),
        'head_W2': _glorot(ks[6], (MLP_HIDDEN, D_OUT)), 'head_b2': jnp.zeros((D_OUT,), jnp.float32),
    }
    return {'x': x, 'edge_index': edge_index, 'params': params}


def _batch_norm(h, g, b):
    mu = jnp.mean(h, axis=0)
    var = jnp.var(h, axis=0)
    return (h - mu) * jax.lax.rsqrt(var + 1e-5) * g + b


def _gcn_conv(x, src, dst, W, b):
    n = x.shape[0]
    deg = jnp.zeros((n,), jnp.float32).at[dst].add(1.0)
    dinv = jax.lax.rsqrt(jnp.maximum(deg, 1.0))
    norm = dinv[src] * dinv[dst]
    xw = x @ W
    msg = jnp.take(xw, src, axis=0) * norm[:, None]
    out = jnp.zeros_like(xw).at[dst].add(msg)
    return out + b


def _mha(x, p):
    n = x.shape[0]
    q = (x @ p['Wq'] + p['bq']).reshape(n, HEADS, D_HEAD).transpose(1, 0, 2)
    k = (x @ p['Wk'] + p['bk']).reshape(n, HEADS, D_HEAD).transpose(1, 0, 2)
    v = (x @ p['Wv'] + p['bv']).reshape(n, HEADS, D_HEAD).transpose(1, 0, 2)
    scores = jnp.einsum('hnd,hmd->hnm', q, k) / jnp.sqrt(jnp.float32(D_HEAD))
    attn = jax.nn.softmax(scores, axis=-1)
    o = jnp.einsum('hnm,hmd->hnd', attn, v).transpose(1, 0, 2).reshape(n, H)
    return o @ p['Wo'] + p['bo']


def _gps_conv(x, src, dst, p):
    h_local = _gcn_conv(x, src, dst, p['gcn_W'], p['gcn_b'])
    h_local = _batch_norm(h_local + x, p['bn1_g'], p['bn1_b'])
    h_attn = _mha(x, p)
    h_attn = _batch_norm(h_attn + x, p['bn2_g'], p['bn2_b'])
    out = h_local + h_attn
    ff = jax.nn.relu(out @ p['ff_W1'] + p['ff_b1']) @ p['ff_W2'] + p['ff_b2']
    return _batch_norm(out + ff, p['bn3_g'], p['bn3_b'])


def _forward(x, params, edge_index):
    n = x.shape[0]
    loop = jnp.arange(n, dtype=edge_index.dtype)
    src = jnp.concatenate([edge_index[0], loop])
    dst = jnp.concatenate([edge_index[1], loop])
    h = jax.nn.relu(x @ params['pre_W'] + params['pre_b'])
    h = jax.nn.relu(_gps_conv(h, src, dst, params['l1']))
    h = jax.nn.relu(_gps_conv(h, src, dst, params['l2']))
    h = jax.nn.relu(h @ params['head_W1'] + params['head_b1'])
    return h @ params['head_W2'] + params['head_b2']


def reference(x, edge_index, params):
    return _forward(x, params, edge_index)

if __name__ == "__main__":
    import jax
    _d = setup_inputs()
    print(jax.jit(kernel)(*tuple(_d.values())))

</pallas_src>

<mosaic_0001>
#map = affine_map<(d0, d1) -> (0, 0)>
#map1 = affine_map<(d0, d1) -> (0, 0, 0)>
module attributes {stable_mosaic.version = 14 : i64} {
  func.func @agg_kernel(%arg0: i32, %arg1: i32, %arg2: memref<10000x128xf32, #tpu.memory_space<hbm>>, %arg3: memref<1280x128xi32, #tpu.memory_space<hbm>>, %arg4: memref<2x1280x128xi32, #tpu.memory_space<hbm>>, %arg5: memref<328x128xf32, #tpu.memory_space<hbm>>, %arg6: memref<2x5248x128xf32, #tpu.memory_space<hbm>>, %arg7: memref<2x128x128xf32, #tpu.memory_space<vmem>>, %arg8: memref<2x128xi32, #tpu.memory_space<vmem>>, %arg9: memref<2x128xi32, #tpu.memory_space<vmem>>, %arg10: memref<5248x128xf32, #tpu.memory_space<vmem_shared>>, %arg11: memref<!tpu.dma_semaphore, #tpu.memory_space<semaphore_mem>>, %arg12: memref<!tpu.dma_semaphore, #tpu.memory_space<semaphore_mem>>) attributes {dimension_semantics = [#tpu.dimension_semantics<core_parallel>, #tpu.dimension_semantics<subcore_parallel>], iteration_bounds = array<i64: 2, 16>, scalar_prefetch = 0 : i64, scratch_operands = 6 : i64, tpu.core_type = #tpu.core_type<sc_vector_subcore>, window_params = [{transform_indices = #map}, {transform_indices = #map}, {transform_indices = #map1}, {transform_indices = #map}, {transform_indices = #map1}]} {
    %mul3A = arith.constant 328 : i32
    %mul3A_0 = arith.muli %arg1, %mul3A : i32
    "tpu.region"() ({
      %run_scoped3A = tpu.sem_alloc : memref<!tpu.dma_semaphore, #tpu.memory_space<semaphore_mem>>
      %dma_start3A_19 = arith.constant 0 : i32
      %dma_start3A_20 = tpu.memref_slice %arg10[%mul3A_0, %dma_start3A_19] : memref<5248x128xf32, #tpu.memory_space<vmem_shared>> -> memref<328x128xf32, #tpu.memory_space<vmem_shared>>
      tpu.enqueue_dma source(%arg5 : memref<328x128xf32, #tpu.memory_space<hbm>>) target(%dma_start3A_20 : memref<328x128xf32, #tpu.memory_space<vmem_shared>>) target_semaphore(%run_scoped3A : memref<!tpu.dma_semaphore, #tpu.memory_space<semaphore_mem>>)
      %dma_wait3A = arith.constant 0 : i32
      %dma_wait3A_21 = tpu.memref_slice %arg10[%mul3A_0, %dma_wait3A] : memref<5248x128xf32, #tpu.memory_space<vmem_shared>> -> memref<328x128xf32, #tpu.memory_space<vmem_shared>>
      tpu.wait_dma2 semaphore(%run_scoped3A : memref<!tpu.dma_semaphore, #tpu.memory_space<semaphore_mem>>) src(%arg5 : memref<328x128xf32, #tpu.memory_space<hbm>>) dst(%dma_wait3A_21 : memref<328x128xf32, #tpu.memory_space<vmem_shared>>)
      tpu.yield
    }) : () -> ()
    %barrier3A = arith.constant 0 : index
    tpu.barrier barrier_id(%barrier3A)
    %mul3A_1 = arith.constant 80 : i32
    %mul3A_2 = arith.muli %arg1, %mul3A_1 : i32
    "tpu.region"() ({
      %run_scoped3A = tpu.sem_alloc : memref<!tpu.dma_semaphore, #tpu.memory_space<semaphore_mem>>
      %dma_start3A_19 = arith.constant 0 : i32
      %dma_start3A_20 = arith.constant 0 : i32
      %dma_start3A_21 = tpu.memref_slice %arg8[%dma_start3A_19, %dma_start3A_20] : memref<2x128xi32, #tpu.memory_space<vmem>> -> memref<1x128xi32, #tpu.memory_space<vmem>>
      %dma_start3A_22 = arith.constant 0 : i32
      %dma_start3A_23 = tpu.memref_slice %arg3[%mul3A_2, %dma_start3A_22] : memref<1280x128xi32, #tpu.memory_space<hbm>> -> memref<1x128xi32, #tpu.memory_space<hbm>>
      %dma_start3A_24 = arith.constant 0 : i32
      %dma_start3A_25 = arith.constant 0 : i32
      %dma_start3A_26 = tpu.memref_slice %arg8[%dma_start3A_24, %dma_start3A_25] : memref<2x128xi32, #tpu.memory_space<vmem>> -> memref<1x128xi32, #tpu.memory_space<vmem>>
      %dma_start3A_27 = arith.constant 0 : i32
      %dma_start3A_28 = tpu.memref_slice %arg3[%mul3A_2, %dma_start3A_27] : memref<1280x128xi32, #tpu.memory_space<hbm>> -> memref<1x128xi32, #tpu.memory_space<hbm>>
      tpu.enqueue_dma source(%dma_start3A_28 : memref<1x128xi32, #tpu.memory_space<hbm>>) target(%dma_start3A_26 : memref<1x128xi32, #tpu.memory_space<vmem>>) target_semaphore(%run_scoped3A : memref<!tpu.dma_semaphore, #tpu.memory_space<semaphore_mem>>)
      %dma_wait3A = arith.constant 0 : i32
      %dma_wait3A_29 = arith.constant 0 : i32
      %dma_wait3A_30 = tpu.memref_slice %arg8[%dma_wait3A, %dma_wait3A_29] : memref<2x128xi32, #tpu.memory_space<vmem>> -> memref<1x128xi32, #tpu.memory_space<vmem>>
      %dma_wait3A_31 = arith.constant 0 : i32
      %dma_wait3A_32 = tpu.memref_slice %arg3[%mul3A_2, %dma_wait3A_31] : memref<1280x128xi32, #tpu.memory_space<hbm>> -> memref<1x128xi32, #tpu.memory_space<hbm>>
      %dma_wait3A_33 = arith.constant 0 : i32
      %dma_wait3A_34 = arith.constant 0 : i32
      %dma_wait3A_35 = tpu.memref_slice %arg8[%dma_wait3A_33, %dma_wait3A_34] : memref<2x128xi32, #tpu.memory_space<vmem>> -> memref<1x128xi32, #tpu.memory_space<vmem>>
      %dma_wait3A_36 = arith.constant 0 : i32
      %dma_wait3A_37 = tpu.memref_slice %arg3[%mul3A_2, %dma_wait3A_36] : memref<1280x128xi32, #tpu.memory_space<hbm>> -> memref<1x128xi32, #tpu.memory_space<hbm>>
      tpu.wait_dma2 semaphore(%run_scoped3A : memref<!tpu.dma_semaphore, #tpu.memory_space<semaphore_mem>>) src(%dma_wait3A_37 : memref<1x128xi32, #tpu.memory_space<hbm>>) dst(%dma_wait3A_35 : memref<1x128xi32, #tpu.memory_space<vmem>>)
      tpu.yield
    }) : () -> ()
    "tpu.region"() ({
      %run_scoped3A = tpu.sem_alloc : memref<!tpu.dma_semaphore, #tpu.memory_space<semaphore_mem>>
      %dma_start3A_19 = arith.constant 0 : i32
      %dma_start3A_20 = arith.constant 0 : i32
      %dma_start3A_21 = tpu.memref_slice %arg9[%dma_start3A_19, %dma_start3A_20] : memref<2x128xi32, #tpu.memory_space<vmem>> -> memref<1x128xi32, #tpu.memory_space<vmem>>
      %dma_start3A_22 = arith.constant 0 : i32
      %dma_start3A_23 = arith.constant 0 : i32
      %dma_start3A_24 = tpu.memref_slice %arg4[%arg0, %dma_start3A_22, %dma_start3A_23] : memref<2x1280x128xi32, #tpu.memory_space<hbm>> -> memref<1x1280x128xi32, #tpu.memory_space<hbm>>
      %dma_start3A_25 = tpu.memref_squeeze %dma_start3A_24 : memref<1x1280x128xi32, #tpu.memory_space<hbm>> -> memref<1280x128xi32, #tpu.memory_space<hbm>>
      %dma_start3A_26 = arith.constant 0 : i32
      %dma_start3A_27 = tpu.memref_slice %dma_start3A_25[%mul3A_2, %dma_start3A_26] : memref<1280x128xi32, #tpu.memory_space<hbm>> -> memref<1x128xi32, #tpu.memory_space<hbm>>
      %dma_start3A_28 = arith.constant 0 : i32
      %dma_start3A_29 = arith.constant 0 : i32
      %dma_start3A_30 = tpu.memref_slice %arg9[%dma_start3A_28, %dma_start3A_29] : memref<2x128xi32, #tpu.memory_space<vmem>> -> memref<1x128xi32, #tpu.memory_space<vmem>>
      %dma_start3A_31 = arith.constant 0 : i32
      %dma_start3A_32 = arith.constant 0 : i32
      %dma_start3A_33 = tpu.memref_slice %arg4[%arg0, %dma_start3A_31, %dma_start3A_32] : memref<2x1280x128xi32, #tpu.memory_space<hbm>> -> memref<1x1280x128xi32, #tpu.memory_space<hbm>>
      %dma_start3A_34 = tpu.memref_squeeze %dma_start3A_33 : memref<1x1280x128xi32, #tpu.memory_space<hbm>> -> memref<1280x128xi32, #tpu.memory_space<hbm>>
      %dma_start3A_35 = arith.constant 0 : i32
      %dma_start3A_36 = tpu.memref_slice %dma_start3A_34[%mul3A_2, %dma_start3A_35] : memref<1280x128xi32, #tpu.memory_space<hbm>> -> memref<1x128xi32, #tpu.memory_space<hbm>>
      tpu.enqueue_dma source(%dma_start3A_36 : memref<1x128xi32, #tpu.memory_space<hbm>>) target(%dma_start3A_30 : memref<1x128xi32, #tpu.memory_space<vmem>>) target_semaphore(%run_scoped3A : memref<!tpu.dma_semaphore, #tpu.memory_space<semaphore_mem>>)
      %dma_wait3A = arith.constant 0 : i32
      %dma_wait3A_37 = arith.constant 0 : i32
      %dma_wait3A_38 = tpu.memref_slice %arg9[%dma_wait3A, %dma_wait3A_37] : memref<2x128xi32, #tpu.memory_space<vmem>> -> memref<1x128xi32, #tpu.memory_space<vmem>>
      %dma_wait3A_39 = arith.constant 0 : i32
      %dma_wait3A_40 = arith.constant 0 : i32
      %dma_wait3A_41 = tpu.memref_slice %arg4[%arg0, %dma_wait3A_39, %dma_wait3A_40] : memref<2x1280x128xi32, #tpu.memory_space<hbm>> -> memref<1x1280x128xi32, #tpu.memory_space<hbm>>
      %dma_wait3A_42 = tpu.memref_squeeze %dma_wait3A_41 : memref<1x1280x128xi32, #tpu.memory_space<hbm>> -> memref<1280x128xi32, #tpu.memory_space<hbm>>
      %dma_wait3A_43 = arith.constant 0 : i32
      %dma_wait3A_44 = tpu.memref_slice %dma_wait3A_42[%mul3A_2, %dma_wait3A_43] : memref<1280x128xi32, #tpu.memory_space<hbm>> -> memref<1x128xi32, #tpu.memory_space<hbm>>
      %dma_wait3A_45 = arith.constant 0 : i32
      %dma_wait3A_46 = arith.constant 0 : i32
      %dma_wait3A_47 = tpu.memref_slice %arg9[%dma_wait3A_45, %dma_wait3A_46] : memref<2x128xi32, #tpu.memory_space<vmem>> -> memref<1x128xi32, #tpu.memory_space<vmem>>
      %dma_wait3A_48 = arith.constant 0 : i32
      %dma_wait3A_49 = arith.constant 0 : i32
      %dma_wait3A_50 = tpu.memref_slice %arg4[%arg0, %dma_wait3A_48, %dma_wait3A_49] : memref<2x1280x128xi32, #tpu.memory_space<hbm>> -> memref<1x1280x128xi32, #tpu.memory_space<hbm>>
      %dma_wait3A_51 = tpu.memref_squeeze %dma_wait3A_50 : memref<1x1280x128xi32, #tpu.memory_space<hbm>> -> memref<1280x128xi32, #tpu.memory_space<hbm>>
      %dma_wait3A_52 = arith.constant 0 : i32
      %dma_wait3A_53 = tpu.memref_slice %dma_wait3A_51[%mul3A_2, %dma_wait3A_52] : memref<1280x128xi32, #tpu.memory_space<hbm>> -> memref<1x128xi32, #tpu.memory_space<hbm>>
      tpu.wait_dma2 semaphore(%run_scoped3A : memref<!tpu.dma_semaphore, #tpu.memory_space<semaphore_mem>>) src(%dma_wait3A_53 : memref<1x128xi32, #tpu.memory_space<hbm>>) dst(%dma_wait3A_47 : memref<1x128xi32, #tpu.memory_space<vmem>>)
      tpu.yield
    }) : () -> ()
    %dma_start3A = arith.constant 0 : i32
    %dma_start3A_3 = arith.constant 0 : i32
    %dma_start3A_4 = arith.constant 0 : i32
    %dma_start3A_5 = arith.constant 0 : i32
    %dma_start3A_6 = tpu.memref_slice %arg7[%dma_start3A_3, %dma_start3A_4, %dma_start3A_5] : memref<2x128x128xf32, #tpu.memory_space<vmem>> -> memref<1x128x128xf32, #tpu.memory_space<vmem>>
    %dma_start3A_7 = tpu.memref_squeeze %dma_start3A_6 : memref<1x128x128xf32, #tpu.memory_space<vmem>> -> memref<128x128xf32, #tpu.memory_space<vmem>>
    %dma_start3A_8 = arith.constant 0 : i32
    %dma_start3A_9 = tpu.memref_slice %arg8[%dma_start3A, %dma_start3A_8] : memref<2x128xi32, #tpu.memory_space<vmem>> -> memref<1x128xi32, #tpu.memory_space<vmem>>
    %dma_start3A_10 = tpu.memref_squeeze %dma_start3A_9 : memref<1x128xi32, #tpu.memory_space<vmem>> -> memref<128xi32, #tpu.memory_space<vmem>>
    %dma_start3A_11 = arith.constant 0 : i32
    %dma_start3A_12 = arith.constant 0 : i32
    %dma_start3A_13 = tpu.memref_slice %arg2[%dma_start3A_11, %dma_start3A_12] : memref<10000x128xf32, #tpu.memory_space<hbm>> -> memref<10000x128xf32, #tpu.memory_space<hbm>>
    tpu.enqueue_indirect_dma source(%dma_start3A_13 : memref<10000x128xf32, #tpu.memory_space<hbm>>) target(%dma_start3A_7 : memref<128x128xf32, #tpu.memory_space<vmem>>) offsets(%dma_start3A_10 : memref<128xi32, #tpu.memory_space<vmem>>) semaphore(%arg11 : memref<!tpu.dma_semaphore, #tpu.memory_space<semaphore_mem>>)
    %scan3A = arith.constant 0 : i32
    %scan3A_14 = arith.constant 40 : i32
    %scan3A_15 = arith.addi %scan3A, %scan3A_14 : i32
    %scan3A_16 = arith.constant 1 : i32
    scf.for %scan3A_19 = %scan3A to %scan3A_15 step %scan3A_16  : i32 {
      %mul3A_20 = arith.constant 2 : i32
      %mul3A_21 = arith.muli %scan3A_19, %mul3A_20 : i32
      %add3A = arith.constant 0 : i32
      %add3A_22 = arith.addi %add3A, %mul3A_21 : i32
      %add3A_23 = arith.addi %mul3A_2, %add3A_22 : i32
      %add3A_24 = arith.constant 1 : i32
      %add3A_25 = arith.addi %add3A_23, %add3A_24 : i32
      "tpu.region"() ({
        %run_scoped3A_68 = tpu.sem_alloc : memref<!tpu.dma_semaphore, #tpu.memory_space<semaphore_mem>>
        %dma_start3A_69 = arith.constant 1 : i32
        %dma_start3A_70 = arith.constant 0 : i32
        %dma_start3A_71 = tpu.memref_slice %arg8[%dma_start3A_69, %dma_start3A_70] : memref<2x128xi32, #tpu.memory_space<vmem>> -> memref<1x128xi32, #tpu.memory_space<vmem>>
        %dma_start3A_72 = arith.constant 0 : i32
        %dma_start3A_73 = tpu.memref_slice %arg3[%add3A_25, %dma_start3A_72] : memref<1280x128xi32, #tpu.memory_space<hbm>> -> memref<1x128xi32, #tpu.memory_space<hbm>>
        %dma_start3A_74 = arith.constant 1 : i32
        %dma_start3A_75 = arith.constant 0 : i32
        %dma_start3A_76 = tpu.memref_slice %arg8[%dma_start3A_74, %dma_start3A_75] : memref<2x128xi32, #tpu.memory_space<vmem>> -> memref<1x128xi32, #tpu.memory_space<vmem>>
        %dma_start3A_77 = arith.constant 0 : i32
        %dma_start3A_78 = tpu.memref_slice %arg3[%add3A_25, %dma_start3A_77] : memref<1280x128xi32, #tpu.memory_space<hbm>> -> memref<1x128xi32, #tpu.memory_space<hbm>>
        tpu.enqueue_dma source(%dma_start3A_78 : memref<1x128xi32, #tpu.memory_space<hbm>>) target(%dma_start3A_76 : memref<1x128xi32, #tpu.memory_space<vmem>>) target_semaphore(%run_scoped3A_68 : memref<!tpu.dma_semaphore, #tpu.memory_space<semaphore_mem>>)
        %dma_wait3A_79 = arith.constant 1 : i32
        %dma_wait3A_80 = arith.constant 0 : i32
        %dma_wait3A_81 = tpu.memref_slice %arg8[%dma_wait3A_79, %dma_wait3A_80] : memref<2x128xi32, #tpu.memory_space<vmem>> -> memref<1x128xi32, #tpu.memory_space<vmem>>
        %dma_wait3A_82 = arith.constant 0 : i32
        %dma_wait3A_83 = tpu.memref_slice %arg3[%add3A_25, %dma_wait3A_82] : memref<1280x128xi32, #tpu.memory_space<hbm>> -> memref<1x128xi32, #tpu.memory_space<hbm>>
        %dma_wait3A_84 = arith.constant 1 : i32
        %dma_wait3A_85 = arith.constant 0 : i32
        %dma_wait3A_86 = tpu.memref_slice %arg8[%dma_wait3A_84, %dma_wait3A_85] : memref<2x128xi32, #tpu.memory_space<vmem>> -> memref<1x128xi32, #tpu.memory_space<vmem>>
        %dma_wait3A_87 = arith.constant 0 : i32
        %dma_wait3A_88 = tpu.memref_slice %arg3[%add3A_25, %dma_wait3A_87] : memref<1280x128xi32, #tpu.memory_space<hbm>> -> memref<1x128xi32, #tpu.memory_space<hbm>>
        tpu.wait_dma2 semaphore(%run_scoped3A_68 : memref<!tpu.dma_semaphore, #tpu.memory_space<semaphore_mem>>) src(%dma_wait3A_88 : memref<1x128xi32, #tpu.memory_space<hbm>>) dst(%dma_wait3A_86 : memref<1x128xi32, #tpu.memory_space<vmem>>)
        tpu.yield
      }) : () -> ()
      "tpu.region"() ({
        %run_scoped3A_68 = tpu.sem_alloc : memref<!tpu.dma_semaphore, #tpu.memory_space<semaphore_mem>>
        %dma_start3A_69 = arith.constant 1 : i32
        %dma_start3A_70 = arith.constant 0 : i32
        %dma_start3A_71 = tpu.memref_slice %arg9[%dma_start3A_69, %dma_start3A_70] : memref<2x128xi32, #tpu.memory_space<vmem>> -> memref<1x128xi32, #tpu.memory_space<vmem>>
        %dma_start3A_72 = arith.constant 0 : i32
        %dma_start3A_73 = arith.constant 0 : i32
        %dma_start3A_74 = tpu.memref_slice %arg4[%arg0, %dma_start3A_72, %dma_start3A_73] : memref<2x1280x128xi32, #tpu.memory_space<hbm>> -> memref<1x1280x128xi32, #tpu.memory_space<hbm>>
        %dma_start3A_75 = tpu.memref_squeeze %dma_start3A_74 : memref<1x1280x128xi32, #tpu.memory_space<hbm>> -> memref<1280x128xi32, #tpu.memory_space<hbm>>
        %dma_start3A_76 = arith.constant 0 : i32
        %dma_start3A_77 = tpu.memref_slice %dma_start3A_75[%add3A_25, %dma_start3A_76] : memref<1280x128xi32, #tpu.memory_space<hbm>> -> memref<1x128xi32, #tpu.memory_space<hbm>>
        %dma_start3A_78 = arith.constant 1 : i32
        %dma_start3A_79 = arith.constant 0 : i32
        %dma_start3A_80 = tpu.memref_slice %arg9[%dma_start3A_78, %dma_start3A_79] : memref<2x128xi32, #tpu.memory_space<vmem>> -> memref<1x128xi32, #tpu.memory_space<vmem>>
        %dma_start3A_81 = arith.constant 0 : i32
        %dma_start3A_82 = arith.constant 0 : i32
        %dma_start3A_83 = tpu.memref_slice %arg4[%arg0, %dma_start3A_81, %dma_start3A_82] : memref<2x1280x128xi32, #tpu.memory_space<hbm>> -> memref<1x1280x128xi32, #tpu.memory_space<hbm>>
        %dma_start3A_84 = tpu.memref_squeeze %dma_start3A_83 : memref<1x1280x128xi32, #tpu.memory_space<hbm>> -> memref<1280x128xi32, #tpu.memory_space<hbm>>
        %dma_start3A_85 = arith.constant 0 : i32
        %dma_start3A_86 = tpu.memref_slice %dma_start3A_84[%add3A_25, %dma_start3A_85] : memref<1280x128xi32, #tpu.memory_space<hbm>> -> memref<1x128xi32, #tpu.memory_space<hbm>>
        tpu.enqueue_dma source(%dma_start3A_86 : memref<1x128xi32, #tpu.memory_space<hbm>>) target(%dma_start3A_80 : memref<1x128xi32, #tpu.memory_space<vmem>>) target_semaphore(%run_scoped3A_68 : memref<!tpu.dma_semaphore, #tpu.memory_space<semaphore_mem>>)
        %dma_wait3A_87 = arith.constant 1 : i32
        %dma_wait3A_88 = arith.constant 0 : i32
        %dma_wait3A_89 = tpu.memref_slice %arg9[%dma_wait3A_87, %dma_wait3A_88] : memref<2x128xi32, #tpu.memory_space<vmem>> -> memref<1x128xi32, #tpu.memory_space<vmem>>
        %dma_wait3A_90 = arith.constant 0 : i32
        %dma_wait3A_91 = arith.constant 0 : i32
        %dma_wait3A_92 = tpu.memref_slice %arg4[%arg0, %dma_wait3A_90, %dma_wait3A_91] : memref<2x1280x128xi32, #tpu.memory_space<hbm>> -> memref<1x1280x128xi32, #tpu.memory_space<hbm>>
        %dma_wait3A_93 = tpu.memref_squeeze %dma_wait3A_92 : memref<1x1280x128xi32, #tpu.memory_space<hbm>> -> memref<1280x128xi32, #tpu.memory_space<hbm>>
        %dma_wait3A_94 = arith.constant 0 : i32
        %dma_wait3A_95 = tpu.memref_slice %dma_wait3A_93[%add3A_25, %dma_wait3A_94] : memref<1280x128xi32, #tpu.memory_space<hbm>> -> memref<1x128xi32, #tpu.memory_space<hbm>>
        %dma_wait3A_96 = arith.constant 1 : i32
        %dma_wait3A_97 = arith.constant 0 : i32
        %dma_wait3A_98 = tpu.memref_slice %arg9[%dma_wait3A_96, %dma_wait3A_97] : memref<2x128xi32, #tpu.memory_space<vmem>> -> memref<1x128xi32, #tpu.memory_space<vmem>>
        %dma_wait3A_99 = arith.constant 0 : i32
        %dma_wait3A_100 = arith.constant 0 : i32
        %dma_wait3A_101 = tpu.memref_slice %arg4[%arg0, %dma_wait3A_99, %dma_wait3A_100] : memref<2x1280x128xi32, #tpu.memory_space<hbm>> -> memref<1x1280x128xi32, #tpu.memory_space<hbm>>
        %dma_wait3A_102 = tpu.memref_squeeze %dma_wait3A_101 : memref<1x1280x128xi32, #tpu.memory_space<hbm>> -> memref<1280x128xi32, #tpu.memory_space<hbm>>
        %dma_wait3A_103 = arith.constant 0 : i32
        %dma_wait3A_104 = tpu.memref_slice %dma_wait3A_102[%add3A_25, %dma_wait3A_103] : memref<1280x128xi32, #tpu.memory_space<hbm>> -> memref<1x128xi32, #tpu.memory_space<hbm>>
        tpu.wait_dma2 semaphore(%run_scoped3A_68 : memref<!tpu.dma_semaphore, #tpu.memory_space<semaphore_mem>>) src(%dma_wait3A_104 : memref<1x128xi32, #tpu.memory_space<hbm>>) dst(%dma_wait3A_98 : memref<1x128xi32, #tpu.memory_space<vmem>>)
        tpu.yield
      }) : () -> ()
      %dma_start3A_26 = arith.constant 1 : i32
      %dma_start3A_27 = arith.constant 1 : i32
      %dma_start3A_28 = arith.constant 0 : i32
      %dma_start3A_29 = arith.constant 0 : i32
      %dma_start3A_30 = tpu.memref_slice %arg7[%dma_start3A_27, %dma_start3A_28, %dma_start3A_29] : memref<2x128x128xf32, #tpu.memory_space<vmem>> -> memref<1x128x128xf32, #tpu.memory_space<vmem>>
      %dma_start3A_31 = tpu.memref_squeeze %dma_start3A_30 : memref<1x128x128xf32, #tpu.memory_space<vmem>> -> memref<128x128xf32, #tpu.memory_space<vmem>>
      %dma_start3A_32 = arith.constant 0 : i32
      %dma_start3A_33 = tpu.memref_slice %arg8[%dma_start3A_26, %dma_start3A_32] : memref<2x128xi32, #tpu.memory_space<vmem>> -> memref<1x128xi32, #tpu.memory_space<vmem>>
      %dma_start3A_34 = tpu.memref_squeeze %dma_start3A_33 : memref<1x128xi32, #tpu.memory_space<vmem>> -> memref<128xi32, #tpu.memory_space<vmem>>
      %dma_start3A_35 = arith.constant 0 : i32
      %dma_start3A_36 = arith.constant 0 : i32
      %dma_start3A_37 = tpu.memref_slice %arg2[%dma_start3A_35, %dma_start3A_36] : memref<10000x128xf32, #tpu.memory_space<hbm>> -> memref<10000x128xf32, #tpu.memory_space<hbm>>
      tpu.enqueue_indirect_dma source(%dma_start3A_37 : memref<10000x128xf32, #tpu.memory_space<hbm>>) target(%dma_start3A_31 : memref<128x128xf32, #tpu.memory_space<vmem>>) offsets(%dma_start3A_34 : memref<128xi32, #tpu.memory_space<vmem>>) semaphore(%arg12 : memref<!tpu.dma_semaphore, #tpu.memory_space<semaphore_mem>>)
      %dma_wait3A = arith.constant 0 : i32
      %dma_wait3A_38 = arith.constant 0 : i32
      %dma_wait3A_39 = arith.constant 0 : i32
      %dma_wait3A_40 = arith.constant 0 : i32
      %dma_wait3A_41 = tpu.memref_slice %arg7[%dma_wait3A_38, %dma_wait3A_39, %dma_wait3A_40] : memref<2x128x128xf32, #tpu.memory_space<vmem>> -> memref<1x128x128xf32, #tpu.memory_space<vmem>>
      %dma_wait3A_42 = tpu.memref_squeeze %dma_wait3A_41 : memref<1x128x128xf32, #tpu.memory_space<vmem>> -> memref<128x128xf32, #tpu.memory_space<vmem>>
      %dma_wait3A_43 = arith.constant 0 : i32
      %dma_wait3A_44 = tpu.memref_slice %arg8[%dma_wait3A, %dma_wait3A_43] : memref<2x128xi32, #tpu.memory_space<vmem>> -> memref<1x128xi32, #tpu.memory_space<vmem>>
      %dma_wait3A_45 = tpu.memref_squeeze %dma_wait3A_44 : memref<1x128xi32, #tpu.memory_space<vmem>> -> memref<128xi32, #tpu.memory_space<vmem>>
      %dma_wait3A_46 = arith.constant 0 : i32
      %dma_wait3A_47 = arith.constant 0 : i32
      %dma_wait3A_48 = tpu.memref_slice %arg2[%dma_wait3A_46, %dma_wait3A_47] : memref<10000x128xf32, #tpu.memory_space<hbm>> -> memref<10000x128xf32, #tpu.memory_space<hbm>>
      tpu.wait_indirect_dma semaphore(%arg11 : memref<!tpu.dma_semaphore, #tpu.memory_space<semaphore_mem>>) src(%dma_wait3A_48 : memref<10000x128xf32, #tpu.memory_space<hbm>>) dst(%dma_wait3A_42 : memref<128x128xf32, #tpu.memory_space<vmem>>)
      %run_scoped3A = arith.constant 0 : i32
      %run_scoped3A_49 = arith.constant 0 : i32
      "tpu.region"() ({
        %run_scoped3A_68 = tpu.sem_alloc : memref<!tpu.dma_semaphore, #tpu.memory_space<semaphore_mem>>
        %dma_start3A_69 = arith.constant 0 : i32
        %dma_start3A_70 = arith.constant 0 : i32
        %dma_start3A_71 = tpu.memref_slice %arg7[%run_scoped3A, %dma_start3A_69, %dma_start3A_70] : memref<2x128x128xf32, #tpu.memory_space<vmem>> -> memref<1x128x128xf32, #tpu.memory_space<vmem>>
        %dma_start3A_72 = tpu.memref_squeeze %dma_start3A_71 : memref<1x128x128xf32, #tpu.memory_space<vmem>> -> memref<128x128xf32, #tpu.memory_space<vmem>>
        %dma_start3A_73 = arith.constant 0 : i32
        %dma_start3A_74 = tpu.memref_slice %arg9[%run_scoped3A_49, %dma_start3A_73] : memref<2x128xi32, #tpu.memory_space<vmem>> -> memref<1x128xi32, #tpu.memory_space<vmem>>
        %dma_start3A_75 = tpu.memref_squeeze %dma_start3A_74 : memref<1x128xi32, #tpu.memory_space<vmem>> -> memref<128xi32, #tpu.memory_space<vmem>>
        %dma_start3A_76 = arith.constant 0 : i32
        %dma_start3A_77 = arith.constant 0 : i32
        %dma_start3A_78 = tpu.memref_slice %arg10[%dma_start3A_76, %dma_start3A_77] : memref<5248x128xf32, #tpu.memory_space<vmem_shared>> -> memref<5248x128xf32, #tpu.memory_space<vmem_shared>>
        tpu.enqueue_indirect_dma source(%dma_start3A_72 : memref<128x128xf32, #tpu.memory_space<vmem>>) target(%dma_start3A_78 : memref<5248x128xf32, #tpu.memory_space<vmem_shared>>) offsets(%dma_start3A_75 : memref<128xi32, #tpu.memory_space<vmem>>) semaphore(%run_scoped3A_68 : memref<!tpu.dma_semaphore, #tpu.memory_space<semaphore_mem>>) {add = true}
        %dma_wait3A_79 = arith.constant 0 : i32
        %dma_wait3A_80 = arith.constant 0 : i32
        %dma_wait3A_81 = tpu.memref_slice %arg7[%run_scoped3A, %dma_wait3A_79, %dma_wait3A_80] : memref<2x128x128xf32, #tpu.memory_space<vmem>> -> memref<1x128x128xf32, #tpu.memory_space<vmem>>
        %dma_wait3A_82 = tpu.memref_squeeze %dma_wait3A_81 : memref<1x128x128xf32, #tpu.memory_space<vmem>> -> memref<128x128xf32, #tpu.memory_space<vmem>>
        %dma_wait3A_83 = arith.constant 0 : i32
        %dma_wait3A_84 = tpu.memref_slice %arg9[%run_scoped3A_49, %dma_wait3A_83] : memref<2x128xi32, #tpu.memory_space<vmem>> -> memref<1x128xi32, #tpu.memory_space<vmem>>
        %dma_wait3A_85 = tpu.memref_squeeze %dma_wait3A_84 : memref<1x128xi32, #tpu.memory_space<vmem>> -> memref<128xi32, #tpu.memory_space<vmem>>
        %dma_wait3A_86 = arith.constant 0 : i32
        %dma_wait3A_87 = arith.constant 0 : i32
        %dma_wait3A_88 = tpu.memref_slice %arg10[%dma_wait3A_86, %dma_wait3A_87] : memref<5248x128xf32, #tpu.memory_space<vmem_shared>> -> memref<5248x128xf32, #tpu.memory_space<vmem_shared>>
        tpu.wait_indirect_dma semaphore(%run_scoped3A_68 : memref<!tpu.dma_semaphore, #tpu.memory_space<semaphore_mem>>) src(%dma_wait3A_82 : memref<128x128xf32, #tpu.memory_space<vmem>>) dst(%dma_wait3A_88 : memref<5248x128xf32, #tpu.memory_space<vmem_shared>>)
        tpu.yield
      }) : () -> ()
      %add3A_50 = arith.constant 2 : i32
      %add3A_51 = arith.addi %add3A_22, %add3A_50 : i32
      %lt3A = arith.constant 80 : i32
      %lt3A_52 = arith.cmpi slt, %add3A_51, %lt3A : i32
      %convert_element_type3A = arith.extui %lt3A_52 : i1 to i32
      %cond3A = arith.constant 0 : i32
      %cond3A_53 = arith.cmpi ne, %convert_element_type3A, %cond3A : i32
      scf.if %cond3A_53 {
        %add3A_68 = arith.addi %mul3A_2, %add3A_22 : i32
        %add3A_69 = arith.constant 2 : i32
        %add3A_70 = arith.addi %add3A_68, %add3A_69 : i32
        "tpu.region"() ({
          %run_scoped3A_83 = tpu.sem_alloc : memref<!tpu.dma_semaphore, #tpu.memory_space<semaphore_mem>>
          %dma_start3A_84 = arith.constant 0 : i32
          %dma_start3A_85 = arith.constant 0 : i32
          %dma_start3A_86 = tpu.memref_slice %arg8[%dma_start3A_84, %dma_start3A_85] : memref<2x128xi32, #tpu.memory_space<vmem>> -> memref<1x128xi32, #tpu.memory_space<vmem>>
          %dma_start3A_87 = arith.constant 0 : i32
          %dma_start3A_88 = tpu.memref_slice %arg3[%add3A_70, %dma_start3A_87] : memref<1280x128xi32, #tpu.memory_space<hbm>> -> memref<1x128xi32, #tpu.memory_space<hbm>>
          %dma_start3A_89 = arith.constant 0 : i32
          %dma_start3A_90 = arith.constant 0 : i32
          %dma_start3A_91 = tpu.memref_slice %arg8[%dma_start3A_89, %dma_start3A_90] : memref<2x128xi32, #tpu.memory_space<vmem>> -> memref<1x128xi32, #tpu.memory_space<vmem>>
          %dma_start3A_92 = arith.constant 0 : i32
          %dma_start3A_93 = tpu.memref_slice %arg3[%add3A_70, %dma_start3A_92] : memref<1280x128xi32, #tpu.memory_space<hbm>> -> memref<1x128xi32, #tpu.memory_space<hbm>>
          tpu.enqueue_dma source(%dma_start3A_93 : memref<1x128xi32, #tpu.memory_space<hbm>>) target(%dma_start3A_91 : memref<1x128xi32, #tpu.memory_space<vmem>>) target_semaphore(%run_scoped3A_83 : memref<!tpu.dma_semaphore, #tpu.memory_space<semaphore_mem>>)
          %dma_wait3A_94 = arith.constant 0 : i32
          %dma_wait3A_95 = arith.constant 0 : i32
          %dma_wait3A_96 = tpu.memref_slice %arg8[%dma_wait3A_94, %dma_wait3A_95] : memref<2x128xi32, #tpu.memory_space<vmem>> -> memref<1x128xi32, #tpu.memory_space<vmem>>
          %dma_wait3A_97 = arith.constant 0 : i32
          %dma_wait3A_98 = tpu.memref_slice %arg3[%add3A_70, %dma_wait3A_97] : memref<1280x128xi32, #tpu.memory_space<hbm>> -> memref<1x128xi32, #tpu.memory_space<hbm>>
          %dma_wait3A_99 = arith.constant 0 : i32
          %dma_wait3A_100 = arith.constant 0 : i32
          %dma_wait3A_101 = tpu.memref_slice %arg8[%dma_wait3A_99, %dma_wait3A_100] : memref<2x128xi32, #tpu.memory_space<vmem>> -> memref<1x128xi32, #tpu.memory_space<vmem>>
          %dma_wait3A_102 = arith.constant 0 : i32
          %dma_wait3A_103 = tpu.memref_slice %arg3[%add3A_70, %dma_wait3A_102] : memref<1280x128xi32, #tpu.memory_space<hbm>> -> memref<1x128xi32, #tpu.memory_space<hbm>>
          tpu.wait_dma2 semaphore(%run_scoped3A_83 : memref<!tpu.dma_semaphore, #tpu.memory_space<semaphore_mem>>) src(%dma_wait3A_103 : memref<1x128xi32, #tpu.memory_space<hbm>>) dst(%dma_wait3A_101 : memref<1x128xi32, #tpu.memory_space<vmem>>)
          tpu.yield
        }) : () -> ()
        "tpu.region"() ({
          %run_scoped3A_83 = tpu.sem_alloc : memref<!tpu.dma_semaphore, #tpu.memory_space<semaphore_mem>>
          %dma_start3A_84 = arith.constant 0 : i32
          %dma_start3A_85 = arith.constant 0 : i32
          %dma_start3A_86 = tpu.memref_slice %arg9[%dma_start3A_84, %dma_start3A_85] : memref<2x128xi32, #tpu.memory_space<vmem>> -> memref<1x128xi32, #tpu.memory_space<vmem>>
          %dma_start3A_87 = arith.constant 0 : i32
          %dma_start3A_88 = arith.constant 0 : i32
          %dma_start3A_89 = tpu.memref_slice %arg4[%arg0, %dma_start3A_87, %dma_start3A_88] : memref<2x1280x128xi32, #tpu.memory_space<hbm>> -> memref<1x1280x128xi32, #tpu.memory_space<hbm>>
          %dma_start3A_90 = tpu.memref_squeeze %dma_start3A_89 : memref<1x1280x128xi32, #tpu.memory_space<hbm>> -> memref<1280x128xi32, #tpu.memory_space<hbm>>
          %dma_start3A_91 = arith.constant 0 : i32
          %dma_start3A_92 = tpu.memref_slice %dma_start3A_90[%add3A_70, %dma_start3A_91] : memref<1280x128xi32, #tpu.memory_space<hbm>> -> memref<1x128xi32, #tpu.memory_space<hbm>>
          %dma_start3A_93 = arith.constant 0 : i32
          %dma_start3A_94 = arith.constant 0 : i32
          %dma_start3A_95 = tpu.memref_slice %arg9[%dma_start3A_93, %dma_start3A_94] : memref<2x128xi32, #tpu.memory_space<vmem>> -> memref<1x128xi32, #tpu.memory_space<vmem>>
          %dma_start3A_96 = arith.constant 0 : i32
          %dma_start3A_97 = arith.constant 0 : i32
          %dma_start3A_98 = tpu.memref_slice %arg4[%arg0, %dma_start3A_96, %dma_start3A_97] : memref<2x1280x128xi32, #tpu.memory_space<hbm>> -> memref<1x1280x128xi32, #tpu.memory_space<hbm>>
          %dma_start3A_99 = tpu.memref_squeeze %dma_start3A_98 : memref<1x1280x128xi32, #tpu.memory_space<hbm>> -> memref<1280x128xi32, #tpu.memory_space<hbm>>
          %dma_start3A_100 = arith.constant 0 : i32
          %dma_start3A_101 = tpu.memref_slice %dma_start3A_99[%add3A_70, %dma_start3A_100] : memref<1280x128xi32, #tpu.memory_space<hbm>> -> memref<1x128xi32, #tpu.memory_space<hbm>>
          tpu.enqueue_dma source(%dma_start3A_101 : memref<1x128xi32, #tpu.memory_space<hbm>>) target(%dma_start3A_95 : memref<1x128xi32, #tpu.memory_space<vmem>>) target_semaphore(%run_scoped3A_83 : memref<!tpu.dma_semaphore, #tpu.memory_space<semaphore_mem>>)
          %dma_wait3A_102 = arith.constant 0 : i32
          %dma_wait3A_103 = arith.constant 0 : i32
          %dma_wait3A_104 = tpu.memref_slice %arg9[%dma_wait3A_102, %dma_wait3A_103] : memref<2x128xi32, #tpu.memory_space<vmem>> -> memref<1x128xi32, #tpu.memory_space<vmem>>
          %dma_wait3A_105 = arith.constant 0 : i32
          %dma_wait3A_106 = arith.constant 0 : i32
          %dma_wait3A_107 = tpu.memref_slice %arg4[%arg0, %dma_wait3A_105, %dma_wait3A_106] : memref<2x1280x128xi32, #tpu.memory_space<hbm>> -> memref<1x1280x128xi32, #tpu.memory_space<hbm>>
          %dma_wait3A_108 = tpu.memref_squeeze %dma_wait3A_107 : memref<1x1280x128xi32, #tpu.memory_space<hbm>> -> memref<1280x128xi32, #tpu.memory_space<hbm>>
          %dma_wait3A_109 = arith.constant 0 : i32
          %dma_wait3A_110 = tpu.memref_slice %dma_wait3A_108[%add3A_70, %dma_wait3A_109] : memref<1280x128xi32, #tpu.memory_space<hbm>> -> memref<1x128xi32, #tpu.memory_space<hbm>>
          %dma_wait3A_111 = arith.constant 0 : i32
          %dma_wait3A_112 = arith.constant 0 : i32
          %dma_wait3A_113 = tpu.memref_slice %arg9[%dma_wait3A_111, %dma_wait3A_112] : memref<2x128xi32, #tpu.memory_space<vmem>> -> memref<1x128xi32, #tpu.memory_space<vmem>>
          %dma_wait3A_114 = arith.constant 0 : i32
          %dma_wait3A_115 = arith.constant 0 : i32
          %dma_wait3A_116 = tpu.memref_slice %arg4[%arg0, %dma_wait3A_114, %dma_wait3A_115] : memref<2x1280x128xi32, #tpu.memory_space<hbm>> -> memref<1x1280x128xi32, #tpu.memory_space<hbm>>
          %dma_wait3A_117 = tpu.memref_squeeze %dma_wait3A_116 : memref<1x1280x128xi32, #tpu.memory_space<hbm>> -> memref<1280x128xi32, #tpu.memory_space<hbm>>
          %dma_wait3A_118 = arith.constant 0 : i32
          %dma_wait3A_119 = tpu.memref_slice %dma_wait3A_117[%add3A_70, %dma_wait3A_118] : memref<1280x128xi32, #tpu.memory_space<hbm>> -> memref<1x128xi32, #tpu.memory_space<hbm>>
          tpu.wait_dma2 semaphore(%run_scoped3A_83 : memref<!tpu.dma_semaphore, #tpu.memory_space<semaphore_mem>>) src(%dma_wait3A_119 : memref<1x128xi32, #tpu.memory_space<hbm>>) dst(%dma_wait3A_113 : memref<1x128xi32, #tpu.memory_space<vmem>>)
          tpu.yield
        }) : () -> ()
        %dma_start3A_71 = arith.constant 0 : i32
        %dma_start3A_72 = arith.constant 0 : i32
        %dma_start3A_73 = arith.constant 0 : i32
        %dma_start3A_74 = arith.constant 0 : i32
        %dma_start3A_75 = tpu.memref_slice %arg7[%dma_start3A_72, %dma_start3A_73, %dma_start3A_74] : memref<2x128x128xf32, #tpu.memory_space<vmem>> -> memref<1x128x128xf32, #tpu.memory_space<vmem>>
        %dma_start3A_76 = tpu.memref_squeeze %dma_start3A_75 : memref<1x128x128xf32, #tpu.memory_space<vmem>> -> memref<128x128xf32, #tpu.memory_space<vmem>>
        %dma_start3A_77 = arith.constant 0 : i32
        %dma_start3A_78 = tpu.memref_slice %arg8[%dma_start3A_71, %dma_start3A_77] : memref<2x128xi32, #tpu.memory_space<vmem>> -> memref<1x128xi32, #tpu.memory_space<vmem>>
        %dma_start3A_79 = tpu.memref_squeeze %dma_start3A_78 : memref<1x128xi32, #tpu.memory_space<vmem>> -> memref<128xi32, #tpu.memory_space<vmem>>
        %dma_start3A_80 = arith.constant 0 : i32
        %dma_start3A_81 = arith.constant 0 : i32
        %dma_start3A_82 = tpu.memref_slice %arg2[%dma_start3A_80, %dma_start3A_81] : memref<10000x128xf32, #tpu.memory_space<hbm>> -> memref<10000x128xf32, #tpu.memory_space<hbm>>
        tpu.enqueue_indirect_dma source(%dma_start3A_82 : memref<10000x128xf32, #tpu.memory_space<hbm>>) target(%dma_start3A_76 : memref<128x128xf32, #tpu.memory_space<vmem>>) offsets(%dma_start3A_79 : memref<128xi32, #tpu.memory_space<vmem>>) semaphore(%arg11 : memref<!tpu.dma_semaphore, #tpu.memory_space<semaphore_mem>>)
      } else {
      }
      %dma_wait3A_54 = arith.constant 1 : i32
      %dma_wait3A_55 = arith.constant 1 : i32
      %dma_wait3A_56 = arith.constant 0 : i32
      %dma_wait3A_57 = arith.constant 0 : i32
      %dma_wait3A_58 = tpu.memref_slice %arg7[%dma_wait3A_55, %dma_wait3A_56, %dma_wait3A_57] : memref<2x128x128xf32, #tpu.memory_space<vmem>> -> memref<1x128x128xf32, #tpu.memory_space<vmem>>
      %dma_wait3A_59 = tpu.memref_squeeze %dma_wait3A_58 : memref<1x128x128xf32, #tpu.memory_space<vmem>> -> memref<128x128xf32, #tpu.memory_space<vmem>>
      %dma_wait3A_60 = arith.constant 0 : i32
      %dma_wait3A_61 = tpu.memref_slice %arg8[%dma_wait3A_54, %dma_wait3A_60] : memref<2x128xi32, #tpu.memory_space<vmem>> -> memref<1x128xi32, #tpu.memory_space<vmem>>
      %dma_wait3A_62 = tpu.memref_squeeze %dma_wait3A_61 : memref<1x128xi32, #tpu.memory_space<vmem>> -> memref<128xi32, #tpu.memory_space<vmem>>
      %dma_wait3A_63 = arith.constant 0 : i32
      %dma_wait3A_64 = arith.constant 0 : i32
      %dma_wait3A_65 = tpu.memref_slice %arg2[%dma_wait3A_63, %dma_wait3A_64] : memref<10000x128xf32, #tpu.memory_space<hbm>> -> memref<10000x128xf32, #tpu.memory_space<hbm>>
      tpu.wait_indirect_dma semaphore(%arg12 : memref<!tpu.dma_semaphore, #tpu.memory_space<semaphore_mem>>) src(%dma_wait3A_65 : memref<10000x128xf32, #tpu.memory_space<hbm>>) dst(%dma_wait3A_59 : memref<128x128xf32, #tpu.memory_space<vmem>>)
      %run_scoped3A_66 = arith.constant 1 : i32
      %run_scoped3A_67 = arith.constant 1 : i32
      "tpu.region"() ({
        %run_scoped3A_68 = tpu.sem_alloc : memref<!tpu.dma_semaphore, #tpu.memory_space<semaphore_mem>>
        %dma_start3A_69 = arith.constant 0 : i32
        %dma_start3A_70 = arith.constant 0 : i32
        %dma_start3A_71 = tpu.memref_slice %arg7[%run_scoped3A_66, %dma_start3A_69, %dma_start3A_70] : memref<2x128x128xf32, #tpu.memory_space<vmem>> -> memref<1x128x128xf32, #tpu.memory_space<vmem>>
        %dma_start3A_72 = tpu.memref_squeeze %dma_start3A_71 : memref<1x128x128xf32, #tpu.memory_space<vmem>> -> memref<128x128xf32, #tpu.memory_space<vmem>>
        %dma_start3A_73 = arith.constant 0 : i32
        %dma_start3A_74 = tpu.memref_slice %arg9[%run_scoped3A_67, %dma_start3A_73] : memref<2x128xi32, #tpu.memory_space<vmem>> -> memref<1x128xi32, #tpu.memory_space<vmem>>
        %dma_start3A_75 = tpu.memref_squeeze %dma_start3A_74 : memref<1x128xi32, #tpu.memory_space<vmem>> -> memref<128xi32, #tpu.memory_space<vmem>>
        %dma_start3A_76 = arith.constant 0 : i32
        %dma_start3A_77 = arith.constant 0 : i32
        %dma_start3A_78 = tpu.memref_slice %arg10[%dma_start3A_76, %dma_start3A_77] : memref<5248x128xf32, #tpu.memory_space<vmem_shared>> -> memref<5248x128xf32, #tpu.memory_space<vmem_shared>>
        tpu.enqueue_indirect_dma source(%dma_start3A_72 : memref<128x128xf32, #tpu.memory_space<vmem>>) target(%dma_start3A_78 : memref<5248x128xf32, #tpu.memory_space<vmem_shared>>) offsets(%dma_start3A_75 : memref<128xi32, #tpu.memory_space<vmem>>) semaphore(%run_scoped3A_68 : memref<!tpu.dma_semaphore, #tpu.memory_space<semaphore_mem>>) {add = true}
        %dma_wait3A_79 = arith.constant 0 : i32
        %dma_wait3A_80 = arith.constant 0 : i32
        %dma_wait3A_81 = tpu.memref_slice %arg7[%run_scoped3A_66, %dma_wait3A_79, %dma_wait3A_80] : memref<2x128x128xf32, #tpu.memory_space<vmem>> -> memref<1x128x128xf32, #tpu.memory_space<vmem>>
        %dma_wait3A_82 = tpu.memref_squeeze %dma_wait3A_81 : memref<1x128x128xf32, #tpu.memory_space<vmem>> -> memref<128x128xf32, #tpu.memory_space<vmem>>
        %dma_wait3A_83 = arith.constant 0 : i32
        %dma_wait3A_84 = tpu.memref_slice %arg9[%run_scoped3A_67, %dma_wait3A_83] : memref<2x128xi32, #tpu.memory_space<vmem>> -> memref<1x128xi32, #tpu.memory_space<vmem>>
        %dma_wait3A_85 = tpu.memref_squeeze %dma_wait3A_84 : memref<1x128xi32, #tpu.memory_space<vmem>> -> memref<128xi32, #tpu.memory_space<vmem>>
        %dma_wait3A_86 = arith.constant 0 : i32
        %dma_wait3A_87 = arith.constant 0 : i32
        %dma_wait3A_88 = tpu.memref_slice %arg10[%dma_wait3A_86, %dma_wait3A_87] : memref<5248x128xf32, #tpu.memory_space<vmem_shared>> -> memref<5248x128xf32, #tpu.memory_space<vmem_shared>>
        tpu.wait_indirect_dma semaphore(%run_scoped3A_68 : memref<!tpu.dma_semaphore, #tpu.memory_space<semaphore_mem>>) src(%dma_wait3A_82 : memref<128x128xf32, #tpu.memory_space<vmem>>) dst(%dma_wait3A_88 : memref<5248x128xf32, #tpu.memory_space<vmem_shared>>)
        tpu.yield
      }) : () -> ()
    }
    %scan3A_17 = arith.constant 40 : i32
    %barrier3A_18 = arith.constant 0 : index
    tpu.barrier barrier_id(%barrier3A_18)
    "tpu.region"() ({
      %run_scoped3A = tpu.sem_alloc : memref<!tpu.dma_semaphore, #tpu.memory_space<semaphore_mem>>
      %dma_start3A_19 = arith.constant 0 : i32
      %dma_start3A_20 = arith.constant 0 : i32
      %dma_start3A_21 = tpu.memref_slice %arg6[%arg0, %dma_start3A_19, %dma_start3A_20] : memref<2x5248x128xf32, #tpu.memory_space<hbm>> -> memref<1x5248x128xf32, #tpu.memory_space<hbm>>
      %dma_start3A_22 = tpu.memref_squeeze %dma_start3A_21 : memref<1x5248x128xf32, #tpu.memory_space<hbm>> -> memref<5248x128xf32, #tpu.memory_space<hbm>>
      %dma_start3A_23 = arith.constant 0 : i32
      %dma_start3A_24 = tpu.memref_slice %dma_start3A_22[%mul3A_0, %dma_start3A_23] : memref<5248x128xf32, #tpu.memory_space<hbm>> -> memref<328x128xf32, #tpu.memory_space<hbm>>
      %dma_start3A_25 = arith.constant 0 : i32
      %dma_start3A_26 = tpu.memref_slice %arg10[%mul3A_0, %dma_start3A_25] : memref<5248x128xf32, #tpu.memory_space<vmem_shared>> -> memref<328x128xf32, #tpu.memory_space<vmem_shared>>
      tpu.enqueue_dma source(%dma_start3A_26 : memref<328x128xf32, #tpu.memory_space<vmem_shared>>) target(%dma_start3A_24 : memref<328x128xf32, #tpu.memory_space<hbm>>) target_semaphore(%run_scoped3A : memref<!tpu.dma_semaphore, #tpu.memory_space<semaphore_mem>>)
      %dma_wait3A = arith.constant 0 : i32
      %dma_wait3A_27 = arith.constant 0 : i32
      %dma_wait3A_28 = tpu.memref_slice %arg6[%arg0, %dma_wait3A, %dma_wait3A_27] : memref<2x5248x128xf32, #tpu.memory_space<hbm>> -> memref<1x5248x128xf32, #tpu.memory_space<hbm>>
      %dma_wait3A_29 = tpu.memref_squeeze %dma_wait3A_28 : memref<1x5248x128xf32, #tpu.memory_space<hbm>> -> memref<5248x128xf32, #tpu.memory_space<hbm>>
      %dma_wait3A_30 = arith.constant 0 : i32
      %dma_wait3A_31 = tpu.memref_slice %dma_wait3A_29[%mul3A_0, %dma_wait3A_30] : memref<5248x128xf32, #tpu.memory_space<hbm>> -> memref<328x128xf32, #tpu.memory_space<hbm>>
      %dma_wait3A_32 = arith.constant 0 : i32
      %dma_wait3A_33 = tpu.memref_slice %arg10[%mul3A_0, %dma_wait3A_32] : memref<5248x128xf32, #tpu.memory_space<vmem_shared>> -> memref<328x128xf32, #tpu.memory_space<vmem_shared>>
      tpu.wait_dma2 semaphore(%run_scoped3A : memref<!tpu.dma_semaphore, #tpu.memory_space<semaphore_mem>>) src(%dma_wait3A_33 : memref<328x128xf32, #tpu.memory_space<vmem_shared>>) dst(%dma_wait3A_31 : memref<328x128xf32, #tpu.memory_space<hbm>>)
      tpu.yield
    }) : () -> ()
    return
  }
}

#map = affine_map<(d0, d1) -> (0, 0, 0)>
#map1 = affine_map<(d0, d1) -> (0, 0)>
module attributes {stable_mosaic.version = 14 : i64} {
  func.func @count_kernel(%arg0: i32, %arg1: i32, %arg2: memref<2x1280x128xi32, #tpu.memory_space<hbm>>, %arg3: memref<128x128xf32, #tpu.memory_space<hbm>>, %arg4: memref<328x128xf32, #tpu.memory_space<hbm>>, %arg5: memref<2x5248x128xf32, #tpu.memory_space<hbm>>, %arg6: memref<128x128xf32, #tpu.memory_space<vmem>>, %arg7: memref<2x128xi32, #tpu.memory_space<vmem>>, %arg8: memref<5248x128xf32, #tpu.memory_space<vmem_shared>>, %arg9: memref<!tpu.dma_semaphore, #tpu.memory_space<semaphore_mem>>) attributes {dimension_semantics = [#tpu.dimension_semantics<core_parallel>, #tpu.dimension_semantics<subcore_parallel>], iteration_bounds = array<i64: 2, 16>, scalar_prefetch = 0 : i64, scratch_operands = 4 : i64, tpu.core_type = #tpu.core_type<sc_vector_subcore>, window_params = [{transform_indices = #map}, {transform_indices = #map1}, {transform_indices = #map1}, {transform_indices = #map}]} {
    %mul3A = arith.constant 328 : i32
    %mul3A_0 = arith.muli %arg1, %mul3A : i32
    "tpu.region"() ({
      %run_scoped3A = tpu.sem_alloc : memref<!tpu.dma_semaphore, #tpu.memory_space<semaphore_mem>>
      %dma_start3A = arith.constant 0 : i32
      %dma_start3A_8 = tpu.memref_slice %arg8[%mul3A_0, %dma_start3A] : memref<5248x128xf32, #tpu.memory_space<vmem_shared>> -> memref<328x128xf32, #tpu.memory_space<vmem_shared>>
      tpu.enqueue_dma source(%arg4 : memref<328x128xf32, #tpu.memory_space<hbm>>) target(%dma_start3A_8 : memref<328x128xf32, #tpu.memory_space<vmem_shared>>) target_semaphore(%run_scoped3A : memref<!tpu.dma_semaphore, #tpu.memory_space<semaphore_mem>>)
      %dma_wait3A = arith.constant 0 : i32
      %dma_wait3A_9 = tpu.memref_slice %arg8[%mul3A_0, %dma_wait3A] : memref<5248x128xf32, #tpu.memory_space<vmem_shared>> -> memref<328x128xf32, #tpu.memory_space<vmem_shared>>
      tpu.wait_dma2 semaphore(%run_scoped3A : memref<!tpu.dma_semaphore, #tpu.memory_space<semaphore_mem>>) src(%arg4 : memref<328x128xf32, #tpu.memory_space<hbm>>) dst(%dma_wait3A_9 : memref<328x128xf32, #tpu.memory_space<vmem_shared>>)
      tpu.yield
    }) : () -> ()
    "tpu.region"() ({
      %run_scoped3A = tpu.sem_alloc : memref<!tpu.dma_semaphore, #tpu.memory_space<semaphore_mem>>
      tpu.enqueue_dma source(%arg3 : memref<128x128xf32, #tpu.memory_space<hbm>>) target(%arg6 : memref<128x128xf32, #tpu.memory_space<vmem>>) target_semaphore(%run_scoped3A : memref<!tpu.dma_semaphore, #tpu.memory_space<semaphore_mem>>)
      tpu.wait_dma2 semaphore(%run_scoped3A : memref<!tpu.dma_semaphore, #tpu.memory_space<semaphore_mem>>) src(%arg3 : memref<128x128xf32, #tpu.memory_space<hbm>>) dst(%arg6 : memref<128x128xf32, #tpu.memory_space<vmem>>)
      tpu.yield
    }) : () -> ()
    %barrier3A = arith.constant 0 : index
    tpu.barrier barrier_id(%barrier3A)
    %mul3A_1 = arith.constant 80 : i32
    %mul3A_2 = arith.muli %arg1, %mul3A_1 : i32
    "tpu.region"() ({
      %run_scoped3A = tpu.sem_alloc : memref<!tpu.dma_semaphore, #tpu.memory_space<semaphore_mem>>
      %dma_start3A = arith.constant 0 : i32
      %dma_start3A_8 = arith.constant 0 : i32
      %dma_start3A_9 = tpu.memref_slice %arg7[%dma_start3A, %dma_start3A_8] : memref<2x128xi32, #tpu.memory_space<vmem>> -> memref<1x128xi32, #tpu.memory_space<vmem>>
      %dma_start3A_10 = arith.constant 0 : i32
      %dma_start3A_11 = arith.constant 0 : i32
      %dma_start3A_12 = tpu.memref_slice %arg2[%arg0, %dma_start3A_10, %dma_start3A_11] : memref<2x1280x128xi32, #tpu.memory_space<hbm>> -> memref<1x1280x128xi32, #tpu.memory_space<hbm>>
      %dma_start3A_13 = tpu.memref_squeeze %dma_start3A_12 : memref<1x1280x128xi32, #tpu.memory_space<hbm>> -> memref<1280x128xi32, #tpu.memory_space<hbm>>
      %dma_start3A_14 = arith.constant 0 : i32
      %dma_start3A_15 = tpu.memref_slice %dma_start3A_13[%mul3A_2, %dma_start3A_14] : memref<1280x128xi32, #tpu.memory_space<hbm>> -> memref<1x128xi32, #tpu.memory_space<hbm>>
      %dma_start3A_16 = arith.constant 0 : i32
      %dma_start3A_17 = arith.constant 0 : i32
      %dma_start3A_18 = tpu.memref_slice %arg7[%dma_start3A_16, %dma_start3A_17] : memref<2x128xi32, #tpu.memory_space<vmem>> -> memref<1x128xi32, #tpu.memory_space<vmem>>
      %dma_start3A_19 = arith.constant 0 : i32
      %dma_start3A_20 = arith.constant 0 : i32
      %dma_start3A_21 = tpu.memref_slice %arg2[%arg0, %dma_start3A_19, %dma_start3A_20] : memref<2x1280x128xi32, #tpu.memory_space<hbm>> -> memref<1x1280x128xi32, #tpu.memory_space<hbm>>
      %dma_start3A_22 = tpu.memref_squeeze %dma_start3A_21 : memref<1x1280x128xi32, #tpu.memory_space<hbm>> -> memref<1280x128xi32, #tpu.memory_space<hbm>>
      %dma_start3A_23 = arith.constant 0 : i32
      %dma_start3A_24 = tpu.memref_slice %dma_start3A_22[%mul3A_2, %dma_start3A_23] : memref<1280x128xi32, #tpu.memory_space<hbm>> -> memref<1x128xi32, #tpu.memory_space<hbm>>
      tpu.enqueue_dma source(%dma_start3A_24 : memref<1x128xi32, #tpu.memory_space<hbm>>) target(%dma_start3A_18 : memref<1x128xi32, #tpu.memory_space<vmem>>) target_semaphore(%run_scoped3A : memref<!tpu.dma_semaphore, #tpu.memory_space<semaphore_mem>>)
      %dma_wait3A = arith.constant 0 : i32
      %dma_wait3A_25 = arith.constant 0 : i32
      %dma_wait3A_26 = tpu.memref_slice %arg7[%dma_wait3A, %dma_wait3A_25] : memref<2x128xi32, #tpu.memory_space<vmem>> -> memref<1x128xi32, #tpu.memory_space<vmem>>
      %dma_wait3A_27 = arith.constant 0 : i32
      %dma_wait3A_28 = arith.constant 0 : i32
      %dma_wait3A_29 = tpu.memref_slice %arg2[%arg0, %dma_wait3A_27, %dma_wait3A_28] : memref<2x1280x128xi32, #tpu.memory_space<hbm>> -> memref<1x1280x128xi32, #tpu.memory_space<hbm>>
      %dma_wait3A_30 = tpu.memref_squeeze %dma_wait3A_29 : memref<1x1280x128xi32, #tpu.memory_space<hbm>> -> memref<1280x128xi32, #tpu.memory_space<hbm>>
      %dma_wait3A_31 = arith.constant 0 : i32
      %dma_wait3A_32 = tpu.memref_slice %dma_wait3A_30[%mul3A_2, %dma_wait3A_31] : memref<1280x128xi32, #tpu.memory_space<hbm>> -> memref<1x128xi32, #tpu.memory_space<hbm>>
      %dma_wait3A_33 = arith.constant 0 : i32
      %dma_wait3A_34 = arith.constant 0 : i32
      %dma_wait3A_35 = tpu.memref_slice %arg7[%dma_wait3A_33, %dma_wait3A_34] : memref<2x128xi32, #tpu.memory_space<vmem>> -> memref<1x128xi32, #tpu.memory_space<vmem>>
      %dma_wait3A_36 = arith.constant 0 : i32
      %dma_wait3A_37 = arith.constant 0 : i32
      %dma_wait3A_38 = tpu.memref_slice %arg2[%arg0, %dma_wait3A_36, %dma_wait3A_37] : memref<2x1280x128xi32, #tpu.memory_space<hbm>> -> memref<1x1280x128xi32, #tpu.memory_space<hbm>>
      %dma_wait3A_39 = tpu.memref_squeeze %dma_wait3A_38 : memref<1x1280x128xi32, #tpu.memory_space<hbm>> -> memref<1280x128xi32, #tpu.memory_space<hbm>>
      %dma_wait3A_40 = arith.constant 0 : i32
      %dma_wait3A_41 = tpu.memref_slice %dma_wait3A_39[%mul3A_2, %dma_wait3A_40] : memref<1280x128xi32, #tpu.memory_space<hbm>> -> memref<1x128xi32, #tpu.memory_space<hbm>>
      tpu.wait_dma2 semaphore(%run_scoped3A : memref<!tpu.dma_semaphore, #tpu.memory_space<semaphore_mem>>) src(%dma_wait3A_41 : memref<1x128xi32, #tpu.memory_space<hbm>>) dst(%dma_wait3A_35 : memref<1x128xi32, #tpu.memory_space<vmem>>)
      tpu.yield
    }) : () -> ()
    %scan3A = arith.constant 0 : i32
    %scan3A_3 = arith.constant 40 : i32
    %scan3A_4 = arith.addi %scan3A, %scan3A_3 : i32
    %scan3A_5 = arith.constant 1 : i32
    scf.for %scan3A_8 = %scan3A to %scan3A_4 step %scan3A_5  : i32 {
      %mul3A_9 = arith.constant 2 : i32
      %mul3A_10 = arith.muli %scan3A_8, %mul3A_9 : i32
      %add3A = arith.constant 0 : i32
      %add3A_11 = arith.addi %add3A, %mul3A_10 : i32
      %add3A_12 = arith.addi %mul3A_2, %add3A_11 : i32
      %add3A_13 = arith.constant 1 : i32
      %add3A_14 = arith.addi %add3A_12, %add3A_13 : i32
      "tpu.region"() ({
        %run_scoped3A_20 = tpu.sem_alloc : memref<!tpu.dma_semaphore, #tpu.memory_space<semaphore_mem>>
        %dma_start3A = arith.constant 1 : i32
        %dma_start3A_21 = arith.constant 0 : i32
        %dma_start3A_22 = tpu.memref_slice %arg7[%dma_start3A, %dma_start3A_21] : memref<2x128xi32, #tpu.memory_space<vmem>> -> memref<1x128xi32, #tpu.memory_space<vmem>>
        %dma_start3A_23 = arith.constant 0 : i32
        %dma_start3A_24 = arith.constant 0 : i32
        %dma_start3A_25 = tpu.memref_slice %arg2[%arg0, %dma_start3A_23, %dma_start3A_24] : memref<2x1280x128xi32, #tpu.memory_space<hbm>> -> memref<1x1280x128xi32, #tpu.memory_space<hbm>>
        %dma_start3A_26 = tpu.memref_squeeze %dma_start3A_25 : memref<1x1280x128xi32, #tpu.memory_space<hbm>> -> memref<1280x128xi32, #tpu.memory_space<hbm>>
        %dma_start3A_27 = arith.constant 0 : i32
        %dma_start3A_28 = tpu.memref_slice %dma_start3A_26[%add3A_14, %dma_start3A_27] : memref<1280x128xi32, #tpu.memory_space<hbm>> -> memref<1x128xi32, #tpu.memory_space<hbm>>
        %dma_start3A_29 = arith.constant 1 : i32
        %dma_start3A_30 = arith.constant 0 : i32
        %dma_start3A_31 = tpu.memref_slice %arg7[%dma_start3A_29, %dma_start3A_30] : memref<2x128xi32, #tpu.memory_space<vmem>> -> memref<1x128xi32, #tpu.memory_space<vmem>>
        %dma_start3A_32 = arith.constant 0 : i32
        %dma_start3A_33 = arith.constant 0 : i32
        %dma_start3A_34 = tpu.memref_slice %arg2[%arg0, %dma_start3A_32, %dma_start3A_33] : memref<2x1280x128xi32, #tpu.memory_space<hbm>> -> memref<1x1280x128xi32, #tpu.memory_space<hbm>>
        %dma_start3A_35 = tpu.memref_squeeze %dma_start3A_34 : memref<1x1280x128xi32, #tpu.memory_space<hbm>> -> memref<1280x128xi32, #tpu.memory_space<hbm>>
        %dma_start3A_36 = arith.constant 0 : i32
        %dma_start3A_37 = tpu.memref_slice %dma_start3A_35[%add3A_14, %dma_start3A_36] : memref<1280x128xi32, #tpu.memory_space<hbm>> -> memref<1x128xi32, #tpu.memory_space<hbm>>
        tpu.enqueue_dma source(%dma_start3A_37 : memref<1x128xi32, #tpu.memory_space<hbm>>) target(%dma_start3A_31 : memref<1x128xi32, #tpu.memory_space<vmem>>) target_semaphore(%run_scoped3A_20 : memref<!tpu.dma_semaphore, #tpu.memory_space<semaphore_mem>>)
        %dma_wait3A = arith.constant 1 : i32
        %dma_wait3A_38 = arith.constant 0 : i32
        %dma_wait3A_39 = tpu.memref_slice %arg7[%dma_wait3A, %dma_wait3A_38] : memref<2x128xi32, #tpu.memory_space<vmem>> -> memref<1x128xi32, #tpu.memory_space<vmem>>
        %dma_wait3A_40 = arith.constant 0 : i32
        %dma_wait3A_41 = arith.constant 0 : i32
        %dma_wait3A_42 = tpu.memref_slice %arg2[%arg0, %dma_wait3A_40, %dma_wait3A_41] : memref<2x1280x128xi32, #tpu.memory_space<hbm>> -> memref<1x1280x128xi32, #tpu.memory_space<hbm>>
        %dma_wait3A_43 = tpu.memref_squeeze %dma_wait3A_42 : memref<1x1280x128xi32, #tpu.memory_space<hbm>> -> memref<1280x128xi32, #tpu.memory_space<hbm>>
        %dma_wait3A_44 = arith.constant 0 : i32
        %dma_wait3A_45 = tpu.memref_slice %dma_wait3A_43[%add3A_14, %dma_wait3A_44] : memref<1280x128xi32, #tpu.memory_space<hbm>> -> memref<1x128xi32, #tpu.memory_space<hbm>>
        %dma_wait3A_46 = arith.constant 1 : i32
        %dma_wait3A_47 = arith.constant 0 : i32
        %dma_wait3A_48 = tpu.memref_slice %arg7[%dma_wait3A_46, %dma_wait3A_47] : memref<2x128xi32, #tpu.memory_space<vmem>> -> memref<1x128xi32, #tpu.memory_space<vmem>>
        %dma_wait3A_49 = arith.constant 0 : i32
        %dma_wait3A_50 = arith.constant 0 : i32
        %dma_wait3A_51 = tpu.memref_slice %arg2[%arg0, %dma_wait3A_49, %dma_wait3A_50] : memref<2x1280x128xi32, #tpu.memory_space<hbm>> -> memref<1x1280x128xi32, #tpu.memory_space<hbm>>
        %dma_wait3A_52 = tpu.memref_squeeze %dma_wait3A_51 : memref<1x1280x128xi32, #tpu.memory_space<hbm>> -> memref<1280x128xi32, #tpu.memory_space<hbm>>
        %dma_wait3A_53 = arith.constant 0 : i32
        %dma_wait3A_54 = tpu.memref_slice %dma_wait3A_52[%add3A_14, %dma_wait3A_53] : memref<1280x128xi32, #tpu.memory_space<hbm>> -> memref<1x128xi32, #tpu.memory_space<hbm>>
        tpu.wait_dma2 semaphore(%run_scoped3A_20 : memref<!tpu.dma_semaphore, #tpu.memory_space<semaphore_mem>>) src(%dma_wait3A_54 : memref<1x128xi32, #tpu.memory_space<hbm>>) dst(%dma_wait3A_48 : memref<1x128xi32, #tpu.memory_space<vmem>>)
        tpu.yield
      }) : () -> ()
      %run_scoped3A = arith.constant 0 : i32
      "tpu.region"() ({
        %run_scoped3A_20 = tpu.sem_alloc : memref<!tpu.dma_semaphore, #tpu.memory_space<semaphore_mem>>
        %dma_start3A = arith.constant 0 : i32
        %dma_start3A_21 = tpu.memref_slice %arg7[%run_scoped3A, %dma_start3A] : memref<2x128xi32, #tpu.memory_space<vmem>> -> memref<1x128xi32, #tpu.memory_space<vmem>>
        %dma_start3A_22 = tpu.memref_squeeze %dma_start3A_21 : memref<1x128xi32, #tpu.memory_space<vmem>> -> memref<128xi32, #tpu.memory_space<vmem>>
        %dma_start3A_23 = arith.constant 0 : i32
        %dma_start3A_24 = arith.constant 0 : i32
        %dma_start3A_25 = tpu.memref_slice %arg8[%dma_start3A_23, %dma_start3A_24] : memref<5248x128xf32, #tpu.memory_space<vmem_shared>> -> memref<5248x128xf32, #tpu.memory_space<vmem_shared>>
        tpu.enqueue_indirect_dma source(%arg6 : memref<128x128xf32, #tpu.memory_space<vmem>>) target(%dma_start3A_25 : memref<5248x128xf32, #tpu.memory_space<vmem_shared>>) offsets(%dma_start3A_22 : memref<128xi32, #tpu.memory_space<vmem>>) semaphore(%run_scoped3A_20 : memref<!tpu.dma_semaphore, #tpu.memory_space<semaphore_mem>>) {add = true}
        %dma_wait3A = arith.constant 0 : i32
        %dma_wait3A_26 = tpu.memref_slice %arg7[%run_scoped3A, %dma_wait3A] : memref<2x128xi32, #tpu.memory_space<vmem>> -> memref<1x128xi32, #tpu.memory_space<vmem>>
        %dma_wait3A_27 = tpu.memref_squeeze %dma_wait3A_26 : memref<1x128xi32, #tpu.memory_space<vmem>> -> memref<128xi32, #tpu.memory_space<vmem>>
        %dma_wait3A_28 = arith.constant 0 : i32
        %dma_wait3A_29 = arith.constant 0 : i32
        %dma_wait3A_30 = tpu.memref_slice %arg8[%dma_wait3A_28, %dma_wait3A_29] : memref<5248x128xf32, #tpu.memory_space<vmem_shared>> -> memref<5248x128xf32, #tpu.memory_space<vmem_shared>>
        tpu.wait_indirect_dma semaphore(%run_scoped3A_20 : memref<!tpu.dma_semaphore, #tpu.memory_space<semaphore_mem>>) src(%arg6 : memref<128x128xf32, #tpu.memory_space<vmem>>) dst(%dma_wait3A_30 : memref<5248x128xf32, #tpu.memory_space<vmem_shared>>)
        tpu.yield
      }) : () -> ()
      %add3A_15 = arith.constant 2 : i32
      %add3A_16 = arith.addi %add3A_11, %add3A_15 : i32
      %lt3A = arith.constant 80 : i32
      %lt3A_17 = arith.cmpi slt, %add3A_16, %lt3A : i32
      %convert_element_type3A = arith.extui %lt3A_17 : i1 to i32
      %cond3A = arith.constant 0 : i32
      %cond3A_18 = arith.cmpi ne, %convert_element_type3A, %cond3A : i32
      scf.if %cond3A_18 {
        %add3A_20 = arith.addi %mul3A_2, %add3A_11 : i32
        %add3A_21 = arith.constant 2 : i32
        %add3A_22 = arith.addi %add3A_20, %add3A_21 : i32
        "tpu.region"() ({
          %run_scoped3A_23 = tpu.sem_alloc : memref<!tpu.dma_semaphore, #tpu.memory_space<semaphore_mem>>
          %dma_start3A = arith.constant 0 : i32
          %dma_start3A_24 = arith.constant 0 : i32
          %dma_start3A_25 = tpu.memref_slice %arg7[%dma_start3A, %dma_start3A_24] : memref<2x128xi32, #tpu.memory_space<vmem>> -> memref<1x128xi32, #tpu.memory_space<vmem>>
          %dma_start3A_26 = arith.constant 0 : i32
          %dma_start3A_27 = arith.constant 0 : i32
          %dma_start3A_28 = tpu.memref_slice %arg2[%arg0, %dma_start3A_26, %dma_start3A_27] : memref<2x1280x128xi32, #tpu.memory_space<hbm>> -> memref<1x1280x128xi32, #tpu.memory_space<hbm>>
          %dma_start3A_29 = tpu.memref_squeeze %dma_start3A_28 : memref<1x1280x128xi32, #tpu.memory_space<hbm>> -> memref<1280x128xi32, #tpu.memory_space<hbm>>
          %dma_start3A_30 = arith.constant 0 : i32
          %dma_start3A_31 = tpu.memref_slice %dma_start3A_29[%add3A_22, %dma_start3A_30] : memref<1280x128xi32, #tpu.memory_space<hbm>> -> memref<1x128xi32, #tpu.memory_space<hbm>>
          %dma_start3A_32 = arith.constant 0 : i32
          %dma_start3A_33 = arith.constant 0 : i32
          %dma_start3A_34 = tpu.memref_slice %arg7[%dma_start3A_32, %dma_start3A_33] : memref<2x128xi32, #tpu.memory_space<vmem>> -> memref<1x128xi32, #tpu.memory_space<vmem>>
          %dma_start3A_35 = arith.constant 0 : i32
          %dma_start3A_36 = arith.constant 0 : i32
          %dma_start3A_37 = tpu.memref_slice %arg2[%arg0, %dma_start3A_35, %dma_start3A_36] : memref<2x1280x128xi32, #tpu.memory_space<hbm>> -> memref<1x1280x128xi32, #tpu.memory_space<hbm>>
          %dma_start3A_38 = tpu.memref_squeeze %dma_start3A_37 : memref<1x1280x128xi32, #tpu.memory_space<hbm>> -> memref<1280x128xi32, #tpu.memory_space<hbm>>
          %dma_start3A_39 = arith.constant 0 : i32
          %dma_start3A_40 = tpu.memref_slice %dma_start3A_38[%add3A_22, %dma_start3A_39] : memref<1280x128xi32, #tpu.memory_space<hbm>> -> memref<1x128xi32, #tpu.memory_space<hbm>>
          tpu.enqueue_dma source(%dma_start3A_40 : memref<1x128xi32, #tpu.memory_space<hbm>>) target(%dma_start3A_34 : memref<1x128xi32, #tpu.memory_space<vmem>>) target_semaphore(%run_scoped3A_23 : memref<!tpu.dma_semaphore, #tpu.memory_space<semaphore_mem>>)
          %dma_wait3A = arith.constant 0 : i32
          %dma_wait3A_41 = arith.constant 0 : i32
          %dma_wait3A_42 = tpu.memref_slice %arg7[%dma_wait3A, %dma_wait3A_41] : memref<2x128xi32, #tpu.memory_space<vmem>> -> memref<1x128xi32, #tpu.memory_space<vmem>>
          %dma_wait3A_43 = arith.constant 0 : i32
          %dma_wait3A_44 = arith.constant 0 : i32
          %dma_wait3A_45 = tpu.memref_slice %arg2[%arg0, %dma_wait3A_43, %dma_wait3A_44] : memref<2x1280x128xi32, #tpu.memory_space<hbm>> -> memref<1x1280x128xi32, #tpu.memory_space<hbm>>
          %dma_wait3A_46 = tpu.memref_squeeze %dma_wait3A_45 : memref<1x1280x128xi32, #tpu.memory_space<hbm>> -> memref<1280x128xi32, #tpu.memory_space<hbm>>
          %dma_wait3A_47 = arith.constant 0 : i32
          %dma_wait3A_48 = tpu.memref_slice %dma_wait3A_46[%add3A_22, %dma_wait3A_47] : memref<1280x128xi32, #tpu.memory_space<hbm>> -> memref<1x128xi32, #tpu.memory_space<hbm>>
          %dma_wait3A_49 = arith.constant 0 : i32
          %dma_wait3A_50 = arith.constant 0 : i32
          %dma_wait3A_51 = tpu.memref_slice %arg7[%dma_wait3A_49, %dma_wait3A_50] : memref<2x128xi32, #tpu.memory_space<vmem>> -> memref<1x128xi32, #tpu.memory_space<vmem>>
          %dma_wait3A_52 = arith.constant 0 : i32
          %dma_wait3A_53 = arith.constant 0 : i32
          %dma_wait3A_54 = tpu.memref_slice %arg2[%arg0, %dma_wait3A_52, %dma_wait3A_53] : memref<2x1280x128xi32, #tpu.memory_space<hbm>> -> memref<1x1280x128xi32, #tpu.memory_space<hbm>>
          %dma_wait3A_55 = tpu.memref_squeeze %dma_wait3A_54 : memref<1x1280x128xi32, #tpu.memory_space<hbm>> -> memref<1280x128xi32, #tpu.memory_space<hbm>>
          %dma_wait3A_56 = arith.constant 0 : i32
          %dma_wait3A_57 = tpu.memref_slice %dma_wait3A_55[%add3A_22, %dma_wait3A_56] : memref<1280x128xi32, #tpu.memory_space<hbm>> -> memref<1x128xi32, #tpu.memory_space<hbm>>
          tpu.wait_dma2 semaphore(%run_scoped3A_23 : memref<!tpu.dma_semaphore, #tpu.memory_space<semaphore_mem>>) src(%dma_wait3A_57 : memref<1x128xi32, #tpu.memory_space<hbm>>) dst(%dma_wait3A_51 : memref<1x128xi32, #tpu.memory_space<vmem>>)
          tpu.yield
        }) : () -> ()
      } else {
      }
      %run_scoped3A_19 = arith.constant 1 : i32
      "tpu.region"() ({
        %run_scoped3A_20 = tpu.sem_alloc : memref<!tpu.dma_semaphore, #tpu.memory_space<semaphore_mem>>
        %dma_start3A = arith.constant 0 : i32
        %dma_start3A_21 = tpu.memref_slice %arg7[%run_scoped3A_19, %dma_start3A] : memref<2x128xi32, #tpu.memory_space<vmem>> -> memref<1x128xi32, #tpu.memory_space<vmem>>
        %dma_start3A_22 = tpu.memref_squeeze %dma_start3A_21 : memref<1x128xi32, #tpu.memory_space<vmem>> -> memref<128xi32, #tpu.memory_space<vmem>>
        %dma_start3A_23 = arith.constant 0 : i32
        %dma_start3A_24 = arith.constant 0 : i32
        %dma_start3A_25 = tpu.memref_slice %arg8[%dma_start3A_23, %dma_start3A_24] : memref<5248x128xf32, #tpu.memory_space<vmem_shared>> -> memref<5248x128xf32, #tpu.memory_space<vmem_shared>>
        tpu.enqueue_indirect_dma source(%arg6 : memref<128x128xf32, #tpu.memory_space<vmem>>) target(%dma_start3A_25 : memref<5248x128xf32, #tpu.memory_space<vmem_shared>>) offsets(%dma_start3A_22 : memref<128xi32, #tpu.memory_space<vmem>>) semaphore(%run_scoped3A_20 : memref<!tpu.dma_semaphore, #tpu.memory_space<semaphore_mem>>) {add = true}
        %dma_wait3A = arith.constant 0 : i32
        %dma_wait3A_26 = tpu.memref_slice %arg7[%run_scoped3A_19, %dma_wait3A] : memref<2x128xi32, #tpu.memory_space<vmem>> -> memref<1x128xi32, #tpu.memory_space<vmem>>
        %dma_wait3A_27 = tpu.memref_squeeze %dma_wait3A_26 : memref<1x128xi32, #tpu.memory_space<vmem>> -> memref<128xi32, #tpu.memory_space<vmem>>
        %dma_wait3A_28 = arith.constant 0 : i32
        %dma_wait3A_29 = arith.constant 0 : i32
        %dma_wait3A_30 = tpu.memref_slice %arg8[%dma_wait3A_28, %dma_wait3A_29] : memref<5248x128xf32, #tpu.memory_space<vmem_shared>> -> memref<5248x128xf32, #tpu.memory_space<vmem_shared>>
        tpu.wait_indirect_dma semaphore(%run_scoped3A_20 : memref<!tpu.dma_semaphore, #tpu.memory_space<semaphore_mem>>) src(%arg6 : memref<128x128xf32, #tpu.memory_space<vmem>>) dst(%dma_wait3A_30 : memref<5248x128xf32, #tpu.memory_space<vmem_shared>>)
        tpu.yield
      }) : () -> ()
    }
    %scan3A_6 = arith.constant 40 : i32
    %barrier3A_7 = arith.constant 0 : index
    tpu.barrier barrier_id(%barrier3A_7)
    "tpu.region"() ({
      %run_scoped3A = tpu.sem_alloc : memref<!tpu.dma_semaphore, #tpu.memory_space<semaphore_mem>>
      %dma_start3A = arith.constant 0 : i32
      %dma_start3A_8 = arith.constant 0 : i32
      %dma_start3A_9 = tpu.memref_slice %arg5[%arg0, %dma_start3A, %dma_start3A_8] : memref<2x5248x128xf32, #tpu.memory_space<hbm>> -> memref<1x5248x128xf32, #tpu.memory_space<hbm>>
      %dma_start3A_10 = tpu.memref_squeeze %dma_start3A_9 : memref<1x5248x128xf32, #tpu.memory_space<hbm>> -> memref<5248x128xf32, #tpu.memory_space<hbm>>
      %dma_start3A_11 = arith.constant 0 : i32
      %dma_start3A_12 = tpu.memref_slice %dma_start3A_10[%mul3A_0, %dma_start3A_11] : memref<5248x128xf32, #tpu.memory_space<hbm>> -> memref<328x128xf32, #tpu.memory_space<hbm>>
      %dma_start3A_13 = arith.constant 0 : i32
      %dma_start3A_14 = tpu.memref_slice %arg8[%mul3A_0, %dma_start3A_13] : memref<5248x128xf32, #tpu.memory_space<vmem_shared>> -> memref<328x128xf32, #tpu.memory_space<vmem_shared>>
      tpu.enqueue_dma source(%dma_start3A_14 : memref<328x128xf32, #tpu.memory_space<vmem_shared>>) target(%dma_start3A_12 : memref<328x128xf32, #tpu.memory_space<hbm>>) target_semaphore(%run_scoped3A : memref<!tpu.dma_semaphore, #tpu.memory_space<semaphore_mem>>)
      %dma_wait3A = arith.constant 0 : i32
      %dma_wait3A_15 = arith.constant 0 : i32
      %dma_wait3A_16 = tpu.memref_slice %arg5[%arg0, %dma_wait3A, %dma_wait3A_15] : memref<2x5248x128xf32, #tpu.memory_space<hbm>> -> memref<1x5248x128xf32, #tpu.memory_space<hbm>>
      %dma_wait3A_17 = tpu.memref_squeeze %dma_wait3A_16 : memref<1x5248x128xf32, #tpu.memory_space<hbm>> -> memref<5248x128xf32, #tpu.memory_space<hbm>>
      %dma_wait3A_18 = arith.constant 0 : i32
      %dma_wait3A_19 = tpu.memref_slice %dma_wait3A_17[%mul3A_0, %dma_wait3A_18] : memref<5248x128xf32, #tpu.memory_space<hbm>> -> memref<328x128xf32, #tpu.memory_space<hbm>>
      %dma_wait3A_20 = arith.constant 0 : i32
      %dma_wait3A_21 = tpu.memref_slice %arg8[%mul3A_0, %dma_wait3A_20] : memref<5248x128xf32, #tpu.memory_space<vmem_shared>> -> memref<328x128xf32, #tpu.memory_space<vmem_shared>>
      tpu.wait_dma2 semaphore(%run_scoped3A : memref<!tpu.dma_semaphore, #tpu.memory_space<semaphore_mem>>) src(%dma_wait3A_21 : memref<328x128xf32, #tpu.memory_space<vmem_shared>>) dst(%dma_wait3A_19 : memref<328x128xf32, #tpu.memory_space<hbm>>)
      tpu.yield
    }) : () -> ()
    return
  }
}

#map = affine_map<(d0, d1) -> (0, 0)>
#map1 = affine_map<(d0, d1) -> (0, 0, 0)>
module attributes {stable_mosaic.version = 14 : i64} {
  func.func @agg_kernel(%arg0: i32, %arg1: i32, %arg2: memref<10000x128xf32, #tpu.memory_space<hbm>>, %arg3: memref<1280x128xi32, #tpu.memory_space<hbm>>, %arg4: memref<2x1280x128xi32, #tpu.memory_space<hbm>>, %arg5: memref<328x128xf32, #tpu.memory_space<hbm>>, %arg6: memref<2x5248x128xf32, #tpu.memory_space<hbm>>, %arg7: memref<2x128x128xf32, #tpu.memory_space<vmem>>, %arg8: memref<2x128xi32, #tpu.memory_space<vmem>>, %arg9: memref<2x128xi32, #tpu.memory_space<vmem>>, %arg10: memref<5248x128xf32, #tpu.memory_space<vmem_shared>>, %arg11: memref<!tpu.dma_semaphore, #tpu.memory_space<semaphore_mem>>, %arg12: memref<!tpu.dma_semaphore, #tpu.memory_space<semaphore_mem>>) attributes {dimension_semantics = [#tpu.dimension_semantics<core_parallel>, #tpu.dimension_semantics<subcore_parallel>], iteration_bounds = array<i64: 2, 16>, scalar_prefetch = 0 : i64, scratch_operands = 6 : i64, tpu.core_type = #tpu.core_type<sc_vector_subcore>, window_params = [{transform_indices = #map}, {transform_indices = #map}, {transform_indices = #map1}, {transform_indices = #map}, {transform_indices = #map1}]} {
    %mul3A = arith.constant 328 : i32
    %mul3A_0 = arith.muli %arg1, %mul3A : i32
    "tpu.region"() ({
      %run_scoped3A = tpu.sem_alloc : memref<!tpu.dma_semaphore, #tpu.memory_space<semaphore_mem>>
      %dma_start3A_19 = arith.constant 0 : i32
      %dma_start3A_20 = tpu.memref_slice %arg10[%mul3A_0, %dma_start3A_19] : memref<5248x128xf32, #tpu.memory_space<vmem_shared>> -> memref<328x128xf32, #tpu.memory_space<vmem_shared>>
      tpu.enqueue_dma source(%arg5 : memref<328x128xf32, #tpu.memory_space<hbm>>) target(%dma_start3A_20 : memref<328x128xf32, #tpu.memory_space<vmem_shared>>) target_semaphore(%run_scoped3A : memref<!tpu.dma_semaphore, #tpu.memory_space<semaphore_mem>>)
      %dma_wait3A = arith.constant 0 : i32
      %dma_wait3A_21 = tpu.memref_slice %arg10[%mul3A_0, %dma_wait3A] : memref<5248x128xf32, #tpu.memory_space<vmem_shared>> -> memref<328x128xf32, #tpu.memory_space<vmem_shared>>
      tpu.wait_dma2 semaphore(%run_scoped3A : memref<!tpu.dma_semaphore, #tpu.memory_space<semaphore_mem>>) src(%arg5 : memref<328x128xf32, #tpu.memory_space<hbm>>) dst(%dma_wait3A_21 : memref<328x128xf32, #tpu.memory_space<vmem_shared>>)
      tpu.yield
    }) : () -> ()
    %barrier3A = arith.constant 0 : index
    tpu.barrier barrier_id(%barrier3A)
    %mul3A_1 = arith.constant 80 : i32
    %mul3A_2 = arith.muli %arg1, %mul3A_1 : i32
    "tpu.region"() ({
      %run_scoped3A = tpu.sem_alloc : memref<!tpu.dma_semaphore, #tpu.memory_space<semaphore_mem>>
      %dma_start3A_19 = arith.constant 0 : i32
      %dma_start3A_20 = arith.constant 0 : i32
      %dma_start3A_21 = tpu.memref_slice %arg8[%dma_start3A_19, %dma_start3A_20] : memref<2x128xi32, #tpu.memory_space<vmem>> -> memref<1x128xi32, #tpu.memory_space<vmem>>
      %dma_start3A_22 = arith.constant 0 : i32
      %dma_start3A_23 = tpu.memref_slice %arg3[%mul3A_2, %dma_start3A_22] : memref<1280x128xi32, #tpu.memory_space<hbm>> -> memref<1x128xi32, #tpu.memory_space<hbm>>
      %dma_start3A_24 = arith.constant 0 : i32
      %dma_start3A_25 = arith.constant 0 : i32
      %dma_start3A_26 = tpu.memref_slice %arg8[%dma_start3A_24, %dma_start3A_25] : memref<2x128xi32, #tpu.memory_space<vmem>> -> memref<1x128xi32, #tpu.memory_space<vmem>>
      %dma_start3A_27 = arith.constant 0 : i32
      %dma_start3A_28 = tpu.memref_slice %arg3[%mul3A_2, %dma_start3A_27] : memref<1280x128xi32, #tpu.memory_space<hbm>> -> memref<1x128xi32, #tpu.memory_space<hbm>>
      tpu.enqueue_dma source(%dma_start3A_28 : memref<1x128xi32, #tpu.memory_space<hbm>>) target(%dma_start3A_26 : memref<1x128xi32, #tpu.memory_space<vmem>>) target_semaphore(%run_scoped3A : memref<!tpu.dma_semaphore, #tpu.memory_space<semaphore_mem>>)
      %dma_wait3A = arith.constant 0 : i32
      %dma_wait3A_29 = arith.constant 0 : i32
      %dma_wait3A_30 = tpu.memref_slice %arg8[%dma_wait3A, %dma_wait3A_29] : memref<2x128xi32, #tpu.memory_space<vmem>> -> memref<1x128xi32, #tpu.memory_space<vmem>>
      %dma_wait3A_31 = arith.constant 0 : i32
      %dma_wait3A_32 = tpu.memref_slice %arg3[%mul3A_2, %dma_wait3A_31] : memref<1280x128xi32, #tpu.memory_space<hbm>> -> memref<1x128xi32, #tpu.memory_space<hbm>>
      %dma_wait3A_33 = arith.constant 0 : i32
      %dma_wait3A_34 = arith.constant 0 : i32
      %dma_wait3A_35 = tpu.memref_slice %arg8[%dma_wait3A_33, %dma_wait3A_34] : memref<2x128xi32, #tpu.memory_space<vmem>> -> memref<1x128xi32, #tpu.memory_space<vmem>>
      %dma_wait3A_36 = arith.constant 0 : i32
      %dma_wait3A_37 = tpu.memref_slice %arg3[%mul3A_2, %dma_wait3A_36] : memref<1280x128xi32, #tpu.memory_space<hbm>> -> memref<1x128xi32, #tpu.memory_space<hbm>>
      tpu.wait_dma2 semaphore(%run_scoped3A : memref<!tpu.dma_semaphore, #tpu.memory_space<semaphore_mem>>) src(%dma_wait3A_37 : memref<1x128xi32, #tpu.memory_space<hbm>>) dst(%dma_wait3A_35 : memref<1x128xi32, #tpu.memory_space<vmem>>)
      tpu.yield
    }) : () -> ()
    "tpu.region"() ({
      %run_scoped3A = tpu.sem_alloc : memref<!tpu.dma_semaphore, #tpu.memory_space<semaphore_mem>>
      %dma_start3A_19 = arith.constant 0 : i32
      %dma_start3A_20 = arith.constant 0 : i32
      %dma_start3A_21 = tpu.memref_slice %arg9[%dma_start3A_19, %dma_start3A_20] : memref<2x128xi32, #tpu.memory_space<vmem>> -> memref<1x128xi32, #tpu.memory_space<vmem>>
      %dma_start3A_22 = arith.constant 0 : i32
      %dma_start3A_23 = arith.constant 0 : i32
      %dma_start3A_24 = tpu.memref_slice %arg4[%arg0, %dma_start3A_22, %dma_start3A_23] : memref<2x1280x128xi32, #tpu.memory_space<hbm>> -> memref<1x1280x128xi32, #tpu.memory_space<hbm>>
      %dma_start3A_25 = tpu.memref_squeeze %dma_start3A_24 : memref<1x1280x128xi32, #tpu.memory_space<hbm>> -> memref<1280x128xi32, #tpu.memory_space<hbm>>
      %dma_start3A_26 = arith.constant 0 : i32
      %dma_start3A_27 = tpu.memref_slice %dma_start3A_25[%mul3A_2, %dma_start3A_26] : memref<1280x128xi32, #tpu.memory_space<hbm>> -> memref<1x128xi32, #tpu.memory_space<hbm>>
      %dma_start3A_28 = arith.constant 0 : i32
      %dma_start3A_29 = arith.constant 0 : i32
      %dma_start3A_30 = tpu.memref_slice %arg9[%dma_start3A_28, %dma_start3A_29] : memref<2x128xi32, #tpu.memory_space<vmem>> -> memref<1x128xi32, #tpu.memory_space<vmem>>
      %dma_start3A_31 = arith.constant 0 : i32
      %dma_start3A_32 = arith.constant 0 : i32
      %dma_start3A_33 = tpu.memref_slice %arg4[%arg0, %dma_start3A_31, %dma_start3A_32] : memref<2x1280x128xi32, #tpu.memory_space<hbm>> -> memref<1x1280x128xi32, #tpu.memory_space<hbm>>
      %dma_start3A_34 = tpu.memref_squeeze %dma_start3A_33 : memref<1x1280x128xi32, #tpu.memory_space<hbm>> -> memref<1280x128xi32, #tpu.memory_space<hbm>>
      %dma_start3A_35 = arith.constant 0 : i32
      %dma_start3A_36 = tpu.memref_slice %dma_start3A_34[%mul3A_2, %dma_start3A_35] : memref<1280x128xi32, #tpu.memory_space<hbm>> -> memref<1x128xi32, #tpu.memory_space<hbm>>
      tpu.enqueue_dma source(%dma_start3A_36 : memref<1x128xi32, #tpu.memory_space<hbm>>) target(%dma_start3A_30 : memref<1x128xi32, #tpu.memory_space<vmem>>) target_semaphore(%run_scoped3A : memref<!tpu.dma_semaphore, #tpu.memory_space<semaphore_mem>>)
      %dma_wait3A = arith.constant 0 : i32
      %dma_wait3A_37 = arith.constant 0 : i32
      %dma_wait3A_38 = tpu.memref_slice %arg9[%dma_wait3A, %dma_wait3A_37] : memref<2x128xi32, #tpu.memory_space<vmem>> -> memref<1x128xi32, #tpu.memory_space<vmem>>
      %dma_wait3A_39 = arith.constant 0 : i32
      %dma_wait3A_40 = arith.constant 0 : i32
      %dma_wait3A_41 = tpu.memref_slice %arg4[%arg0, %dma_wait3A_39, %dma_wait3A_40] : memref<2x1280x128xi32, #tpu.memory_space<hbm>> -> memref<1x1280x128xi32, #tpu.memory_space<hbm>>
      %dma_wait3A_42 = tpu.memref_squeeze %dma_wait3A_41 : memref<1x1280x128xi32, #tpu.memory_space<hbm>> -> memref<1280x128xi32, #tpu.memory_space<hbm>>
      %dma_wait3A_43 = arith.constant 0 : i32
      %dma_wait3A_44 = tpu.memref_slice %dma_wait3A_42[%mul3A_2, %dma_wait3A_43] : memref<1280x128xi32, #tpu.memory_space<hbm>> -> memref<1x128xi32, #tpu.memory_space<hbm>>
      %dma_wait3A_45 = arith.constant 0 : i32
      %dma_wait3A_46 = arith.constant 0 : i32
      %dma_wait3A_47 = tpu.memref_slice %arg9[%dma_wait3A_45, %dma_wait3A_46] : memref<2x128xi32, #tpu.memory_space<vmem>> -> memref<1x128xi32, #tpu.memory_space<vmem>>
      %dma_wait3A_48 = arith.constant 0 : i32
      %dma_wait3A_49 = arith.constant 0 : i32
      %dma_wait3A_50 = tpu.memref_slice %arg4[%arg0, %dma_wait3A_48, %dma_wait3A_49] : memref<2x1280x128xi32, #tpu.memory_space<hbm>> -> memref<1x1280x128xi32, #tpu.memory_space<hbm>>
      %dma_wait3A_51 = tpu.memref_squeeze %dma_wait3A_50 : memref<1x1280x128xi32, #tpu.memory_space<hbm>> -> memref<1280x128xi32, #tpu.memory_space<hbm>>
      %dma_wait3A_52 = arith.constant 0 : i32
      %dma_wait3A_53 = tpu.memref_slice %dma_wait3A_51[%mul3A_2, %dma_wait3A_52] : memref<1280x128xi32, #tpu.memory_space<hbm>> -> memref<1x128xi32, #tpu.memory_space<hbm>>
      tpu.wait_dma2 semaphore(%run_scoped3A : memref<!tpu.dma_semaphore, #tpu.memory_space<semaphore_mem>>) src(%dma_wait3A_53 : memref<1x128xi32, #tpu.memory_space<hbm>>) dst(%dma_wait3A_47 : memref<1x128xi32, #tpu.memory_space<vmem>>)
      tpu.yield
    }) : () -> ()
    %dma_start3A = arith.constant 0 : i32
    %dma_start3A_3 = arith.constant 0 : i32
    %dma_start3A_4 = arith.constant 0 : i32
    %dma_start3A_5 = arith.constant 0 : i32
    %dma_start3A_6 = tpu.memref_slice %arg7[%dma_start3A_3, %dma_start3A_4, %dma_start3A_5] : memref<2x128x128xf32, #tpu.memory_space<vmem>> -> memref<1x128x128xf32, #tpu.memory_space<vmem>>
    %dma_start3A_7 = tpu.memref_squeeze %dma_start3A_6 : memref<1x128x128xf32, #tpu.memory_space<vmem>> -> memref<128x128xf32, #tpu.memory_space<vmem>>
    %dma_start3A_8 = arith.constant 0 : i32
    %dma_start3A_9 = tpu.memref_slice %arg8[%dma_start3A, %dma_start3A_8] : memref<2x128xi32, #tpu.memory_space<vmem>> -> memref<1x128xi32, #tpu.memory_space<vmem>>
    %dma_start3A_10 = tpu.memref_squeeze %dma_start3A_9 : memref<1x128xi32, #tpu.memory_space<vmem>> -> memref<128xi32, #tpu.memory_space<vmem>>
    %dma_start3A_11 = arith.constant 0 : i32
    %dma_start3A_12 = arith.constant 0 : i32
    %dma_start3A_13 = tpu.memref_slice %arg2[%dma_start3A_11, %dma_start3A_12] : memref<10000x128xf32, #tpu.memory_space<hbm>> -> memref<10000x128xf32, #tpu.memory_space<hbm>>
    tpu.enqueue_indirect_dma source(%dma_start3A_13 : memref<10000x128xf32, #tpu.memory_space<hbm>>) target(%dma_start3A_7 : memref<128x128xf32, #tpu.memory_space<vmem>>) offsets(%dma_start3A_10 : memref<128xi32, #tpu.memory_space<vmem>>) semaphore(%arg11 : memref<!tpu.dma_semaphore, #tpu.memory_space<semaphore_mem>>)
    %scan3A = arith.constant 0 : i32
    %scan3A_14 = arith.constant 40 : i32
    %scan3A_15 = arith.addi %scan3A, %scan3A_14 : i32
    %scan3A_16 = arith.constant 1 : i32
    scf.for %scan3A_19 = %scan3A to %scan3A_15 step %scan3A_16  : i32 {
      %mul3A_20 = arith.constant 2 : i32
      %mul3A_21 = arith.muli %scan3A_19, %mul3A_20 : i32
      %add3A = arith.constant 0 : i32
      %add3A_22 = arith.addi %add3A, %mul3A_21 : i32
      %add3A_23 = arith.addi %mul3A_2, %add3A_22 : i32
      %add3A_24 = arith.constant 1 : i32
      %add3A_25 = arith.addi %add3A_23, %add3A_24 : i32
      "tpu.region"() ({
        %run_scoped3A_68 = tpu.sem_alloc : memref<!tpu.dma_semaphore, #tpu.memory_space<semaphore_mem>>
        %dma_start3A_69 = arith.constant 1 : i32
        %dma_start3A_70 = arith.constant 0 : i32
        %dma_start3A_71 = tpu.memref_slice %arg8[%dma_start3A_69, %dma_start3A_70] : memref<2x128xi32, #tpu.memory_space<vmem>> -> memref<1x128xi32, #tpu.memory_space<vmem>>
        %dma_start3A_72 = arith.constant 0 : i32
        %dma_start3A_73 = tpu.memref_slice %arg3[%add3A_25, %dma_start3A_72] : memref<1280x128xi32, #tpu.memory_space<hbm>> -> memref<1x128xi32, #tpu.memory_space<hbm>>
        %dma_start3A_74 = arith.constant 1 : i32
        %dma_start3A_75 = arith.constant 0 : i32
        %dma_start3A_76 = tpu.memref_slice %arg8[%dma_start3A_74, %dma_start3A_75] : memref<2x128xi32, #tpu.memory_space<vmem>> -> memref<1x128xi32, #tpu.memory_space<vmem>>
        %dma_start3A_77 = arith.constant 0 : i32
        %dma_start3A_78 = tpu.memref_slice %arg3[%add3A_25, %dma_start3A_77] : memref<1280x128xi32, #tpu.memory_space<hbm>> -> memref<1x128xi32, #tpu.memory_space<hbm>>
        tpu.enqueue_dma source(%dma_start3A_78 : memref<1x128xi32, #tpu.memory_space<hbm>>) target(%dma_start3A_76 : memref<1x128xi32, #tpu.memory_space<vmem>>) target_semaphore(%run_scoped3A_68 : memref<!tpu.dma_semaphore, #tpu.memory_space<semaphore_mem>>)
        %dma_wait3A_79 = arith.constant 1 : i32
        %dma_wait3A_80 = arith.constant 0 : i32
        %dma_wait3A_81 = tpu.memref_slice %arg8[%dma_wait3A_79, %dma_wait3A_80] : memref<2x128xi32, #tpu.memory_space<vmem>> -> memref<1x128xi32, #tpu.memory_space<vmem>>
        %dma_wait3A_82 = arith.constant 0 : i32
        %dma_wait3A_83 = tpu.memref_slice %arg3[%add3A_25, %dma_wait3A_82] : memref<1280x128xi32, #tpu.memory_space<hbm>> -> memref<1x128xi32, #tpu.memory_space<hbm>>
        %dma_wait3A_84 = arith.constant 1 : i32
        %dma_wait3A_85 = arith.constant 0 : i32
        %dma_wait3A_86 = tpu.memref_slice %arg8[%dma_wait3A_84, %dma_wait3A_85] : memref<2x128xi32, #tpu.memory_space<vmem>> -> memref<1x128xi32, #tpu.memory_space<vmem>>
        %dma_wait3A_87 = arith.constant 0 : i32
        %dma_wait3A_88 = tpu.memref_slice %arg3[%add3A_25, %dma_wait3A_87] : memref<1280x128xi32, #tpu.memory_space<hbm>> -> memref<1x128xi32, #tpu.memory_space<hbm>>
        tpu.wait_dma2 semaphore(%run_scoped3A_68 : memref<!tpu.dma_semaphore, #tpu.memory_space<semaphore_mem>>) src(%dma_wait3A_88 : memref<1x128xi32, #tpu.memory_space<hbm>>) dst(%dma_wait3A_86 : memref<1x128xi32, #tpu.memory_space<vmem>>)
        tpu.yield
      }) : () -> ()
      "tpu.region"() ({
        %run_scoped3A_68 = tpu.sem_alloc : memref<!tpu.dma_semaphore, #tpu.memory_space<semaphore_mem>>
        %dma_start3A_69 = arith.constant 1 : i32
        %dma_start3A_70 = arith.constant 0 : i32
        %dma_start3A_71 = tpu.memref_slice %arg9[%dma_start3A_69, %dma_start3A_70] : memref<2x128xi32, #tpu.memory_space<vmem>> -> memref<1x128xi32, #tpu.memory_space<vmem>>
        %dma_start3A_72 = arith.constant 0 : i32
        %dma_start3A_73 = arith.constant 0 : i32
        %dma_start3A_74 = tpu.memref_slice %arg4[%arg0, %dma_start3A_72, %dma_start3A_73] : memref<2x1280x128xi32, #tpu.memory_space<hbm>> -> memref<1x1280x128xi32, #tpu.memory_space<hbm>>
        %dma_start3A_75 = tpu.memref_squeeze %dma_start3A_74 : memref<1x1280x128xi32, #tpu.memory_space<hbm>> -> memref<1280x128xi32, #tpu.memory_space<hbm>>
        %dma_start3A_76 = arith.constant 0 : i32
        %dma_start3A_77 = tpu.memref_slice %dma_start3A_75[%add3A_25, %dma_start3A_76] : memref<1280x128xi32, #tpu.memory_space<hbm>> -> memref<1x128xi32, #tpu.memory_space<hbm>>
        %dma_start3A_78 = arith.constant 1 : i32
        %dma_start3A_79 = arith.constant 0 : i32
        %dma_start3A_80 = tpu.memref_slice %arg9[%dma_start3A_78, %dma_start3A_79] : memref<2x128xi32, #tpu.memory_space<vmem>> -> memref<1x128xi32, #tpu.memory_space<vmem>>
        %dma_start3A_81 = arith.constant 0 : i32
        %dma_start3A_82 = arith.constant 0 : i32
        %dma_start3A_83 = tpu.memref_slice %arg4[%arg0, %dma_start3A_81, %dma_start3A_82] : memref<2x1280x128xi32, #tpu.memory_space<hbm>> -> memref<1x1280x128xi32, #tpu.memory_space<hbm>>
        %dma_start3A_84 = tpu.memref_squeeze %dma_start3A_83 : memref<1x1280x128xi32, #tpu.memory_space<hbm>> -> memref<1280x128xi32, #tpu.memory_space<hbm>>
        %dma_start3A_85 = arith.constant 0 : i32
        %dma_start3A_86 = tpu.memref_slice %dma_start3A_84[%add3A_25, %dma_start3A_85] : memref<1280x128xi32, #tpu.memory_space<hbm>> -> memref<1x128xi32, #tpu.memory_space<hbm>>
        tpu.enqueue_dma source(%dma_start3A_86 : memref<1x128xi32, #tpu.memory_space<hbm>>) target(%dma_start3A_80 : memref<1x128xi32, #tpu.memory_space<vmem>>) target_semaphore(%run_scoped3A_68 : memref<!tpu.dma_semaphore, #tpu.memory_space<semaphore_mem>>)
        %dma_wait3A_87 = arith.constant 1 : i32
        %dma_wait3A_88 = arith.constant 0 : i32
        %dma_wait3A_89 = tpu.memref_slice %arg9[%dma_wait3A_87, %dma_wait3A_88] : memref<2x128xi32, #tpu.memory_space<vmem>> -> memref<1x128xi32, #tpu.memory_space<vmem>>
        %dma_wait3A_90 = arith.constant 0 : i32
        %dma_wait3A_91 = arith.constant 0 : i32
        %dma_wait3A_92 = tpu.memref_slice %arg4[%arg0, %dma_wait3A_90, %dma_wait3A_91] : memref<2x1280x128xi32, #tpu.memory_space<hbm>> -> memref<1x1280x128xi32, #tpu.memory_space<hbm>>
        %dma_wait3A_93 = tpu.memref_squeeze %dma_wait3A_92 : memref<1x1280x128xi32, #tpu.memory_space<hbm>> -> memref<1280x128xi32, #tpu.memory_space<hbm>>
        %dma_wait3A_94 = arith.constant 0 : i32
        %dma_wait3A_95 = tpu.memref_slice %dma_wait3A_93[%add3A_25, %dma_wait3A_94] : memref<1280x128xi32, #tpu.memory_space<hbm>> -> memref<1x128xi32, #tpu.memory_space<hbm>>
        %dma_wait3A_96 = arith.constant 1 : i32
        %dma_wait3A_97 = arith.constant 0 : i32
        %dma_wait3A_98 = tpu.memref_slice %arg9[%dma_wait3A_96, %dma_wait3A_97] : memref<2x128xi32, #tpu.memory_space<vmem>> -> memref<1x128xi32, #tpu.memory_space<vmem>>
        %dma_wait3A_99 = arith.constant 0 : i32
        %dma_wait3A_100 = arith.constant 0 : i32
        %dma_wait3A_101 = tpu.memref_slice %arg4[%arg0, %dma_wait3A_99, %dma_wait3A_100] : memref<2x1280x128xi32, #tpu.memory_space<hbm>> -> memref<1x1280x128xi32, #tpu.memory_space<hbm>>
        %dma_wait3A_102 = tpu.memref_squeeze %dma_wait3A_101 : memref<1x1280x128xi32, #tpu.memory_space<hbm>> -> memref<1280x128xi32, #tpu.memory_space<hbm>>
        %dma_wait3A_103 = arith.constant 0 : i32
        %dma_wait3A_104 = tpu.memref_slice %dma_wait3A_102[%add3A_25, %dma_wait3A_103] : memref<1280x128xi32, #tpu.memory_space<hbm>> -> memref<1x128xi32, #tpu.memory_space<hbm>>
        tpu.wait_dma2 semaphore(%run_scoped3A_68 : memref<!tpu.dma_semaphore, #tpu.memory_space<semaphore_mem>>) src(%dma_wait3A_104 : memref<1x128xi32, #tpu.memory_space<hbm>>) dst(%dma_wait3A_98 : memref<1x128xi32, #tpu.memory_space<vmem>>)
        tpu.yield
      }) : () -> ()
      %dma_start3A_26 = arith.constant 1 : i32
      %dma_start3A_27 = arith.constant 1 : i32
      %dma_start3A_28 = arith.constant 0 : i32
      %dma_start3A_29 = arith.constant 0 : i32
      %dma_start3A_30 = tpu.memref_slice %arg7[%dma_start3A_27, %dma_start3A_28, %dma_start3A_29] : memref<2x128x128xf32, #tpu.memory_space<vmem>> -> memref<1x128x128xf32, #tpu.memory_space<vmem>>
      %dma_start3A_31 = tpu.memref_squeeze %dma_start3A_30 : memref<1x128x128xf32, #tpu.memory_space<vmem>> -> memref<128x128xf32, #tpu.memory_space<vmem>>
      %dma_start3A_32 = arith.constant 0 : i32
      %dma_start3A_33 = tpu.memref_slice %arg8[%dma_start3A_26, %dma_start3A_32] : memref<2x128xi32, #tpu.memory_space<vmem>> -> memref<1x128xi32, #tpu.memory_space<vmem>>
      %dma_start3A_34 = tpu.memref_squeeze %dma_start3A_33 : memref<1x128xi32, #tpu.memory_space<vmem>> -> memref<128xi32, #tpu.memory_space<vmem>>
      %dma_start3A_35 = arith.constant 0 : i32
      %dma_start3A_36 = arith.constant 0 : i32
      %dma_start3A_37 = tpu.memref_slice %arg2[%dma_start3A_35, %dma_start3A_36] : memref<10000x128xf32, #tpu.memory_space<hbm>> -> memref<10000x128xf32, #tpu.memory_space<hbm>>
      tpu.enqueue_indirect_dma source(%dma_start3A_37 : memref<10000x128xf32, #tpu.memory_space<hbm>>) target(%dma_start3A_31 : memref<128x128xf32, #tpu.memory_space<vmem>>) offsets(%dma_start3A_34 : memref<128xi32, #tpu.memory_space<vmem>>) semaphore(%arg12 : memref<!tpu.dma_semaphore, #tpu.memory_space<semaphore_mem>>)
      %dma_wait3A = arith.constant 0 : i32
      %dma_wait3A_38 = arith.constant 0 : i32
      %dma_wait3A_39 = arith.constant 0 : i32
      %dma_wait3A_40 = arith.constant 0 : i32
      %dma_wait3A_41 = tpu.memref_slice %arg7[%dma_wait3A_38, %dma_wait3A_39, %dma_wait3A_40] : memref<2x128x128xf32, #tpu.memory_space<vmem>> -> memref<1x128x128xf32, #tpu.memory_space<vmem>>
      %dma_wait3A_42 = tpu.memref_squeeze %dma_wait3A_41 : memref<1x128x128xf32, #tpu.memory_space<vmem>> -> memref<128x128xf32, #tpu.memory_space<vmem>>
      %dma_wait3A_43 = arith.constant 0 : i32
      %dma_wait3A_44 = tpu.memref_slice %arg8[%dma_wait3A, %dma_wait3A_43] : memref<2x128xi32, #tpu.memory_space<vmem>> -> memref<1x128xi32, #tpu.memory_space<vmem>>
      %dma_wait3A_45 = tpu.memref_squeeze %dma_wait3A_44 : memref<1x128xi32, #tpu.memory_space<vmem>> -> memref<128xi32, #tpu.memory_space<vmem>>
      %dma_wait3A_46 = arith.constant 0 : i32
      %dma_wait3A_47 = arith.constant 0 : i32
      %dma_wait3A_48 = tpu.memref_slice %arg2[%dma_wait3A_46, %dma_wait3A_47] : memref<10000x128xf32, #tpu.memory_space<hbm>> -> memref<10000x128xf32, #tpu.memory_space<hbm>>
      tpu.wait_indirect_dma semaphore(%arg11 : memref<!tpu.dma_semaphore, #tpu.memory_space<semaphore_mem>>) src(%dma_wait3A_48 : memref<10000x128xf32, #tpu.memory_space<hbm>>) dst(%dma_wait3A_42 : memref<128x128xf32, #tpu.memory_space<vmem>>)
      %run_scoped3A = arith.constant 0 : i32
      %run_scoped3A_49 = arith.constant 0 : i32
      "tpu.region"() ({
        %run_scoped3A_68 = tpu.sem_alloc : memref<!tpu.dma_semaphore, #tpu.memory_space<semaphore_mem>>
        %dma_start3A_69 = arith.constant 0 : i32
        %dma_start3A_70 = arith.constant 0 : i32
        %dma_start3A_71 = tpu.memref_slice %arg7[%run_scoped3A, %dma_start3A_69, %dma_start3A_70] : memref<2x128x128xf32, #tpu.memory_space<vmem>> -> memref<1x128x128xf32, #tpu.memory_space<vmem>>
        %dma_start3A_72 = tpu.memref_squeeze %dma_start3A_71 : memref<1x128x128xf32, #tpu.memory_space<vmem>> -> memref<128x128xf32, #tpu.memory_space<vmem>>
        %dma_start3A_73 = arith.constant 0 : i32
        %dma_start3A_74 = tpu.memref_slice %arg9[%run_scoped3A_49, %dma_start3A_73] : memref<2x128xi32, #tpu.memory_space<vmem>> -> memref<1x128xi32, #tpu.memory_space<vmem>>
        %dma_start3A_75 = tpu.memref_squeeze %dma_start3A_74 : memref<1x128xi32, #tpu.memory_space<vmem>> -> memref<128xi32, #tpu.memory_space<vmem>>
        %dma_start3A_76 = arith.constant 0 : i32
        %dma_start3A_77 = arith.constant 0 : i32
        %dma_start3A_78 = tpu.memref_slice %arg10[%dma_start3A_76, %dma_start3A_77] : memref<5248x128xf32, #tpu.memory_space<vmem_shared>> -> memref<5248x128xf32, #tpu.memory_space<vmem_shared>>
        tpu.enqueue_indirect_dma source(%dma_start3A_72 : memref<128x128xf32, #tpu.memory_space<vmem>>) target(%dma_start3A_78 : memref<5248x128xf32, #tpu.memory_space<vmem_shared>>) offsets(%dma_start3A_75 : memref<128xi32, #tpu.memory_space<vmem>>) semaphore(%run_scoped3A_68 : memref<!tpu.dma_semaphore, #tpu.memory_space<semaphore_mem>>) {add = true}
        %dma_wait3A_79 = arith.constant 0 : i32
        %dma_wait3A_80 = arith.constant 0 : i32
        %dma_wait3A_81 = tpu.memref_slice %arg7[%run_scoped3A, %dma_wait3A_79, %dma_wait3A_80] : memref<2x128x128xf32, #tpu.memory_space<vmem>> -> memref<1x128x128xf32, #tpu.memory_space<vmem>>
        %dma_wait3A_82 = tpu.memref_squeeze %dma_wait3A_81 : memref<1x128x128xf32, #tpu.memory_space<vmem>> -> memref<128x128xf32, #tpu.memory_space<vmem>>
        %dma_wait3A_83 = arith.constant 0 : i32
        %dma_wait3A_84 = tpu.memref_slice %arg9[%run_scoped3A_49, %dma_wait3A_83] : memref<2x128xi32, #tpu.memory_space<vmem>> -> memref<1x128xi32, #tpu.memory_space<vmem>>
        %dma_wait3A_85 = tpu.memref_squeeze %dma_wait3A_84 : memref<1x128xi32, #tpu.memory_space<vmem>> -> memref<128xi32, #tpu.memory_space<vmem>>
        %dma_wait3A_86 = arith.constant 0 : i32
        %dma_wait3A_87 = arith.constant 0 : i32
        %dma_wait3A_88 = tpu.memref_slice %arg10[%dma_wait3A_86, %dma_wait3A_87] : memref<5248x128xf32, #tpu.memory_space<vmem_shared>> -> memref<5248x128xf32, #tpu.memory_space<vmem_shared>>
        tpu.wait_indirect_dma semaphore(%run_scoped3A_68 : memref<!tpu.dma_semaphore, #tpu.memory_space<semaphore_mem>>) src(%dma_wait3A_82 : memref<128x128xf32, #tpu.memory_space<vmem>>) dst(%dma_wait3A_88 : memref<5248x128xf32, #tpu.memory_space<vmem_shared>>)
        tpu.yield
      }) : () -> ()
      %add3A_50 = arith.constant 2 : i32
      %add3A_51 = arith.addi %add3A_22, %add3A_50 : i32
      %lt3A = arith.constant 80 : i32
      %lt3A_52 = arith.cmpi slt, %add3A_51, %lt3A : i32
      %convert_element_type3A = arith.extui %lt3A_52 : i1 to i32
      %cond3A = arith.constant 0 : i32
      %cond3A_53 = arith.cmpi ne, %convert_element_type3A, %cond3A : i32
      scf.if %cond3A_53 {
        %add3A_68 = arith.addi %mul3A_2, %add3A_22 : i32
        %add3A_69 = arith.constant 2 : i32
        %add3A_70 = arith.addi %add3A_68, %add3A_69 : i32
        "tpu.region"() ({
          %run_scoped3A_83 = tpu.sem_alloc : memref<!tpu.dma_semaphore, #tpu.memory_space<semaphore_mem>>
          %dma_start3A_84 = arith.constant 0 : i32
          %dma_start3A_85 = arith.constant 0 : i32
          %dma_start3A_86 = tpu.memref_slice %arg8[%dma_start3A_84, %dma_start3A_85] : memref<2x128xi32, #tpu.memory_space<vmem>> -> memref<1x128xi32, #tpu.memory_space<vmem>>
          %dma_start3A_87 = arith.constant 0 : i32
          %dma_start3A_88 = tpu.memref_slice %arg3[%add3A_70, %dma_start3A_87] : memref<1280x128xi32, #tpu.memory_space<hbm>> -> memref<1x128xi32, #tpu.memory_space<hbm>>
          %dma_start3A_89 = arith.constant 0 : i32
          %dma_start3A_90 = arith.constant 0 : i32
          %dma_start3A_91 = tpu.memref_slice %arg8[%dma_start3A_89, %dma_start3A_90] : memref<2x128xi32, #tpu.memory_space<vmem>> -> memref<1x128xi32, #tpu.memory_space<vmem>>
          %dma_start3A_92 = arith.constant 0 : i32
          %dma_start3A_93 = tpu.memref_slice %arg3[%add3A_70, %dma_start3A_92] : memref<1280x128xi32, #tpu.memory_space<hbm>> -> memref<1x128xi32, #tpu.memory_space<hbm>>
          tpu.enqueue_dma source(%dma_start3A_93 : memref<1x128xi32, #tpu.memory_space<hbm>>) target(%dma_start3A_91 : memref<1x128xi32, #tpu.memory_space<vmem>>) target_semaphore(%run_scoped3A_83 : memref<!tpu.dma_semaphore, #tpu.memory_space<semaphore_mem>>)
          %dma_wait3A_94 = arith.constant 0 : i32
          %dma_wait3A_95 = arith.constant 0 : i32
          %dma_wait3A_96 = tpu.memref_slice %arg8[%dma_wait3A_94, %dma_wait3A_95] : memref<2x128xi32, #tpu.memory_space<vmem>> -> memref<1x128xi32, #tpu.memory_space<vmem>>
          %dma_wait3A_97 = arith.constant 0 : i32
          %dma_wait3A_98 = tpu.memref_slice %arg3[%add3A_70, %dma_wait3A_97] : memref<1280x128xi32, #tpu.memory_space<hbm>> -> memref<1x128xi32, #tpu.memory_space<hbm>>
          %dma_wait3A_99 = arith.constant 0 : i32
          %dma_wait3A_100 = arith.constant 0 : i32
          %dma_wait3A_101 = tpu.memref_slice %arg8[%dma_wait3A_99, %dma_wait3A_100] : memref<2x128xi32, #tpu.memory_space<vmem>> -> memref<1x128xi32, #tpu.memory_space<vmem>>
          %dma_wait3A_102 = arith.constant 0 : i32
          %dma_wait3A_103 = tpu.memref_slice %arg3[%add3A_70, %dma_wait3A_102] : memref<1280x128xi32, #tpu.memory_space<hbm>> -> memref<1x128xi32, #tpu.memory_space<hbm>>
          tpu.wait_dma2 semaphore(%run_scoped3A_83 : memref<!tpu.dma_semaphore, #tpu.memory_space<semaphore_mem>>) src(%dma_wait3A_103 : memref<1x128xi32, #tpu.memory_space<hbm>>) dst(%dma_wait3A_101 : memref<1x128xi32, #tpu.memory_space<vmem>>)
          tpu.yield
        }) : () -> ()
        "tpu.region"() ({
          %run_scoped3A_83 = tpu.sem_alloc : memref<!tpu.dma_semaphore, #tpu.memory_space<semaphore_mem>>
          %dma_start3A_84 = arith.constant 0 : i32
          %dma_start3A_85 = arith.constant 0 : i32
          %dma_start3A_86 = tpu.memref_slice %arg9[%dma_start3A_84, %dma_start3A_85] : memref<2x128xi32, #tpu.memory_space<vmem>> -> memref<1x128xi32, #tpu.memory_space<vmem>>
          %dma_start3A_87 = arith.constant 0 : i32
          %dma_start3A_88 = arith.constant 0 : i32
          %dma_start3A_89 = tpu.memref_slice %arg4[%arg0, %dma_start3A_87, %dma_start3A_88] : memref<2x1280x128xi32, #tpu.memory_space<hbm>> -> memref<1x1280x128xi32, #tpu.memory_space<hbm>>
          %dma_start3A_90 = tpu.memref_squeeze %dma_start3A_89 : memref<1x1280x128xi32, #tpu.memory_space<hbm>> -> memref<1280x128xi32, #tpu.memory_space<hbm>>
          %dma_start3A_91 = arith.constant 0 : i32
          %dma_start3A_92 = tpu.memref_slice %dma_start3A_90[%add3A_70, %dma_start3A_91] : memref<1280x128xi32, #tpu.memory_space<hbm>> -> memref<1x128xi32, #tpu.memory_space<hbm>>
          %dma_start3A_93 = arith.constant 0 : i32
          %dma_start3A_94 = arith.constant 0 : i32
          %dma_start3A_95 = tpu.memref_slice %arg9[%dma_start3A_93, %dma_start3A_94] : memref<2x128xi32, #tpu.memory_space<vmem>> -> memref<1x128xi32, #tpu.memory_space<vmem>>
          %dma_start3A_96 = arith.constant 0 : i32
          %dma_start3A_97 = arith.constant 0 : i32
          %dma_start3A_98 = tpu.memref_slice %arg4[%arg0, %dma_start3A_96, %dma_start3A_97] : memref<2x1280x128xi32, #tpu.memory_space<hbm>> -> memref<1x1280x128xi32, #tpu.memory_space<hbm>>
          %dma_start3A_99 = tpu.memref_squeeze %dma_start3A_98 : memref<1x1280x128xi32, #tpu.memory_space<hbm>> -> memref<1280x128xi32, #tpu.memory_space<hbm>>
          %dma_start3A_100 = arith.constant 0 : i32
          %dma_start3A_101 = tpu.memref_slice %dma_start3A_99[%add3A_70, %dma_start3A_100] : memref<1280x128xi32, #tpu.memory_space<hbm>> -> memref<1x128xi32, #tpu.memory_space<hbm>>
          tpu.enqueue_dma source(%dma_start3A_101 : memref<1x128xi32, #tpu.memory_space<hbm>>) target(%dma_start3A_95 : memref<1x128xi32, #tpu.memory_space<vmem>>) target_semaphore(%run_scoped3A_83 : memref<!tpu.dma_semaphore, #tpu.memory_space<semaphore_mem>>)
          %dma_wait3A_102 = arith.constant 0 : i32
          %dma_wait3A_103 = arith.constant 0 : i32
          %dma_wait3A_104 = tpu.memref_slice %arg9[%dma_wait3A_102, %dma_wait3A_103] : memref<2x128xi32, #tpu.memory_space<vmem>> -> memref<1x128xi32, #tpu.memory_space<vmem>>
          %dma_wait3A_105 = arith.constant 0 : i32
          %dma_wait3A_106 = arith.constant 0 : i32
          %dma_wait3A_107 = tpu.memref_slice %arg4[%arg0, %dma_wait3A_105, %dma_wait3A_106] : memref<2x1280x128xi32, #tpu.memory_space<hbm>> -> memref<1x1280x128xi32, #tpu.memory_space<hbm>>
          %dma_wait3A_108 = tpu.memref_squeeze %dma_wait3A_107 : memref<1x1280x128xi32, #tpu.memory_space<hbm>> -> memref<1280x128xi32, #tpu.memory_space<hbm>>
          %dma_wait3A_109 = arith.constant 0 : i32
          %dma_wait3A_110 = tpu.memref_slice %dma_wait3A_108[%add3A_70, %dma_wait3A_109] : memref<1280x128xi32, #tpu.memory_space<hbm>> -> memref<1x128xi32, #tpu.memory_space<hbm>>
          %dma_wait3A_111 = arith.constant 0 : i32
          %dma_wait3A_112 = arith.constant 0 : i32
          %dma_wait3A_113 = tpu.memref_slice %arg9[%dma_wait3A_111, %dma_wait3A_112] : memref<2x128xi32, #tpu.memory_space<vmem>> -> memref<1x128xi32, #tpu.memory_space<vmem>>
          %dma_wait3A_114 = arith.constant 0 : i32
          %dma_wait3A_115 = arith.constant 0 : i32
          %dma_wait3A_116 = tpu.memref_slice %arg4[%arg0, %dma_wait3A_114, %dma_wait3A_115] : memref<2x1280x128xi32, #tpu.memory_space<hbm>> -> memref<1x1280x128xi32, #tpu.memory_space<hbm>>
          %dma_wait3A_117 = tpu.memref_squeeze %dma_wait3A_116 : memref<1x1280x128xi32, #tpu.memory_space<hbm>> -> memref<1280x128xi32, #tpu.memory_space<hbm>>
          %dma_wait3A_118 = arith.constant 0 : i32
          %dma_wait3A_119 = tpu.memref_slice %dma_wait3A_117[%add3A_70, %dma_wait3A_118] : memref<1280x128xi32, #tpu.memory_space<hbm>> -> memref<1x128xi32, #tpu.memory_space<hbm>>
          tpu.wait_dma2 semaphore(%run_scoped3A_83 : memref<!tpu.dma_semaphore, #tpu.memory_space<semaphore_mem>>) src(%dma_wait3A_119 : memref<1x128xi32, #tpu.memory_space<hbm>>) dst(%dma_wait3A_113 : memref<1x128xi32, #tpu.memory_space<vmem>>)
          tpu.yield
        }) : () -> ()
        %dma_start3A_71 = arith.constant 0 : i32
        %dma_start3A_72 = arith.constant 0 : i32
        %dma_start3A_73 = arith.constant 0 : i32
        %dma_start3A_74 = arith.constant 0 : i32
        %dma_start3A_75 = tpu.memref_slice %arg7[%dma_start3A_72, %dma_start3A_73, %dma_start3A_74] : memref<2x128x128xf32, #tpu.memory_space<vmem>> -> memref<1x128x128xf32, #tpu.memory_space<vmem>>
        %dma_start3A_76 = tpu.memref_squeeze %dma_start3A_75 : memref<1x128x128xf32, #tpu.memory_space<vmem>> -> memref<128x128xf32, #tpu.memory_space<vmem>>
        %dma_start3A_77 = arith.constant 0 : i32
        %dma_start3A_78 = tpu.memref_slice %arg8[%dma_start3A_71, %dma_start3A_77] : memref<2x128xi32, #tpu.memory_space<vmem>> -> memref<1x128xi32, #tpu.memory_space<vmem>>
        %dma_start3A_79 = tpu.memref_squeeze %dma_start3A_78 : memref<1x128xi32, #tpu.memory_space<vmem>> -> memref<128xi32, #tpu.memory_space<vmem>>
        %dma_start3A_80 = arith.constant 0 : i32
        %dma_start3A_81 = arith.constant 0 : i32
        %dma_start3A_82 = tpu.memref_slice %arg2[%dma_start3A_80, %dma_start3A_81] : memref<10000x128xf32, #tpu.memory_space<hbm>> -> memref<10000x128xf32, #tpu.memory_space<hbm>>
        tpu.enqueue_indirect_dma source(%dma_start3A_82 : memref<10000x128xf32, #tpu.memory_space<hbm>>) target(%dma_start3A_76 : memref<128x128xf32, #tpu.memory_space<vmem>>) offsets(%dma_start3A_79 : memref<128xi32, #tpu.memory_space<vmem>>) semaphore(%arg11 : memref<!tpu.dma_semaphore, #tpu.memory_space<semaphore_mem>>)
      } else {
      }
      %dma_wait3A_54 = arith.constant 1 : i32
      %dma_wait3A_55 = arith.constant 1 : i32
      %dma_wait3A_56 = arith.constant 0 : i32
      %dma_wait3A_57 = arith.constant 0 : i32
      %dma_wait3A_58 = tpu.memref_slice %arg7[%dma_wait3A_55, %dma_wait3A_56, %dma_wait3A_57] : memref<2x128x128xf32, #tpu.memory_space<vmem>> -> memref<1x128x128xf32, #tpu.memory_space<vmem>>
      %dma_wait3A_59 = tpu.memref_squeeze %dma_wait3A_58 : memref<1x128x128xf32, #tpu.memory_space<vmem>> -> memref<128x128xf32, #tpu.memory_space<vmem>>
      %dma_wait3A_60 = arith.constant 0 : i32
      %dma_wait3A_61 = tpu.memref_slice %arg8[%dma_wait3A_54, %dma_wait3A_60] : memref<2x128xi32, #tpu.memory_space<vmem>> -> memref<1x128xi32, #tpu.memory_space<vmem>>
      %dma_wait3A_62 = tpu.memref_squeeze %dma_wait3A_61 : memref<1x128xi32, #tpu.memory_space<vmem>> -> memref<128xi32, #tpu.memory_space<vmem>>
      %dma_wait3A_63 = arith.constant 0 : i32
      %dma_wait3A_64 = arith.constant 0 : i32
      %dma_wait3A_65 = tpu.memref_slice %arg2[%dma_wait3A_63, %dma_wait3A_64] : memref<10000x128xf32, #tpu.memory_space<hbm>> -> memref<10000x128xf32, #tpu.memory_space<hbm>>
      tpu.wait_indirect_dma semaphore(%arg12 : memref<!tpu.dma_semaphore, #tpu.memory_space<semaphore_mem>>) src(%dma_wait3A_65 : memref<10000x128xf32, #tpu.memory_space<hbm>>) dst(%dma_wait3A_59 : memref<128x128xf32, #tpu.memory_space<vmem>>)
      %run_scoped3A_66 = arith.constant 1 : i32
      %run_scoped3A_67 = arith.constant 1 : i32
      "tpu.region"() ({
        %run_scoped3A_68 = tpu.sem_alloc : memref<!tpu.dma_semaphore, #tpu.memory_space<semaphore_mem>>
        %dma_start3A_69 = arith.constant 0 : i32
        %dma_start3A_70 = arith.constant 0 : i32
        %dma_start3A_71 = tpu.memref_slice %arg7[%run_scoped3A_66, %dma_start3A_69, %dma_start3A_70] : memref<2x128x128xf32, #tpu.memory_space<vmem>> -> memref<1x128x128xf32, #tpu.memory_space<vmem>>
        %dma_start3A_72 = tpu.memref_squeeze %dma_start3A_71 : memref<1x128x128xf32, #tpu.memory_space<vmem>> -> memref<128x128xf32, #tpu.memory_space<vmem>>
        %dma_start3A_73 = arith.constant 0 : i32
        %dma_start3A_74 = tpu.memref_slice %arg9[%run_scoped3A_67, %dma_start3A_73] : memref<2x128xi32, #tpu.memory_space<vmem>> -> memref<1x128xi32, #tpu.memory_space<vmem>>
        %dma_start3A_75 = tpu.memref_squeeze %dma_start3A_74 : memref<1x128xi32, #tpu.memory_space<vmem>> -> memref<128xi32, #tpu.memory_space<vmem>>
        %dma_start3A_76 = arith.constant 0 : i32
        %dma_start3A_77 = arith.constant 0 : i32
        %dma_start3A_78 = tpu.memref_slice %arg10[%dma_start3A_76, %dma_start3A_77] : memref<5248x128xf32, #tpu.memory_space<vmem_shared>> -> memref<5248x128xf32, #tpu.memory_space<vmem_shared>>
        tpu.enqueue_indirect_dma source(%dma_start3A_72 : memref<128x128xf32, #tpu.memory_space<vmem>>) target(%dma_start3A_78 : memref<5248x128xf32, #tpu.memory_space<vmem_shared>>) offsets(%dma_start3A_75 : memref<128xi32, #tpu.memory_space<vmem>>) semaphore(%run_scoped3A_68 : memref<!tpu.dma_semaphore, #tpu.memory_space<semaphore_mem>>) {add = true}
        %dma_wait3A_79 = arith.constant 0 : i32
        %dma_wait3A_80 = arith.constant 0 : i32
        %dma_wait3A_81 = tpu.memref_slice %arg7[%run_scoped3A_66, %dma_wait3A_79, %dma_wait3A_80] : memref<2x128x128xf32, #tpu.memory_space<vmem>> -> memref<1x128x128xf32, #tpu.memory_space<vmem>>
        %dma_wait3A_82 = tpu.memref_squeeze %dma_wait3A_81 : memref<1x128x128xf32, #tpu.memory_space<vmem>> -> memref<128x128xf32, #tpu.memory_space<vmem>>
        %dma_wait3A_83 = arith.constant 0 : i32
        %dma_wait3A_84 = tpu.memref_slice %arg9[%run_scoped3A_67, %dma_wait3A_83] : memref<2x128xi32, #tpu.memory_space<vmem>> -> memref<1x128xi32, #tpu.memory_space<vmem>>
        %dma_wait3A_85 = tpu.memref_squeeze %dma_wait3A_84 : memref<1x128xi32, #tpu.memory_space<vmem>> -> memref<128xi32, #tpu.memory_space<vmem>>
        %dma_wait3A_86 = arith.constant 0 : i32
        %dma_wait3A_87 = arith.constant 0 : i32
        %dma_wait3A_88 = tpu.memref_slice %arg10[%dma_wait3A_86, %dma_wait3A_87] : memref<5248x128xf32, #tpu.memory_space<vmem_shared>> -> memref<5248x128xf32, #tpu.memory_space<vmem_shared>>
        tpu.wait_indirect_dma semaphore(%run_scoped3A_68 : memref<!tpu.dma_semaphore, #tpu.memory_space<semaphore_mem>>) src(%dma_wait3A_82 : memref<128x128xf32, #tpu.memory_space<vmem>>) dst(%dma_wait3A_88 : memref<5248x128xf32, #tpu.memory_space<vmem_shared>>)
        tpu.yield
      }) : () -> ()
    }
    %scan3A_17 = arith.constant 40 : i32
    %barrier3A_18 = arith.constant 0 : index
    tpu.barrier barrier_id(%barrier3A_18)
    "tpu.region"() ({
      %run_scoped3A = tpu.sem_alloc : memref<!tpu.dma_semaphore, #tpu.memory_space<semaphore_mem>>
      %dma_start3A_19 = arith.constant 0 : i32
      %dma_start3A_20 = arith.constant 0 : i32
      %dma_start3A_21 = tpu.memref_slice %arg6[%arg0, %dma_start3A_19, %dma_start3A_20] : memref<2x5248x128xf32, #tpu.memory_space<hbm>> -> memref<1x5248x128xf32, #tpu.memory_space<hbm>>
      %dma_start3A_22 = tpu.memref_squeeze %dma_start3A_21 : memref<1x5248x128xf32, #tpu.memory_space<hbm>> -> memref<5248x128xf32, #tpu.memory_space<hbm>>
      %dma_start3A_23 = arith.constant 0 : i32
      %dma_start3A_24 = tpu.memref_slice %dma_start3A_22[%mul3A_0, %dma_start3A_23] : memref<5248x128xf32, #tpu.memory_space<hbm>> -> memref<328x128xf32, #tpu.memory_space<hbm>>
      %dma_start3A_25 = arith.constant 0 : i32
      %dma_start3A_26 = tpu.memref_slice %arg10[%mul3A_0, %dma_start3A_25] : memref<5248x128xf32, #tpu.memory_space<vmem_shared>> -> memref<328x128xf32, #tpu.memory_space<vmem_shared>>
      tpu.enqueue_dma source(%dma_start3A_26 : memref<328x128xf32, #tpu.memory_space<vmem_shared>>) target(%dma_start3A_24 : memref<328x128xf32, #tpu.memory_space<hbm>>) target_semaphore(%run_scoped3A : memref<!tpu.dma_semaphore, #tpu.memory_space<semaphore_mem>>)
      %dma_wait3A = arith.constant 0 : i32
      %dma_wait3A_27 = arith.constant 0 : i32
      %dma_wait3A_28 = tpu.memref_slice %arg6[%arg0, %dma_wait3A, %dma_wait3A_27] : memref<2x5248x128xf32, #tpu.memory_space<hbm>> -> memref<1x5248x128xf32, #tpu.memory_space<hbm>>
      %dma_wait3A_29 = tpu.memref_squeeze %dma_wait3A_28 : memref<1x5248x128xf32, #tpu.memory_space<hbm>> -> memref<5248x128xf32, #tpu.memory_space<hbm>>
      %dma_wait3A_30 = arith.constant 0 : i32
      %dma_wait3A_31 = tpu.memref_slice %dma_wait3A_29[%mul3A_0, %dma_wait3A_30] : memref<5248x128xf32, #tpu.memory_space<hbm>> -> memref<328x128xf32, #tpu.memory_space<hbm>>
      %dma_wait3A_32 = arith.constant 0 : i32
      %dma_wait3A_33 = tpu.memref_slice %arg10[%mul3A_0, %dma_wait3A_32] : memref<5248x128xf32, #tpu.memory_space<vmem_shared>> -> memref<328x128xf32, #tpu.memory_space<vmem_shared>>
      tpu.wait_dma2 semaphore(%run_scoped3A : memref<!tpu.dma_semaphore, #tpu.memory_space<semaphore_mem>>) src(%dma_wait3A_33 : memref<328x128xf32, #tpu.memory_space<vmem_shared>>) dst(%dma_wait3A_31 : memref<328x128xf32, #tpu.memory_space<hbm>>)
      tpu.yield
    }) : () -> ()
    return
  }
}

module attributes {stable_mosaic.version = 14 : i64} {
  func.func @body(%arg0: i32, %arg1: memref<2000x128xf32, #tpu.memory_space<vmem>>, %arg2: memref<128x128xf32, #tpu.memory_space<vmem>>, %arg3: memref<1x128xf32, #tpu.memory_space<vmem>>, %arg4: memref<2000x128xf32, #tpu.memory_space<vmem>>) attributes {dimension_semantics = [#tpu.dimension_semantics<arbitrary>], iteration_bounds = array<i64: 5>, scalar_prefetch = 0 : i64, scratch_operands = 0 : i64, tpu.core_type = #tpu.core_type<tc>, window_params = [{transform_indices = @transform_0, window_bounds = array<i64: 2000, 128>}, {pipeline_mode = #tpu.pipeline_mode<synchronous>, transform_indices = @transform_1, window_bounds = array<i64: 128, 128>}, {pipeline_mode = #tpu.pipeline_mode<synchronous>, transform_indices = @transform_2, window_bounds = array<i64: 1, 128>}, {transform_indices = @transform_3, window_bounds = array<i64: 2000, 128>}]} {
    %get3A = arith.constant 0 : index
    %get3A_0 = arith.constant 0 : index
    %get3A_1 = vector.load %arg1[%get3A, %get3A_0] : memref<2000x128xf32, #tpu.memory_space<vmem>>, vector<2000x128xf32>
    %get3A_2 = arith.constant 0 : index
    %get3A_3 = arith.constant 0 : index
    %get3A_4 = vector.load %arg2[%get3A_2, %get3A_3] : memref<128x128xf32, #tpu.memory_space<vmem>>, vector<128x128xf32>
    %dot_general3A = arith.constant dense<0.000000e+00> : vector<2000x128xf32>
    %dot_general3A_5 = tpu.matmul %get3A_1, %get3A_4, %dot_general3A {dimension_numbers = #tpu.dot_dimension_numbers<[1], [0], [0], [1], [0, 0, 1, 1], [], []>, transpose_lhs_hint = false} : vector<2000x128xf32>, vector<128x128xf32>, vector<2000x128xf32> -> vector<2000x128xf32>
    %get3A_6 = arith.constant 0 : index
    %get3A_7 = arith.constant 0 : index
    %get3A_8 = vector.load %arg3[%get3A_6, %get3A_7] : memref<1x128xf32, #tpu.memory_space<vmem>>, vector<1x128xf32>
    %add3A = vector.broadcast %get3A_8 : vector<1x128xf32> to vector<2000x128xf32>
    %add3A_9 = arith.addf %dot_general3A_5, %add3A : vector<2000x128xf32>
    %max3A = arith.constant 0.000000e+00 : f32
    %max3A_10 = vector.broadcast %max3A : f32 to vector<2000x128xf32>
    %max3A_11 = arith.maximumf %add3A_9, %max3A_10 : vector<2000x128xf32>
    %swap3A = arith.constant 0 : index
    %swap3A_12 = arith.constant 0 : index
    %swap3A_13 = vector.load %arg4[%swap3A, %swap3A_12] : memref<2000x128xf32, #tpu.memory_space<vmem>>, vector<2000x128xf32>
    tpu.vector_store %arg4[%swap3A, %swap3A_12], %max3A_11 {strides = array<i32>} : memref<2000x128xf32, #tpu.memory_space<vmem>>, vector<2000x128xf32>,
    return
  }
  func.func @transform_0(%arg0: i32) -> (i32, i32) {
    %c0_i32 = arith.constant 0 : i32
    %c0_i32_0 = arith.constant 0 : i32
    return %arg0, %c0_i32 : i32, i32
  }
  func.func @transform_1(%arg0: i32) -> (i32, i32) {
    %c0_i32 = arith.constant 0 : i32
    %c0_i32_0 = arith.constant 0 : i32
    %c0_i32_1 = arith.constant 0 : i32
    return %c0_i32, %c0_i32_0 : i32, i32
  }
  func.func @transform_2(%arg0: i32) -> (i32, i32) {
    %c0_i32 = arith.constant 0 : i32
    %c0_i32_0 = arith.constant 0 : i32
    %c0_i32_1 = arith.constant 0 : i32
    return %c0_i32, %c0_i32_0 : i32, i32
  }
  func.func @transform_3(%arg0: i32) -> (i32, i32) {
    %c0_i32 = arith.constant 0 : i32
    %c0_i32_0 = arith.constant 0 : i32
    return %arg0, %c0_i32 : i32, i32
  }
}

module attributes {stable_mosaic.version = 14 : i64} {
  func.func @body(%arg0: i32, %arg1: memref<2000x128xf32, #tpu.memory_space<vmem>>, %arg2: memref<128x128xf32, #tpu.memory_space<vmem>>, %arg3: memref<2000x128xf32, #tpu.memory_space<vmem>>, %arg4: memref<2000x128xf32, #tpu.memory_space<vmem>>) attributes {dimension_semantics = [#tpu.dimension_semantics<arbitrary>], iteration_bounds = array<i64: 5>, scalar_prefetch = 0 : i64, scratch_operands = 0 : i64, tpu.core_type = #tpu.core_type<tc>, window_params = [{transform_indices = @transform_0, window_bounds = array<i64: 2000, 128>}, {pipeline_mode = #tpu.pipeline_mode<synchronous>, transform_indices = @transform_1, window_bounds = array<i64: 128, 128>}, {transform_indices = @transform_2, window_bounds = array<i64: 2000, 128>}, {transform_indices = @transform_3, window_bounds = array<i64: 2000, 128>}]} {
    %get3A = arith.constant 0 : index
    %get3A_0 = arith.constant 0 : index
    %get3A_1 = vector.load %arg3[%get3A, %get3A_0] : memref<2000x128xf32, #tpu.memory_space<vmem>>, vector<2000x128xf32>
    %slice3A = vector.extract_strided_slice %get3A_1 {offsets = [0, 0], sizes = [2000, 1], strides = [1, 1]} : vector<2000x128xf32> to vector<2000x1xf32>
    %add3A = arith.constant 1.000000e+00 : f32
    %add3A_2 = vector.broadcast %add3A : f32 to vector<2000x1xf32>
    %add3A_3 = arith.addf %add3A_2, %slice3A : vector<2000x1xf32>
    %rsqrt3A = math.rsqrt %add3A_3 : vector<2000x1xf32>
    %get3A_4 = arith.constant 0 : index
    %get3A_5 = arith.constant 0 : index
    %get3A_6 = vector.load %arg1[%get3A_4, %get3A_5] : memref<2000x128xf32, #tpu.memory_space<vmem>>, vector<2000x128xf32>
    %get3A_7 = arith.constant 0 : index
    %get3A_8 = arith.constant 0 : index
    %get3A_9 = vector.load %arg2[%get3A_7, %get3A_8] : memref<128x128xf32, #tpu.memory_space<vmem>>, vector<128x128xf32>
    %dot_general3A = arith.constant dense<0.000000e+00> : vector<2000x128xf32>
    %dot_general3A_10 = tpu.matmul %get3A_6, %get3A_9, %dot_general3A {dimension_numbers = #tpu.dot_dimension_numbers<[1], [0], [0], [1], [0, 0, 1, 1], [], []>, transpose_lhs_hint = false} : vector<2000x128xf32>, vector<128x128xf32>, vector<2000x128xf32> -> vector<2000x128xf32>
    %mul3A = vector.broadcast %rsqrt3A : vector<2000x1xf32> to vector<2000x128xf32>
    %mul3A_11 = arith.mulf %dot_general3A_10, %mul3A : vector<2000x128xf32>
    %swap3A = arith.constant 0 : index
    %swap3A_12 = arith.constant 0 : index
    %swap3A_13 = vector.load %arg4[%swap3A, %swap3A_12] : memref<2000x128xf32, #tpu.memory_space<vmem>>, vector<2000x128xf32>
    tpu.vector_store %arg4[%swap3A, %swap3A_12], %mul3A_11 {strides = array<i32>} : memref<2000x128xf32, #tpu.memory_space<vmem>>, vector<2000x128xf32>,
    return
  }
  func.func @transform_0(%arg0: i32) -> (i32, i32) {
    %c0_i32 = arith.constant 0 : i32
    %c0_i32_0 = arith.constant 0 : i32
    return %arg0, %c0_i32 : i32, i32
  }
  func.func @transform_1(%arg0: i32) -> (i32, i32) {
    %c0_i32 = arith.constant 0 : i32
    %c0_i32_0 = arith.constant 0 : i32
    %c0_i32_1 = arith.constant 0 : i32
    return %c0_i32, %c0_i32_0 : i32, i32
  }
  func.func @transform_2(%arg0: i32) -> (i32, i32) {
    %c0_i32 = arith.constant 0 : i32
    %c0_i32_0 = arith.constant 0 : i32
    return %arg0, %c0_i32 : i32, i32
  }
  func.func @transform_3(%arg0: i32) -> (i32, i32) {
    %c0_i32 = arith.constant 0 : i32
    %c0_i32_0 = arith.constant 0 : i32
    return %arg0, %c0_i32 : i32, i32
  }
}

module attributes {stable_mosaic.version = 14 : i64} {
  func.func @body(%arg0: i32, %arg1: memref<2000x128xf32, #tpu.memory_space<vmem>>, %arg2: memref<128x384xf32, #tpu.memory_space<vmem>>, %arg3: memref<1x384xf32, #tpu.memory_space<vmem>>, %arg4: memref<2000x384xf32, #tpu.memory_space<vmem>>) attributes {dimension_semantics = [#tpu.dimension_semantics<arbitrary>], iteration_bounds = array<i64: 5>, scalar_prefetch = 0 : i64, scratch_operands = 0 : i64, tpu.core_type = #tpu.core_type<tc>, window_params = [{transform_indices = @transform_0, window_bounds = array<i64: 2000, 128>}, {pipeline_mode = #tpu.pipeline_mode<synchronous>, transform_indices = @transform_1, window_bounds = array<i64: 128, 384>}, {pipeline_mode = #tpu.pipeline_mode<synchronous>, transform_indices = @transform_2, window_bounds = array<i64: 1, 384>}, {transform_indices = @transform_3, window_bounds = array<i64: 2000, 384>}]} {
    %get3A = arith.constant 0 : index
    %get3A_0 = arith.constant 0 : index
    %get3A_1 = vector.load %arg1[%get3A, %get3A_0] : memref<2000x128xf32, #tpu.memory_space<vmem>>, vector<2000x128xf32>
    %get3A_2 = arith.constant 0 : index
    %get3A_3 = arith.constant 0 : index
    %get3A_4 = vector.load %arg2[%get3A_2, %get3A_3] : memref<128x384xf32, #tpu.memory_space<vmem>>, vector<128x384xf32>
    %dot_general3A = arith.constant dense<0.000000e+00> : vector<2000x384xf32>
    %dot_general3A_5 = tpu.matmul %get3A_1, %get3A_4, %dot_general3A {dimension_numbers = #tpu.dot_dimension_numbers<[1], [0], [0], [1], [0, 0, 1, 1], [], []>, transpose_lhs_hint = false} : vector<2000x128xf32>, vector<128x384xf32>, vector<2000x384xf32> -> vector<2000x384xf32>
    %get3A_6 = arith.constant 0 : index
    %get3A_7 = arith.constant 0 : index
    %get3A_8 = vector.load %arg3[%get3A_6, %get3A_7] : memref<1x384xf32, #tpu.memory_space<vmem>>, vector<1x384xf32>
    %add3A = vector.broadcast %get3A_8 : vector<1x384xf32> to vector<2000x384xf32>
    %add3A_9 = arith.addf %dot_general3A_5, %add3A : vector<2000x384xf32>
    %swap3A = arith.constant 0 : index
    %swap3A_10 = arith.constant 0 : index
    %swap3A_11 = vector.load %arg4[%swap3A, %swap3A_10] : memref<2000x384xf32, #tpu.memory_space<vmem>>, vector<2000x384xf32>
    tpu.vector_store %arg4[%swap3A, %swap3A_10], %add3A_9 {strides = array<i32>} : memref<2000x384xf32, #tpu.memory_space<vmem>>, vector<2000x384xf32>,
    return
  }
  func.func @transform_0(%arg0: i32) -> (i32, i32) {
    %c0_i32 = arith.constant 0 : i32
    %c0_i32_0 = arith.constant 0 : i32
    return %arg0, %c0_i32 : i32, i32
  }
  func.func @transform_1(%arg0: i32) -> (i32, i32) {
    %c0_i32 = arith.constant 0 : i32
    %c0_i32_0 = arith.constant 0 : i32
    %c0_i32_1 = arith.constant 0 : i32
    return %c0_i32, %c0_i32_0 : i32, i32
  }
  func.func @transform_2(%arg0: i32) -> (i32, i32) {
    %c0_i32 = arith.constant 0 : i32
    %c0_i32_0 = arith.constant 0 : i32
    %c0_i32_1 = arith.constant 0 : i32
    return %c0_i32, %c0_i32_0 : i32, i32
  }
  func.func @transform_3(%arg0: i32) -> (i32, i32) {
    %c0_i32 = arith.constant 0 : i32
    %c0_i32_0 = arith.constant 0 : i32
    return %arg0, %c0_i32 : i32, i32
  }
}

module attributes {stable_mosaic.version = 14 : i64} {
  func.func @body(%arg0: i32, %arg1: memref<400x128xf32, #tpu.memory_space<vmem>>, %arg2: memref<10000x128xf32, #tpu.memory_space<vmem>>, %arg3: memref<10000x128xf32, #tpu.memory_space<vmem>>, %arg4: memref<400x128xf32, #tpu.memory_space<vmem>>) attributes {dimension_semantics = [#tpu.dimension_semantics<arbitrary>], iteration_bounds = array<i64: 25>, scalar_prefetch = 0 : i64, scratch_operands = 0 : i64, tpu.core_type = #tpu.core_type<tc>, window_params = [{transform_indices = @transform_0, window_bounds = array<i64: 400, 128>}, {transform_indices = @transform_1, window_bounds = array<i64: 10000, 128>}, {transform_indices = @transform_2, window_bounds = array<i64: 10000, 128>}, {transform_indices = @transform_3, window_bounds = array<i64: 400, 128>}]} {
    %get3A = arith.constant 0 : index
    %get3A_0 = arith.constant 0 : index
    %get3A_1 = vector.load %arg1[%get3A, %get3A_0] : memref<400x128xf32, #tpu.memory_space<vmem>>, vector<400x128xf32>
    %mul3A = arith.constant 0.176776692 : f32
    %mul3A_2 = vector.broadcast %mul3A : f32 to vector<400x128xf32>
    %mul3A_3 = arith.mulf %get3A_1, %mul3A_2 : vector<400x128xf32>
    %get3A_4 = arith.constant 0 : index
    %get3A_5 = arith.constant 0 : index
    %get3A_6 = vector.load %arg2[%get3A_4, %get3A_5] : memref<10000x128xf32, #tpu.memory_space<vmem>>, vector<10000x128xf32>
    %get3A_7 = arith.constant 0 : index
    %get3A_8 = arith.constant 0 : index
    %get3A_9 = vector.load %arg3[%get3A_7, %get3A_8] : memref<10000x128xf32, #tpu.memory_space<vmem>>, vector<10000x128xf32>
    %iota3A = tpu.iota {dimensions = array<i32: 1>} : vector<1x128xi32>
    %jit3A = arith.constant 32 : i32
    %div3A = vector.broadcast %jit3A : i32 to vector<1x128xi32>
    %div3A_10 = arith.divsi %iota3A, %div3A : vector<1x128xi32>
    %sign3A = arith.constant 0 : i32
    %sign3A_11 = vector.broadcast %sign3A : i32 to vector<1x128xi32>
    %sign3A_12 = arith.cmpi sgt, %iota3A, %sign3A_11 : vector<1x128xi32>
    %sign3A_13 = arith.extui %sign3A_12 : vector<1x128xi1> to vector<1x128xi32>
    %sign3A_14 = arith.constant 0 : i32
    %sign3A_15 = vector.broadcast %sign3A_14 : i32 to vector<1x128xi32>
    %sign3A_16 = arith.cmpi slt, %iota3A, %sign3A_15 : vector<1x128xi32>
    %sign3A_17 = arith.extui %sign3A_16 : vector<1x128xi1> to vector<1x128xi32>
    %sign3A_18 = arith.subi %sign3A_13, %sign3A_17 : vector<1x128xi32>
    %sign3A_19 = arith.constant 0 : i32
    %sign3A_20 = arith.cmpi sgt, %jit3A, %sign3A_19 : i32
    %sign3A_21 = arith.extui %sign3A_20 : i1 to i32
    %sign3A_22 = arith.constant 0 : i32
    %sign3A_23 = arith.cmpi slt, %jit3A, %sign3A_22 : i32
    %sign3A_24 = arith.extui %sign3A_23 : i1 to i32
    %sign3A_25 = arith.subi %sign3A_21, %sign3A_24 : i32
    %ne3A = vector.broadcast %sign3A_25 : i32 to vector<1x128xi32>
    %ne3A_26 = arith.cmpi ne, %sign3A_18, %ne3A : vector<1x128xi32>
    %rem3A = vector.broadcast %jit3A : i32 to vector<1x128xi32>
    %rem3A_27 = arith.remsi %iota3A, %rem3A : vector<1x128xi32>
    %ne3A_28 = arith.constant 0 : i32
    %ne3A_29 = vector.broadcast %ne3A_28 : i32 to vector<1x128xi32>
    %ne3A_30 = arith.cmpi ne, %rem3A_27, %ne3A_29 : vector<1x128xi32>
    %and3A = arith.andi %ne3A_26, %ne3A_30 : vector<1x128xi1>
    %sub3A = arith.constant 1 : i32
    %sub3A_31 = vector.broadcast %sub3A : i32 to vector<1x128xi32>
    %sub3A_32 = arith.subi %div3A_10, %sub3A_31 : vector<1x128xi32>
    %select_n3A = arith.select %and3A, %sub3A_32, %div3A_10 : vector<1x128xi1>, vector<1x128xi32>
    %broadcast_in_dim3A = arith.constant 0.000000e+00 : f32
    %broadcast_in_dim3A_33 = vector.broadcast %broadcast_in_dim3A : f32 to vector<400x128xf32>
    %eq3A = arith.constant 0 : i32
    %eq3A_34 = vector.broadcast %eq3A : i32 to vector<1x128xi32>
    %eq3A_35 = arith.cmpi eq, %select_n3A, %eq3A_34 : vector<1x128xi32>
    %jit3A_36 = arith.constant 0.000000e+00 : f32
    %broadcast_in_dim3A_37 = vector.shape_cast %eq3A_35 : vector<1x128xi1> to vector<1x128xi1>
    %broadcast_in_dim3A_38 = vector.broadcast %broadcast_in_dim3A_37 : vector<1x128xi1> to vector<400x128xi1>
    %broadcast_in_dim3A_39 = vector.broadcast %jit3A_36 : f32 to vector<400x128xf32>
    %select_n3A_40 = arith.select %broadcast_in_dim3A_38, %mul3A_3, %broadcast_in_dim3A_39 : vector<400x128xi1>, vector<400x128xf32>
    %dot_general3A = arith.constant dense<0.000000e+00> : vector<400x10000xf32>
    %dot_general3A_41 = tpu.matmul %select_n3A_40, %get3A_6, %dot_general3A {dimension_numbers = #tpu.dot_dimension_numbers<[1], [1], [0], [0], [0, 0, 1, 0], [], []>, transpose_lhs_hint = false} : vector<400x128xf32>, vector<10000x128xf32>, vector<400x10000xf32> -> vector<400x10000xf32>
    %exp3A = math.exp %dot_general3A_41 : vector<400x10000xf32>
    %reduce_sum3A = arith.constant dense<0.000000e+00> : vector<400xf32>
    %reduce_sum3A_42 = vector.multi_reduction <add>, %exp3A, %reduce_sum3A [1] : vector<400x10000xf32> to vector<400xf32>
    %broadcast_in_dim3A_43 = vector.shape_cast %reduce_sum3A_42 : vector<400xf32> to vector<400x1xf32>
    %dot_general3A_44 = arith.constant dense<0.000000e+00> : vector<400x128xf32>
    %dot_general3A_45 = tpu.matmul %exp3A, %get3A_9, %dot_general3A_44 {dimension_numbers = #tpu.dot_dimension_numbers<[1], [0], [0], [1], [0, 0, 1, 1], [], []>, transpose_lhs_hint = false} : vector<400x10000xf32>, vector<10000x128xf32>, vector<400x128xf32> -> vector<400x128xf32>
    %eq3A_46 = arith.constant 0 : i32
    %eq3A_47 = vector.broadcast %eq3A_46 : i32 to vector<1x128xi32>
    %eq3A_48 = arith.cmpi eq, %select_n3A, %eq3A_47 : vector<1x128xi32>
    %div3A_49 = vector.broadcast %broadcast_in_dim3A_43 : vector<400x1xf32> to vector<400x128xf32>
    %div3A_50 = arith.divf %dot_general3A_45, %div3A_49 : vector<400x128xf32>
    %jit3A_51 = arith.constant 0.000000e+00 : f32
    %broadcast_in_dim3A_52 = vector.shape_cast %eq3A_48 : vector<1x128xi1> to vector<1x128xi1>
    %broadcast_in_dim3A_53 = vector.broadcast %broadcast_in_dim3A_52 : vector<1x128xi1> to vector<400x128xi1>
    %broadcast_in_dim3A_54 = vector.broadcast %jit3A_51 : f32 to vector<400x128xf32>
    %select_n3A_55 = arith.select %broadcast_in_dim3A_53, %div3A_50, %broadcast_in_dim3A_54 : vector<400x128xi1>, vector<400x128xf32>
    %add3A = arith.addf %broadcast_in_dim3A_33, %select_n3A_55 : vector<400x128xf32>
    %eq3A_56 = arith.constant 1 : i32
    %eq3A_57 = vector.broadcast %eq3A_56 : i32 to vector<1x128xi32>
    %eq3A_58 = arith.cmpi eq, %select_n3A, %eq3A_57 : vector<1x128xi32>
    %jit3A_59 = arith.constant 0.000000e+00 : f32
    %broadcast_in_dim3A_60 = vector.shape_cast %eq3A_58 : vector<1x128xi1> to vector<1x128xi1>
    %broadcast_in_dim3A_61 = vector.broadcast %broadcast_in_dim3A_60 : vector<1x128xi1> to vector<400x128xi1>
    %broadcast_in_dim3A_62 = vector.broadcast %jit3A_59 : f32 to vector<400x128xf32>
    %select_n3A_63 = arith.select %broadcast_in_dim3A_61, %mul3A_3, %broadcast_in_dim3A_62 : vector<400x128xi1>, vector<400x128xf32>
    %dot_general3A_64 = arith.constant dense<0.000000e+00> : vector<400x10000xf32>
    %dot_general3A_65 = tpu.matmul %select_n3A_63, %get3A_6, %dot_general3A_64 {dimension_numbers = #tpu.dot_dimension_numbers<[1], [1], [0], [0], [0, 0, 1, 0], [], []>, transpose_lhs_hint = false} : vector<400x128xf32>, vector<10000x128xf32>, vector<400x10000xf32> -> vector<400x10000xf32>
    %exp3A_66 = math.exp %dot_general3A_65 : vector<400x10000xf32>
    %reduce_sum3A_67 = arith.constant dense<0.000000e+00> : vector<400xf32>
    %reduce_sum3A_68 = vector.multi_reduction <add>, %exp3A_66, %reduce_sum3A_67 [1] : vector<400x10000xf32> to vector<400xf32>
    %broadcast_in_dim3A_69 = vector.shape_cast %reduce_sum3A_68 : vector<400xf32> to vector<400x1xf32>
    %dot_general3A_70 = arith.constant dense<0.000000e+00> : vector<400x128xf32>
    %dot_general3A_71 = tpu.matmul %exp3A_66, %get3A_9, %dot_general3A_70 {dimension_numbers = #tpu.dot_dimension_numbers<[1], [0], [0], [1], [0, 0, 1, 1], [], []>, transpose_lhs_hint = false} : vector<400x10000xf32>, vector<10000x128xf32>, vector<400x128xf32> -> vector<400x128xf32>
    %eq3A_72 = arith.constant 1 : i32
    %eq3A_73 = vector.broadcast %eq3A_72 : i32 to vector<1x128xi32>
    %eq3A_74 = arith.cmpi eq, %select_n3A, %eq3A_73 : vector<1x128xi32>
    %div3A_75 = vector.broadcast %broadcast_in_dim3A_69 : vector<400x1xf32> to vector<400x128xf32>
    %div3A_76 = arith.divf %dot_general3A_71, %div3A_75 : vector<400x128xf32>
    %jit3A_77 = arith.constant 0.000000e+00 : f32
    %broadcast_in_dim3A_78 = vector.shape_cast %eq3A_74 : vector<1x128xi1> to vector<1x128xi1>
    %broadcast_in_dim3A_79 = vector.broadcast %broadcast_in_dim3A_78 : vector<1x128xi1> to vector<400x128xi1>
    %broadcast_in_dim3A_80 = vector.broadcast %jit3A_77 : f32 to vector<400x128xf32>
    %select_n3A_81 = arith.select %broadcast_in_dim3A_79, %div3A_76, %broadcast_in_dim3A_80 : vector<400x128xi1>, vector<400x128xf32>
    %add3A_82 = arith.addf %add3A, %select_n3A_81 : vector<400x128xf32>
    %eq3A_83 = arith.constant 2 : i32
    %eq3A_84 = vector.broadcast %eq3A_83 : i32 to vector<1x128xi32>
    %eq3A_85 = arith.cmpi eq, %select_n3A, %eq3A_84 : vector<1x128xi32>
    %jit3A_86 = arith.constant 0.000000e+00 : f32
    %broadcast_in_dim3A_87 = vector.shape_cast %eq3A_85 : vector<1x128xi1> to vector<1x128xi1>
    %broadcast_in_dim3A_88 = vector.broadcast %broadcast_in_dim3A_87 : vector<1x128xi1> to vector<400x128xi1>
    %broadcast_in_dim3A_89 = vector.broadcast %jit3A_86 : f32 to vector<400x128xf32>
    %select_n3A_90 = arith.select %broadcast_in_dim3A_88, %mul3A_3, %broadcast_in_dim3A_89 : vector<400x128xi1>, vector<400x128xf32>
    %dot_general3A_91 = arith.constant dense<0.000000e+00> : vector<400x10000xf32>
    %dot_general3A_92 = tpu.matmul %select_n3A_90, %get3A_6, %dot_general3A_91 {dimension_numbers = #tpu.dot_dimension_numbers<[1], [1], [0], [0], [0, 0, 1, 0], [], []>, transpose_lhs_hint = false} : vector<400x128xf32>, vector<10000x128xf32>, vector<400x10000xf32> -> vector<400x10000xf32>
    %exp3A_93 = math.exp %dot_general3A_92 : vector<400x10000xf32>
    %reduce_sum3A_94 = arith.constant dense<0.000000e+00> : vector<400xf32>
    %reduce_sum3A_95 = vector.multi_reduction <add>, %exp3A_93, %reduce_sum3A_94 [1] : vector<400x10000xf32> to vector<400xf32>
    %broadcast_in_dim3A_96 = vector.shape_cast %reduce_sum3A_95 : vector<400xf32> to vector<400x1xf32>
    %dot_general3A_97 = arith.constant dense<0.000000e+00> : vector<400x128xf32>
    %dot_general3A_98 = tpu.matmul %exp3A_93, %get3A_9, %dot_general3A_97 {dimension_numbers = #tpu.dot_dimension_numbers<[1], [0], [0], [1], [0, 0, 1, 1], [], []>, transpose_lhs_hint = false} : vector<400x10000xf32>, vector<10000x128xf32>, vector<400x128xf32> -> vector<400x128xf32>
    %eq3A_99 = arith.constant 2 : i32
    %eq3A_100 = vector.broadcast %eq3A_99 : i32 to vector<1x128xi32>
    %eq3A_101 = arith.cmpi eq, %select_n3A, %eq3A_100 : vector<1x128xi32>
    %div3A_102 = vector.broadcast %broadcast_in_dim3A_96 : vector<400x1xf32> to vector<400x128xf32>
    %div3A_103 = arith.divf %dot_general3A_98, %div3A_102 : vector<400x128xf32>
    %jit3A_104 = arith.constant 0.000000e+00 : f32
    %broadcast_in_dim3A_105 = vector.shape_cast %eq3A_101 : vector<1x128xi1> to vector<1x128xi1>
    %broadcast_in_dim3A_106 = vector.broadcast %broadcast_in_dim3A_105 : vector<1x128xi1> to vector<400x128xi1>
    %broadcast_in_dim3A_107 = vector.broadcast %jit3A_104 : f32 to vector<400x128xf32>
    %select_n3A_108 = arith.select %broadcast_in_dim3A_106, %div3A_103, %broadcast_in_dim3A_107 : vector<400x128xi1>, vector<400x128xf32>
    %add3A_109 = arith.addf %add3A_82, %select_n3A_108 : vector<400x128xf32>
    %eq3A_110 = arith.constant 3 : i32
    %eq3A_111 = vector.broadcast %eq3A_110 : i32 to vector<1x128xi32>
    %eq3A_112 = arith.cmpi eq, %select_n3A, %eq3A_111 : vector<1x128xi32>
    %jit3A_113 = arith.constant 0.000000e+00 : f32
    %broadcast_in_dim3A_114 = vector.shape_cast %eq3A_112 : vector<1x128xi1> to vector<1x128xi1>
    %broadcast_in_dim3A_115 = vector.broadcast %broadcast_in_dim3A_114 : vector<1x128xi1> to vector<400x128xi1>
    %broadcast_in_dim3A_116 = vector.broadcast %jit3A_113 : f32 to vector<400x128xf32>
    %select_n3A_117 = arith.select %broadcast_in_dim3A_115, %mul3A_3, %broadcast_in_dim3A_116 : vector<400x128xi1>, vector<400x128xf32>
    %dot_general3A_118 = arith.constant dense<0.000000e+00> : vector<400x10000xf32>
    %dot_general3A_119 = tpu.matmul %select_n3A_117, %get3A_6, %dot_general3A_118 {dimension_numbers = #tpu.dot_dimension_numbers<[1], [1], [0], [0], [0, 0, 1, 0], [], []>, transpose_lhs_hint = false} : vector<400x128xf32>, vector<10000x128xf32>, vector<400x10000xf32> -> vector<400x10000xf32>
    %exp3A_120 = math.exp %dot_general3A_119 : vector<400x10000xf32>
    %reduce_sum3A_121 = arith.constant dense<0.000000e+00> : vector<400xf32>
    %reduce_sum3A_122 = vector.multi_reduction <add>, %exp3A_120, %reduce_sum3A_121 [1] : vector<400x10000xf32> to vector<400xf32>
    %broadcast_in_dim3A_123 = vector.shape_cast %reduce_sum3A_122 : vector<400xf32> to vector<400x1xf32>
    %dot_general3A_124 = arith.constant dense<0.000000e+00> : vector<400x128xf32>
    %dot_general3A_125 = tpu.matmul %exp3A_120, %get3A_9, %dot_general3A_124 {dimension_numbers = #tpu.dot_dimension_numbers<[1], [0], [0], [1], [0, 0, 1, 1], [], []>, transpose_lhs_hint = false} : vector<400x10000xf32>, vector<10000x128xf32>, vector<400x128xf32> -> vector<400x128xf32>
    %eq3A_126 = arith.constant 3 : i32
    %eq3A_127 = vector.broadcast %eq3A_126 : i32 to vector<1x128xi32>
    %eq3A_128 = arith.cmpi eq, %select_n3A, %eq3A_127 : vector<1x128xi32>
    %div3A_129 = vector.broadcast %broadcast_in_dim3A_123 : vector<400x1xf32> to vector<400x128xf32>
    %div3A_130 = arith.divf %dot_general3A_125, %div3A_129 : vector<400x128xf32>
    %jit3A_131 = arith.constant 0.000000e+00 : f32
    %broadcast_in_dim3A_132 = vector.shape_cast %eq3A_128 : vector<1x128xi1> to vector<1x128xi1>
    %broadcast_in_dim3A_133 = vector.broadcast %broadcast_in_dim3A_132 : vector<1x128xi1> to vector<400x128xi1>
    %broadcast_in_dim3A_134 = vector.broadcast %jit3A_131 : f32 to vector<400x128xf32>
    %select_n3A_135 = arith.select %broadcast_in_dim3A_133, %div3A_130, %broadcast_in_dim3A_134 : vector<400x128xi1>, vector<400x128xf32>
    %add3A_136 = arith.addf %add3A_109, %select_n3A_135 : vector<400x128xf32>
    %swap3A = arith.constant 0 : index
    %swap3A_137 = arith.constant 0 : index
    %swap3A_138 = vector.load %arg4[%swap3A, %swap3A_137] : memref<400x128xf32, #tpu.memory_space<vmem>>, vector<400x128xf32>
    tpu.vector_store %arg4[%swap3A, %swap3A_137], %add3A_136 {strides = array<i32>} : memref<400x128xf32, #tpu.memory_space<vmem>>, vector<400x128xf32>,
    return
  }
  func.func @transform_0(%arg0: i32) -> (i32, i32) {
    %c0_i32 = arith.constant 0 : i32
    %c0_i32_0 = arith.constant 0 : i32
    return %arg0, %c0_i32 : i32, i32
  }
  func.func @transform_1(%arg0: i32) -> (i32, i32) {
    %c0_i32 = arith.constant 0 : i32
    %c1_i32 = arith.constant 1 : i32
    %c0_i32_0 = arith.constant 0 : i32
    return %c0_i32, %c1_i32 : i32, i32
  }
  func.func @transform_2(%arg0: i32) -> (i32, i32) {
    %c0_i32 = arith.constant 0 : i32
    %c2_i32 = arith.constant 2 : i32
    %c0_i32_0 = arith.constant 0 : i32
    return %c0_i32, %c2_i32 : i32, i32
  }
  func.func @transform_3(%arg0: i32) -> (i32, i32) {
    %c0_i32 = arith.constant 0 : i32
    %c0_i32_0 = arith.constant 0 : i32
    return %arg0, %c0_i32 : i32, i32
  }
}

module attributes {stable_mosaic.version = 14 : i64} {
  func.func @body(%arg0: memref<10000x128xf32, #tpu.memory_space<vmem>>, %arg1: memref<10000x128xf32, #tpu.memory_space<vmem>>, %arg2: memref<128x128xf32, #tpu.memory_space<vmem>>, %arg3: memref<1x128xf32, #tpu.memory_space<vmem>>, %arg4: memref<1x128xf32, #tpu.memory_space<vmem>>, %arg5: memref<1x128xf32, #tpu.memory_space<vmem>>, %arg6: memref<10000x128xf32, #tpu.memory_space<vmem>>) attributes {dimension_semantics = [], scalar_prefetch = 0 : i64, scratch_operands = 0 : i64, tpu.core_type = #tpu.core_type<tc>} {
    %get3A = arith.constant 0 : index
    %get3A_0 = arith.constant 0 : index
    %get3A_1 = vector.load %arg1[%get3A, %get3A_0] : memref<10000x128xf32, #tpu.memory_space<vmem>>, vector<10000x128xf32>
    %get3A_2 = arith.constant 0 : index
    %get3A_3 = arith.constant 0 : index
    %get3A_4 = vector.load %arg2[%get3A_2, %get3A_3] : memref<128x128xf32, #tpu.memory_space<vmem>>, vector<128x128xf32>
    %dot_general3A = arith.constant dense<0.000000e+00> : vector<10000x128xf32>
    %dot_general3A_5 = tpu.matmul %get3A_1, %get3A_4, %dot_general3A {dimension_numbers = #tpu.dot_dimension_numbers<[1], [0], [0], [1], [0, 0, 1, 1], [], []>, transpose_lhs_hint = false} : vector<10000x128xf32>, vector<128x128xf32>, vector<10000x128xf32> -> vector<10000x128xf32>
    %get3A_6 = arith.constant 0 : index
    %get3A_7 = arith.constant 0 : index
    %get3A_8 = vector.load %arg3[%get3A_6, %get3A_7] : memref<1x128xf32, #tpu.memory_space<vmem>>, vector<1x128xf32>
    %add3A = vector.broadcast %get3A_8 : vector<1x128xf32> to vector<10000x128xf32>
    %add3A_9 = arith.addf %dot_general3A_5, %add3A : vector<10000x128xf32>
    %get3A_10 = arith.constant 0 : index
    %get3A_11 = arith.constant 0 : index
    %get3A_12 = vector.load %arg0[%get3A_10, %get3A_11] : memref<10000x128xf32, #tpu.memory_space<vmem>>, vector<10000x128xf32>
    %add3A_13 = arith.addf %add3A_9, %get3A_12 : vector<10000x128xf32>
    %get3A_14 = arith.constant 0 : index
    %get3A_15 = arith.constant 0 : index
    %get3A_16 = vector.load %arg4[%get3A_14, %get3A_15] : memref<1x128xf32, #tpu.memory_space<vmem>>, vector<1x128xf32>
    %get3A_17 = arith.constant 0 : index
    %get3A_18 = arith.constant 0 : index
    %get3A_19 = vector.load %arg5[%get3A_17, %get3A_18] : memref<1x128xf32, #tpu.memory_space<vmem>>, vector<1x128xf32>
    %reduce_sum3A = arith.constant dense<0.000000e+00> : vector<128xf32>
    %reduce_sum3A_20 = vector.multi_reduction <add>, %add3A_13, %reduce_sum3A [0] : vector<10000x128xf32> to vector<128xf32>
    %broadcast_in_dim3A = vector.shape_cast %reduce_sum3A_20 : vector<128xf32> to vector<1x128xf32>
    %div3A = arith.constant 1.000000e+04 : f32
    %div3A_21 = vector.broadcast %div3A : f32 to vector<1x128xf32>
    %div3A_22 = arith.divf %broadcast_in_dim3A, %div3A_21 : vector<1x128xf32>
    %sub3A = vector.broadcast %div3A_22 : vector<1x128xf32> to vector<10000x128xf32>
    %sub3A_23 = arith.subf %add3A_13, %sub3A : vector<10000x128xf32>
    %sub3A_24 = vector.broadcast %div3A_22 : vector<1x128xf32> to vector<10000x128xf32>
    %sub3A_25 = arith.subf %add3A_13, %sub3A_24 : vector<10000x128xf32>
    %mul3A = arith.mulf %sub3A_23, %sub3A_25 : vector<10000x128xf32>
    %reduce_sum3A_26 = arith.constant dense<0.000000e+00> : vector<128xf32>
    %reduce_sum3A_27 = vector.multi_reduction <add>, %mul3A, %reduce_sum3A_26 [0] : vector<10000x128xf32> to vector<128xf32>
    %broadcast_in_dim3A_28 = vector.shape_cast %reduce_sum3A_27 : vector<128xf32> to vector<1x128xf32>
    %div3A_29 = arith.constant 1.000000e+04 : f32
    %div3A_30 = vector.broadcast %div3A_29 : f32 to vector<1x128xf32>
    %div3A_31 = arith.divf %broadcast_in_dim3A_28, %div3A_30 : vector<1x128xf32>
    %sub3A_32 = vector.broadcast %div3A_22 : vector<1x128xf32> to vector<10000x128xf32>
    %sub3A_33 = arith.subf %add3A_13, %sub3A_32 : vector<10000x128xf32>
    %add3A_34 = arith.constant 9.99999974E-6 : f32
    %add3A_35 = vector.broadcast %add3A_34 : f32 to vector<1x128xf32>
    %add3A_36 = arith.addf %div3A_31, %add3A_35 : vector<1x128xf32>
    %rsqrt3A = math.rsqrt %add3A_36 : vector<1x128xf32>
    %mul3A_37 = vector.broadcast %rsqrt3A : vector<1x128xf32> to vector<10000x128xf32>
    %mul3A_38 = arith.mulf %sub3A_33, %mul3A_37 : vector<10000x128xf32>
    %mul3A_39 = vector.broadcast %get3A_16 : vector<1x128xf32> to vector<10000x128xf32>
    %mul3A_40 = arith.mulf %mul3A_38, %mul3A_39 : vector<10000x128xf32>
    %add3A_41 = vector.broadcast %get3A_19 : vector<1x128xf32> to vector<10000x128xf32>
    %add3A_42 = arith.addf %mul3A_40, %add3A_41 : vector<10000x128xf32>
    %swap3A = arith.constant 0 : index
    %swap3A_43 = arith.constant 0 : index
    %swap3A_44 = vector.load %arg6[%swap3A, %swap3A_43] : memref<10000x128xf32, #tpu.memory_space<vmem>>, vector<10000x128xf32>
    tpu.vector_store %arg6[%swap3A, %swap3A_43], %add3A_42 {strides = array<i32>} : memref<10000x128xf32, #tpu.memory_space<vmem>>, vector<10000x128xf32>,
    return
  }
}

module attributes {stable_mosaic.version = 14 : i64} {
  func.func @body(%arg0: memref<10000x128xf32, #tpu.memory_space<vmem>>, %arg1: memref<10000x128xf32, #tpu.memory_space<vmem>>, %arg2: memref<10000x128xf32, #tpu.memory_space<vmem>>, %arg3: memref<10000x128xf32, #tpu.memory_space<vmem>>, %arg4: memref<1x128xf32, #tpu.memory_space<vmem>>, %arg5: memref<1x128xf32, #tpu.memory_space<vmem>>, %arg6: memref<1x128xf32, #tpu.memory_space<vmem>>, %arg7: memref<10000x128xf32, #tpu.memory_space<vmem>>) attributes {dimension_semantics = [], scalar_prefetch = 0 : i64, scratch_operands = 0 : i64, tpu.core_type = #tpu.core_type<tc>} {
    %get3A = arith.constant 0 : index
    %get3A_0 = arith.constant 0 : index
    %get3A_1 = vector.load %arg3[%get3A, %get3A_0] : memref<10000x128xf32, #tpu.memory_space<vmem>>, vector<10000x128xf32>
    %slice3A = vector.extract_strided_slice %get3A_1 {offsets = [0, 0], sizes = [10000, 1], strides = [1, 1]} : vector<10000x128xf32> to vector<10000x1xf32>
    %add3A = arith.constant 1.000000e+00 : f32
    %add3A_2 = vector.broadcast %add3A : f32 to vector<10000x1xf32>
    %add3A_3 = arith.addf %add3A_2, %slice3A : vector<10000x1xf32>
    %rsqrt3A = math.rsqrt %add3A_3 : vector<10000x1xf32>
    %get3A_4 = arith.constant 0 : index
    %get3A_5 = arith.constant 0 : index
    %get3A_6 = vector.load %arg2[%get3A_4, %get3A_5] : memref<10000x128xf32, #tpu.memory_space<vmem>>, vector<10000x128xf32>
    %get3A_7 = arith.constant 0 : index
    %get3A_8 = arith.constant 0 : index
    %get3A_9 = vector.load %arg1[%get3A_7, %get3A_8] : memref<10000x128xf32, #tpu.memory_space<vmem>>, vector<10000x128xf32>
    %add3A_10 = arith.addf %get3A_6, %get3A_9 : vector<10000x128xf32>
    %mul3A = vector.broadcast %rsqrt3A : vector<10000x1xf32> to vector<10000x128xf32>
    %mul3A_11 = arith.mulf %mul3A, %add3A_10 : vector<10000x128xf32>
    %get3A_12 = arith.constant 0 : index
    %get3A_13 = arith.constant 0 : index
    %get3A_14 = vector.load %arg4[%get3A_12, %get3A_13] : memref<1x128xf32, #tpu.memory_space<vmem>>, vector<1x128xf32>
    %add3A_15 = vector.broadcast %get3A_14 : vector<1x128xf32> to vector<10000x128xf32>
    %add3A_16 = arith.addf %mul3A_11, %add3A_15 : vector<10000x128xf32>
    %get3A_17 = arith.constant 0 : index
    %get3A_18 = arith.constant 0 : index
    %get3A_19 = vector.load %arg0[%get3A_17, %get3A_18] : memref<10000x128xf32, #tpu.memory_space<vmem>>, vector<10000x128xf32>
    %add3A_20 = arith.addf %add3A_16, %get3A_19 : vector<10000x128xf32>
    %get3A_21 = arith.constant 0 : index
    %get3A_22 = arith.constant 0 : index
    %get3A_23 = vector.load %arg5[%get3A_21, %get3A_22] : memref<1x128xf32, #tpu.memory_space<vmem>>, vector<1x128xf32>
    %get3A_24 = arith.constant 0 : index
    %get3A_25 = arith.constant 0 : index
    %get3A_26 = vector.load %arg6[%get3A_24, %get3A_25] : memref<1x128xf32, #tpu.memory_space<vmem>>, vector<1x128xf32>
    %reduce_sum3A = arith.constant dense<0.000000e+00> : vector<128xf32>
    %reduce_sum3A_27 = vector.multi_reduction <add>, %add3A_20, %reduce_sum3A [0] : vector<10000x128xf32> to vector<128xf32>
    %broadcast_in_dim3A = vector.shape_cast %reduce_sum3A_27 : vector<128xf32> to vector<1x128xf32>
    %div3A = arith.constant 1.000000e+04 : f32
    %div3A_28 = vector.broadcast %div3A : f32 to vector<1x128xf32>
    %div3A_29 = arith.divf %broadcast_in_dim3A, %div3A_28 : vector<1x128xf32>
    %sub3A = vector.broadcast %div3A_29 : vector<1x128xf32> to vector<10000x128xf32>
    %sub3A_30 = arith.subf %add3A_20, %sub3A : vector<10000x128xf32>
    %sub3A_31 = vector.broadcast %div3A_29 : vector<1x128xf32> to vector<10000x128xf32>
    %sub3A_32 = arith.subf %add3A_20, %sub3A_31 : vector<10000x128xf32>
    %mul3A_33 = arith.mulf %sub3A_30, %sub3A_32 : vector<10000x128xf32>
    %reduce_sum3A_34 = arith.constant dense<0.000000e+00> : vector<128xf32>
    %reduce_sum3A_35 = vector.multi_reduction <add>, %mul3A_33, %reduce_sum3A_34 [0] : vector<10000x128xf32> to vector<128xf32>
    %broadcast_in_dim3A_36 = vector.shape_cast %reduce_sum3A_35 : vector<128xf32> to vector<1x128xf32>
    %div3A_37 = arith.constant 1.000000e+04 : f32
    %div3A_38 = vector.broadcast %div3A_37 : f32 to vector<1x128xf32>
    %div3A_39 = arith.divf %broadcast_in_dim3A_36, %div3A_38 : vector<1x128xf32>
    %sub3A_40 = vector.broadcast %div3A_29 : vector<1x128xf32> to vector<10000x128xf32>
    %sub3A_41 = arith.subf %add3A_20, %sub3A_40 : vector<10000x128xf32>
    %add3A_42 = arith.constant 9.99999974E-6 : f32
    %add3A_43 = vector.broadcast %add3A_42 : f32 to vector<1x128xf32>
    %add3A_44 = arith.addf %div3A_39, %add3A_43 : vector<1x128xf32>
    %rsqrt3A_45 = math.rsqrt %add3A_44 : vector<1x128xf32>
    %mul3A_46 = vector.broadcast %rsqrt3A_45 : vector<1x128xf32> to vector<10000x128xf32>
    %mul3A_47 = arith.mulf %sub3A_41, %mul3A_46 : vector<10000x128xf32>
    %mul3A_48 = vector.broadcast %get3A_23 : vector<1x128xf32> to vector<10000x128xf32>
    %mul3A_49 = arith.mulf %mul3A_47, %mul3A_48 : vector<10000x128xf32>
    %add3A_50 = vector.broadcast %get3A_26 : vector<1x128xf32> to vector<10000x128xf32>
    %add3A_51 = arith.addf %mul3A_49, %add3A_50 : vector<10000x128xf32>
    %swap3A = arith.constant 0 : index
    %swap3A_52 = arith.constant 0 : index
    %swap3A_53 = vector.load %arg7[%swap3A, %swap3A_52] : memref<10000x128xf32, #tpu.memory_space<vmem>>, vector<10000x128xf32>
    tpu.vector_store %arg7[%swap3A, %swap3A_52], %add3A_51 {strides = array<i32>} : memref<10000x128xf32, #tpu.memory_space<vmem>>, vector<10000x128xf32>,
    return
  }
}

module attributes {stable_mosaic.version = 14 : i64} {
  func.func @body(%arg0: memref<10000x128xf32, #tpu.memory_space<vmem>>, %arg1: memref<10000x128xf32, #tpu.memory_space<vmem>>, %arg2: memref<128x256xf32, #tpu.memory_space<vmem>>, %arg3: memref<1x256xf32, #tpu.memory_space<vmem>>, %arg4: memref<256x128xf32, #tpu.memory_space<vmem>>, %arg5: memref<1x128xf32, #tpu.memory_space<vmem>>, %arg6: memref<1x128xf32, #tpu.memory_space<vmem>>, %arg7: memref<1x128xf32, #tpu.memory_space<vmem>>, %arg8: memref<10000x128xf32, #tpu.memory_space<vmem>>) attributes {dimension_semantics = [], scalar_prefetch = 0 : i64, scratch_operands = 0 : i64, tpu.core_type = #tpu.core_type<tc>} {
    %get3A = arith.constant 0 : index
    %get3A_0 = arith.constant 0 : index
    %get3A_1 = vector.load %arg0[%get3A, %get3A_0] : memref<10000x128xf32, #tpu.memory_space<vmem>>, vector<10000x128xf32>
    %get3A_2 = arith.constant 0 : index
    %get3A_3 = arith.constant 0 : index
    %get3A_4 = vector.load %arg1[%get3A_2, %get3A_3] : memref<10000x128xf32, #tpu.memory_space<vmem>>, vector<10000x128xf32>
    %add3A = arith.addf %get3A_1, %get3A_4 : vector<10000x128xf32>
    %get3A_5 = arith.constant 0 : index
    %get3A_6 = arith.constant 0 : index
    %get3A_7 = vector.load %arg2[%get3A_5, %get3A_6] : memref<128x256xf32, #tpu.memory_space<vmem>>, vector<128x256xf32>
    %dot_general3A = arith.constant dense<0.000000e+00> : vector<10000x256xf32>
    %dot_general3A_8 = tpu.matmul %add3A, %get3A_7, %dot_general3A {dimension_numbers = #tpu.dot_dimension_numbers<[1], [0], [0], [1], [0, 0, 1, 1], [], []>, transpose_lhs_hint = false} : vector<10000x128xf32>, vector<128x256xf32>, vector<10000x256xf32> -> vector<10000x256xf32>
    %get3A_9 = arith.constant 0 : index
    %get3A_10 = arith.constant 0 : index
    %get3A_11 = vector.load %arg3[%get3A_9, %get3A_10] : memref<1x256xf32, #tpu.memory_space<vmem>>, vector<1x256xf32>
    %add3A_12 = vector.broadcast %get3A_11 : vector<1x256xf32> to vector<10000x256xf32>
    %add3A_13 = arith.addf %dot_general3A_8, %add3A_12 : vector<10000x256xf32>
    %max3A = arith.constant 0.000000e+00 : f32
    %max3A_14 = vector.broadcast %max3A : f32 to vector<10000x256xf32>
    %max3A_15 = arith.maximumf %add3A_13, %max3A_14 : vector<10000x256xf32>
    %get3A_16 = arith.constant 0 : index
    %get3A_17 = arith.constant 0 : index
    %get3A_18 = vector.load %arg4[%get3A_16, %get3A_17] : memref<256x128xf32, #tpu.memory_space<vmem>>, vector<256x128xf32>
    %dot_general3A_19 = arith.constant dense<0.000000e+00> : vector<10000x128xf32>
    %dot_general3A_20 = tpu.matmul %max3A_15, %get3A_18, %dot_general3A_19 {dimension_numbers = #tpu.dot_dimension_numbers<[1], [0], [0], [1], [0, 0, 1, 1], [], []>, transpose_lhs_hint = false} : vector<10000x256xf32>, vector<256x128xf32>, vector<10000x128xf32> -> vector<10000x128xf32>
    %get3A_21 = arith.constant 0 : index
    %get3A_22 = arith.constant 0 : index
    %get3A_23 = vector.load %arg5[%get3A_21, %get3A_22] : memref<1x128xf32, #tpu.memory_space<vmem>>, vector<1x128xf32>
    %add3A_24 = vector.broadcast %get3A_23 : vector<1x128xf32> to vector<10000x128xf32>
    %add3A_25 = arith.addf %dot_general3A_20, %add3A_24 : vector<10000x128xf32>
    %add3A_26 = arith.addf %add3A, %add3A_25 : vector<10000x128xf32>
    %get3A_27 = arith.constant 0 : index
    %get3A_28 = arith.constant 0 : index
    %get3A_29 = vector.load %arg6[%get3A_27, %get3A_28] : memref<1x128xf32, #tpu.memory_space<vmem>>, vector<1x128xf32>
    %get3A_30 = arith.constant 0 : index
    %get3A_31 = arith.constant 0 : index
    %get3A_32 = vector.load %arg7[%get3A_30, %get3A_31] : memref<1x128xf32, #tpu.memory_space<vmem>>, vector<1x128xf32>
    %reduce_sum3A = arith.constant dense<0.000000e+00> : vector<128xf32>
    %reduce_sum3A_33 = vector.multi_reduction <add>, %add3A_26, %reduce_sum3A [0] : vector<10000x128xf32> to vector<128xf32>
    %broadcast_in_dim3A = vector.shape_cast %reduce_sum3A_33 : vector<128xf32> to vector<1x128xf32>
    %div3A = arith.constant 1.000000e+04 : f32
    %div3A_34 = vector.broadcast %div3A : f32 to vector<1x128xf32>
    %div3A_35 = arith.divf %broadcast_in_dim3A, %div3A_34 : vector<1x128xf32>
    %sub3A = vector.broadcast %div3A_35 : vector<1x128xf32> to vector<10000x128xf32>
    %sub3A_36 = arith.subf %add3A_26, %sub3A : vector<10000x128xf32>
    %sub3A_37 = vector.broadcast %div3A_35 : vector<1x128xf32> to vector<10000x128xf32>
    %sub3A_38 = arith.subf %add3A_26, %sub3A_37 : vector<10000x128xf32>
    %mul3A = arith.mulf %sub3A_36, %sub3A_38 : vector<10000x128xf32>
    %reduce_sum3A_39 = arith.constant dense<0.000000e+00> : vector<128xf32>
    %reduce_sum3A_40 = vector.multi_reduction <add>, %mul3A, %reduce_sum3A_39 [0] : vector<10000x128xf32> to vector<128xf32>
    %broadcast_in_dim3A_41 = vector.shape_cast %reduce_sum3A_40 : vector<128xf32> to vector<1x128xf32>
    %div3A_42 = arith.constant 1.000000e+04 : f32
    %div3A_43 = vector.broadcast %div3A_42 : f32 to vector<1x128xf32>
    %div3A_44 = arith.divf %broadcast_in_dim3A_41, %div3A_43 : vector<1x128xf32>
    %sub3A_45 = vector.broadcast %div3A_35 : vector<1x128xf32> to vector<10000x128xf32>
    %sub3A_46 = arith.subf %add3A_26, %sub3A_45 : vector<10000x128xf32>
    %add3A_47 = arith.constant 9.99999974E-6 : f32
    %add3A_48 = vector.broadcast %add3A_47 : f32 to vector<1x128xf32>
    %add3A_49 = arith.addf %div3A_44, %add3A_48 : vector<1x128xf32>
    %rsqrt3A = math.rsqrt %add3A_49 : vector<1x128xf32>
    %mul3A_50 = vector.broadcast %rsqrt3A : vector<1x128xf32> to vector<10000x128xf32>
    %mul3A_51 = arith.mulf %sub3A_46, %mul3A_50 : vector<10000x128xf32>
    %mul3A_52 = vector.broadcast %get3A_29 : vector<1x128xf32> to vector<10000x128xf32>
    %mul3A_53 = arith.mulf %mul3A_51, %mul3A_52 : vector<10000x128xf32>
    %add3A_54 = vector.broadcast %get3A_32 : vector<1x128xf32> to vector<10000x128xf32>
    %add3A_55 = arith.addf %mul3A_53, %add3A_54 : vector<10000x128xf32>
    %max3A_56 = arith.constant 0.000000e+00 : f32
    %max3A_57 = vector.broadcast %max3A_56 : f32 to vector<10000x128xf32>
    %max3A_58 = arith.maximumf %add3A_55, %max3A_57 : vector<10000x128xf32>
    %swap3A = arith.constant 0 : index
    %swap3A_59 = arith.constant 0 : index
    %swap3A_60 = vector.load %arg8[%swap3A, %swap3A_59] : memref<10000x128xf32, #tpu.memory_space<vmem>>, vector<10000x128xf32>
    tpu.vector_store %arg8[%swap3A, %swap3A_59], %max3A_58 {strides = array<i32>} : memref<10000x128xf32, #tpu.memory_space<vmem>>, vector<10000x128xf32>,
    return
  }
}

module attributes {stable_mosaic.version = 14 : i64} {
  func.func @body(%arg0: memref<10000x128xf32, #tpu.memory_space<vmem>>, %arg1: memref<128x256xf32, #tpu.memory_space<vmem>>, %arg2: memref<1x256xf32, #tpu.memory_space<vmem>>, %arg3: memref<256x64xf32, #tpu.memory_space<vmem>>, %arg4: memref<1x64xf32, #tpu.memory_space<vmem>>, %arg5: memref<10000x64xf32, #tpu.memory_space<vmem>>) attributes {dimension_semantics = [], scalar_prefetch = 0 : i64, scratch_operands = 0 : i64, tpu.core_type = #tpu.core_type<tc>} {
    %get3A = arith.constant 0 : index
    %get3A_0 = arith.constant 0 : index
    %get3A_1 = vector.load %arg0[%get3A, %get3A_0] : memref<10000x128xf32, #tpu.memory_space<vmem>>, vector<10000x128xf32>
    %get3A_2 = arith.constant 0 : index
    %get3A_3 = arith.constant 0 : index
    %get3A_4 = vector.load %arg1[%get3A_2, %get3A_3] : memref<128x256xf32, #tpu.memory_space<vmem>>, vector<128x256xf32>
    %dot_general3A = arith.constant dense<0.000000e+00> : vector<10000x256xf32>
    %dot_general3A_5 = tpu.matmul %get3A_1, %get3A_4, %dot_general3A {dimension_numbers = #tpu.dot_dimension_numbers<[1], [0], [0], [1], [0, 0, 1, 1], [], []>, transpose_lhs_hint = false} : vector<10000x128xf32>, vector<128x256xf32>, vector<10000x256xf32> -> vector<10000x256xf32>
    %get3A_6 = arith.constant 0 : index
    %get3A_7 = arith.constant 0 : index
    %get3A_8 = vector.load %arg2[%get3A_6, %get3A_7] : memref<1x256xf32, #tpu.memory_space<vmem>>, vector<1x256xf32>
    %add3A = vector.broadcast %get3A_8 : vector<1x256xf32> to vector<10000x256xf32>
    %add3A_9 = arith.addf %dot_general3A_5, %add3A : vector<10000x256xf32>
    %max3A = arith.constant 0.000000e+00 : f32
    %max3A_10 = vector.broadcast %max3A : f32 to vector<10000x256xf32>
    %max3A_11 = arith.maximumf %add3A_9, %max3A_10 : vector<10000x256xf32>
    %get3A_12 = arith.constant 0 : index
    %get3A_13 = arith.constant 0 : index
    %get3A_14 = vector.load %arg3[%get3A_12, %get3A_13] : memref<256x64xf32, #tpu.memory_space<vmem>>, vector<256x64xf32>
    %dot_general3A_15 = arith.constant dense<0.000000e+00> : vector<10000x64xf32>
    %dot_general3A_16 = tpu.matmul %max3A_11, %get3A_14, %dot_general3A_15 {dimension_numbers = #tpu.dot_dimension_numbers<[1], [0], [0], [1], [0, 0, 1, 1], [], []>, transpose_lhs_hint = false} : vector<10000x256xf32>, vector<256x64xf32>, vector<10000x64xf32> -> vector<10000x64xf32>
    %get3A_17 = arith.constant 0 : index
    %get3A_18 = arith.constant 0 : index
    %get3A_19 = vector.load %arg4[%get3A_17, %get3A_18] : memref<1x64xf32, #tpu.memory_space<vmem>>, vector<1x64xf32>
    %add3A_20 = vector.broadcast %get3A_19 : vector<1x64xf32> to vector<10000x64xf32>
    %add3A_21 = arith.addf %dot_general3A_16, %add3A_20 : vector<10000x64xf32>
    %swap3A = arith.constant 0 : index
    %swap3A_22 = arith.constant 0 : index
    %swap3A_23 = vector.load %arg5[%swap3A, %swap3A_22] : memref<10000x64xf32, #tpu.memory_space<vmem>>, vector<10000x64xf32>
    tpu.vector_store %arg5[%swap3A, %swap3A_22], %add3A_21 {strides = array<i32>} : memref<10000x64xf32, #tpu.memory_space<vmem>>, vector<10000x64xf32>,
    return
  }
}

</mosaic_0001>

<sc_bundles>
// kernel: _forward_impl.19.cloned.1.call-start
scs
__scs_entry_jumppad:
0x0: {  	(pc) =	sbr.rel $0x88, $3  }
0x1: {  	(tag) =	ssettag $0x0;
	lr =	simm.s32 $0x1  }
0x2: {  	[smem:$0x3F71] =	sst lr;
	_ =	strace $0xD0000000  }
0x3: {  	_ = 	snop  }
0x4: {  	_ = 	snop  }
0x5: {  	_ = 	snop  }
0x6: {  	_ = 	snop  }
0x7: {  	_ = 	snop  }
__scs_overlays_trampoline_lowered:
0x8: {  	[smem:$0x3F80] =	sst s0  }
0x9: {  	[smem:$0x3F81] =	sst s1  }
0xa: {  	[smem:$0x3F82] =	sst s2  }
0xb: {  	[smem:$0x3F83] =	sst s3  }
0xc: {  	[smem:$0x3F84] =	sst s4  }
0xd: {  	[smem:$0x3F85] =	sst s5  }
0xe: {  	[smem:$0x3F86] =	sst s6  }
0xf: {  	[smem:$0x3F87] =	sst s7  }
0x10: {  	[smem:$0x3F88] =	sst s8  }
0x11: {  	[smem:$0x3F89] =	sst s9;
	s0 =	simm.s32 @!p0 $0x0  }
0x12: {  	s1 =	sld [smem:$0x3F6F];
	s0 =	simm.s32 @p0 $0x1  }
0x13: {  	[smem:$0x3F8A] =	sst s0;
	s0 =	simm.s32 @!p1 $0x0  }
0x14: {  	s2 =	sld [smem:$0x3F6E];
	s0 =	simm.s32 @p1 $0x1  }
0x15: {  	[smem:$0x3F8B] =	sst s0;
	s0 =	simm.s32 @!p2 $0x0  }
0x16: {  	s3 =	sld [smem:$0x3FDB];
	s0 =	simm.s32 @p2 $0x1  }
0x17: {  	s4 =	simm.s32 $0x1BF5;
	[smem:$0x3F8D] =	sst s0  }
0x18: {  	s0 =	sld [smem:$0x3F70];
	_ =	swait.ge [sflag:s4], $0x0  }
0x19: {  	s7 =	sld [smem:$0x3F71]  }
0x1a: {  	s8 =	sadd.s32 $0xFFFFE003, lr  }
0x1b: {  	s9 =	sadd.s32 $0xFFFFFEF7, lr;
	s5 =	simm.s32 $0xFFFFFFFF;
	p2 =	slt.u32 s8, $0xFFFFF086  }
0x1c: {  	p1 =	slt.u32 s9, $0xF7A;
	s5 =	simm.s32 @!p2 $0x0  }
0x1d: {  	s5 =	simm.s32 @p1 $0x1;
	p0 =	seq.s32 s7, s2  }
0x1e: {  	s7 =	smul.u32 @!p0 $0xF7A, s2;
	p2 =	seq.s32 @!p0 s5, $0x0  }
0x1f: {  	s9 =	smul.u32 $0xF7A, s1;
	s8 =	simm.s32 @!p0 $0x1BF5;
	p2 =	por !p2, p0  }
0x20: {  	[sflag:s8] =	ssyncset.s32 @!p0 $0xFFFFF086;
	s6 =	sadd.s32 @!p0 s3, s7;
	s7 =	simm.s32 @!p0 $0x108  }
0x21: {  	s3 =	sadd.s32 s3, s9;
	s6 =	sadd.s32 @!p0 $0x88, s6;
	s7 =	simm.s32 @p2 $0x1082  }
0x22: {  	[simem:s7], [sflag:s8] =	dma.local @!p0 [hbm:s6], $0xF7A  }
0x23: {  	s9 =	sor.u32 $0xD0000000, s2;
	s6 =	simm.s32 $0x108;
	_ =	swait.ge @!p0 [sflag:s8], $0x0  }
0x24: {  	s3 =	sadd.s32 $0x88, s3;
	s6 =	simm.s32 @!p1 $0x1082;
	[sflag:s4] =	ssyncset.s32 $0xFFFFF086  }
0x25: {  	[simem:s6], [sflag:s4] =	dma.local [hbm:s3], $0xF7A  }
0x26: {  	[smem:$0x3F71] =	sst s1;
	(tag) =	ssettag s2;
	_ =	strace s9  }
0x27: {  	s1 =	sld [smem:$0x3F81]  }
0x28: {  	s2 =	sld [smem:$0x3F82]  }
0x29: {  	s4 =	sld [smem:$0x3F84]  }
0x2a: {  	p0 =	seq.s32 s5, $0x0;
	s5 =	sld [smem:$0x3F85]  }
0x2b: {  	s6 =	sld [smem:$0x3F86]  }
0x2c: {  	s7 =	sld [smem:$0x3F87]  }
0x2d: {  	s3 =	simm.s32 $0x108;
	s8 =	sld [smem:$0x3F88]  }
0x2e: {  	s3 =	simm.s32 @!p0 $0x1082;
	s9 =	sld [smem:$0x3F89]  }
0x2f: {  	lr =	sadd.s32 s0, s3;
	s0 =	sld [smem:$0x3F80]  }
0x30: {  	s3 =	sld [smem:$0x3F83]  }
0x31: {  	[smem:$0x3F8C] =	sst s10  }
0x32: {  	s10 =	sld [smem:$0x3F8A];
	_ =	sdelay $0x3  }
0x33: {  	p0 =	seq.s32 s10, $0x1;
	s10 =	sld [smem:$0x3F8C];
	_ =	sdelay $0x3  }
0x34: {  	[smem:$0x3F8C] =	sst s10  }
0x35: {  	s10 =	sld [smem:$0x3F8B];
	_ =	sdelay $0x3  }
0x36: {  	p1 =	seq.s32 s10, $0x1;
	s10 =	sld [smem:$0x3F8C];
	_ =	sdelay $0x3  }
0x37: {  	[smem:$0x3F8C] =	sst s10  }
0x38: {  	s10 =	sld [smem:$0x3F8D]  }
0x39: {  	_ = 	snop;
	(pc) =	sbr.ind lr, $3  }
0x3a: {  	_ = 	snop  }
0x3b: {  	_ = 	snop  }
0x3c: {  	p2 =	seq.s32 s10, $0x1;
	s10 =	sld [smem:$0x3F8C]  }
0x3d: {  	_ =	shalt  }
0x3e: {  	_ =	shalt  }
0x3f: {  	_ =	shalt  }
0x40: {  	_ =	shalt  }
0x41: {  	_ =	shalt  }
0x42: {  	_ =	shalt  }
0x43: {  	_ =	shalt  }
0x44: {  	_ =	shalt  }
0x45: {  	_ =	shalt  }
0x46: {  	_ =	shalt  }
0x47: {  	_ =	shalt  }
0x48: {  	_ =	shalt  }
0x49: {  	_ =	shalt  }
0x4a: {  	_ =	shalt  }
0x4b: {  	_ =	shalt  }
0x4c: {  	_ =	shalt  }
0x4d: {  	_ =	shalt  }
0x4e: {  	_ =	shalt  }
0x4f: {  	_ =	shalt  }
0x50: {  	_ =	shalt  }
0x51: {  	_ =	shalt  }
0x52: {  	_ =	shalt  }
0x53: {  	_ =	shalt  }
0x54: {  	_ =	shalt  }
0x55: {  	_ =	shalt  }
0x56: {  	_ =	shalt  }
0x57: {  	_ =	shalt  }
0x58: {  	_ =	shalt  }
0x59: {  	_ =	shalt  }
0x5a: {  	_ =	shalt  }
0x5b: {  	_ =	shalt  }
0x5c: {  	_ =	shalt  }
0x5d: {  	_ =	shalt  }
0x5e: {  	_ =	shalt  }
0x5f: {  	_ =	shalt  }
0x60: {  	_ =	shalt  }
0x61: {  	_ =	shalt  }
0x62: {  	_ =	shalt  }
0x63: {  	_ =	shalt  }
0x64: {  	_ =	shalt  }
0x65: {  	_ =	shalt  }
0x66: {  	_ =	shalt  }
0x67: {  	_ =	shalt  }
0x68: {  	_ =	shalt  }
0x69: {  	_ =	shalt  }
0x6a: {  	_ =	shalt  }
0x6b: {  	_ =	shalt  }
0x6c: {  	_ =	shalt  }
0x6d: {  	_ =	shalt  }
0x6e: {  	_ =	shalt  }
0x6f: {  	_ =	shalt  }
0x70: {  	_ =	shalt  }
0x71: {  	_ =	shalt  }
0x72: {  	_ =	shalt  }
0x73: {  	_ =	shalt  }
0x74: {  	_ =	shalt  }
0x75: {  	_ =	shalt  }
0x76: {  	_ =	shalt  }
0x77: {  	_ =	shalt  }
0x78: {  	_ =	shalt  }
0x79: {  	_ =	shalt  }
0x7a: {  	_ =	shalt  }
0x7b: {  	_ =	shalt  }
0x7c: {  	_ =	shalt  }
0x7d: {  	_ =	shalt  }
0x7e: {  	_ =	shalt  }
0x7f: {  	_ =	shalt  }
0x80: {  	_ =	shalt  }
0x81: {  	_ =	shalt  }
0x82: {  	_ =	shalt  }
0x83: {  	_ =	shalt  }
0x84: {  	_ =	shalt  }
0x85: {  	_ =	shalt  }
0x86: {  	_ =	shalt  }
0x87: {  	_ =	shalt  }
.Lfunc_end0:
.L_simem_size_0:
called_computation_lowered:
.L_overlay_start_0:
0x88: {  	s2 =	sld [smem:$0x3FD9]  }
0x89: {  	s3 =	sld [smem:$0x3FFE];
	_ =	sdelay $0x1  }
0x8a: {  	s1 =	srdreg.scid  }
0x8b: {  	s0 =	sand.u32 $0x1, s1  }
0x8c: {  	s17 =	sshll.u32 s0, $0xA;
	s2 =	sadd.s32 s3, s2  }
0x8d: {  	s2 =	sadd.s32 s2, s17  }
0x8e: {  	[smem:$0x3F98] =	sst s2  }
0x8f: {  	_ = 	snop  }
0x90: {  	s2 =	sld [smem:$0x3FD0];
	(tm) =	ssettm $0x1  }
0x91: {  	s18 =	sld [smem:$0x3FFB];
	_ =	sdelay $0x3  }
0x92: {  	_ =	strace s18  }
0x93: {  	s3 =	sld [smem:$0x3FFC];
	_ =	sdelay $0x3  }
0x94: {  	_ =	strace s3  }
0x95: {  	s3 =	sld [smem:$0x3FFD];
	_ =	sdelay $0x3  }
0x96: {  	_ =	strace s3  }
0x97: {  	_ =	strace $0x8FFFFFFF  }
0x98: {  	s19 =	sld [smem:$0x3FDB];
	_ =	sdelay $0x1  }
0x99: {  	s4 =	simm.s32 $_scs_section_size  }
0x9a: {  	s5 =	simm.s32 $_size__tile_overlayer_lowered;
	s6 =	simm.s32 $_tile_overlayer_lowered  }
0x9b: {  	s22 =	simm.s32 $0x1BFF;
	s21 =	sshll.u32 s6, $0x1;
	s3 =	sadd.s32 s4, s19  }
0x9c: {  	s7 =	simm.s32 $0x0;
	s20 =	sshll.u32 s5, $0x1;
	s5 =	sadd.s32 s21, s3  }
0x9d: {  	[timem:s7], [sflag:s22] =	dma.local [hbm:s5], s20  }
0x9e: {  	_ =	swait.ge [sflag:s22], s20  }
0x9f: {  	s4 =	ssub.s32 $0x0, s20;
	[sflag:s22] =	ssyncset.done $0x0  }
0xa0: {  	[sflag:s22] =	ssyncadd.s32 s4;
	_ =	sdelay $0x1  }
0xa1: {  	s23 =	simm.s32 $0x1B8B  }
0xa2: {  	_ =	swait.ge [sflag:s23], $0x1  }
0xa3: {  	[sflag:s23] =	ssyncset.done $0x0  }
0xa4: {  	s25 =	simm.s32 $0x1B8E;
	s24 =	sld [smem:$0x3FFE];
	[sflag:s23] =	ssyncadd.s32 $0xFFFFFFFF  }
0xa5: {  	s26 =	simm.s32 $execute0_lowered;
	[smem:$0x3FD2] =	sst s25  }
0xa6: {  	s5 =	sshll.u32 s26, $0x1;
	_ =	strace $0x80000046;
	[dreg:$0x1] =	wrdreg $0xFFFFFFFF  }
0xa7: {  	s28 =	simm.s32 $_size_execute0_lowered;
	s3 =	sadd.s32 s3, s5;
	[dreg:$0x0] =	wrdreg $0x0  }
0xa8: {  	s5 =	sshll.u32 s28, $0x1;
	[dreg:$0x2] =	wrdreg s3  }
0xa9: {  	[dreg:$0x3] =	wrdreg s5  }
0xaa: {  	[dreg:$0x4] =	wrdreg $0xC0  }
0xab: {  	_ =	task [dreg:s7], $0x5FFFF  }
0xac: {  	[dreg:$0x1] =	wrdreg $0xFFFFFFFF  }
0xad: {  	[dreg:$0x0] =	wrdreg $0x60  }
0xae: {  	[dreg:$0x2] =	wrdreg s2  }
0xaf: {  	[dreg:$0x3] =	wrdreg s24  }
0xb0: {  	[dreg:$0x4] =	wrdreg $0x41000  }
0xb1: {  	[dreg:$0x5] =	wrdreg $0x9  }
0xb2: {  	_ =	task.clear_ibuf [dreg:s7], $0x6FFFF;
	_ =	strace $0x90000046  }
0xb3: {  	s29 =	simm.s32 $0x9;
	_ =	strace $0x80000048  }
0xb4: {  	_ =	swait.ge [sflag:s29], $0x1  }
0xb5: {  	[sflag:s29] =	ssyncadd.s32 $0xFFFFFFFF  }
0xb6: {  	_ =	strace $0x90000048  }
0xb7: {  	_ =	sfence  }
0xb8: {  	s30 =	sld [smem:$0x0];
	_ =	sdelay $0x2  }
0xb9: {  	s31 =	sshll.u32 s1, $0xD;
	s1 =	sshrl.u32 s1, $0x2  }
0xba: {  	s3 =	sand.u32 $0x4000, s31;
	s1 =	sadd.s32 s1, s30  }
0xbb: {  	s0 =	sor.u32 s3, s0;
	s1 =	sshll.u32 s1, $0x11  }
0xbc: {  	s0 =	sor.u32 s1, s0  }
0xbd: {  	s0 =	sadd.s32 $0x8F2B, s0  }
0xbe: {  	[sflag:s0] =	ssyncadd.remote.s32 $0x1  }
0xbf: {  	_ =	sfence.sel $0xFFFF  }
0xc0: {  	[dreg:$0x0] =	wrdreg $0xFFFFFFFF;
	(pc) =	sbr.abs _section_cstart, $3  }
0xc1: {  	[dreg:$0x1] =	wrdreg $0xFFFFFFFF  }
0xc2: {  	_ =	task.clear_ibuf [dreg:s7], $0x2FFFF;
	_ =	strace $0x9FFFFFFF  }
0xc3: {  	(tm) =	ssettm $0x7FFFFFFF  }
tec
execute0_lowered:
.L_overlay_start_1:
0x0: {  	(tag) =	ssettag $0x1  }
0x1: {  	s8 =	rddreg [dreg:$0x0]  }
0x2: {  	s6 =	rddreg [dreg:$0x1]  }
0x3: {  	s1 =	rddreg [dreg:$0x2]  }
0x4: {  	s0 =	rddreg [dreg:$0x3];
	s2 =	simm.s32 $0x0;
	s3 =	srdreg.scid  }
0x5: {  	s15 =	simm.s32 $0x4080;
	[smem:$0x7FF] =	sst s2;
	s7 =	sand.u32 $0x1, s3  }
0x6: {  	s16 =	simm.s32 $0x80;
	s3 =	stileid.u32;
	s9 =	smul.u32 $0x14800, s7  }
0x7: {  	s4 =	sadd.s32 $0xF600, s6;
	s5 =	sadd.s32 $0xE000, s6;
	s12 =	smul.u32 $0x29000, s3  }
0x8: {  	_ =	strace $0x80000047;
	s10 =	ssub.s32 $0x2, s7;
	s31 =	smul.u32 $0x5000, s7  }
0x9: {  	s30 =	sshll.u32 s3, $0x6;
	s7 =	smul.u32 $0x500, s3;
	s11 =	sshrl.u32 s10, $0x1  }
0xa: {  	s19 =	smul.u32 $0x1480, s3;
	s9 =	sadd.s32 s9, s6;
	s10 =	ssub.s32 s10, s11  }
0xb: {  	s29 =	sshrl.u32 s12, $0x2;
	s6 =	sor.u32 $0x1C01, s30;
	s8 =	sadd.s32 s8, s31  }
0xc: {  	s17 =	sadd.s32 $0x4F0, s7;
	s11 =	simm.s32 $0x1;
	s13 =	sadd.s32 s29, s1  }
0xd: {  	s18 =	sadd.s32 $0xFE00, s9;
	s9 =	smax.u32 s10, $0x1;
	s12 =	sadd.s32 s7, s8  }
0xe: {  	s17 =	sadd.s32 s17, s8;
	s10 =	sshrl.u32 s13, $0x3;
	s13 =	simm.s32 $0x4000  }
0xf: {  	s14 =	sadd.s32 $0x20, s12;
	s18 =	sadd.s32 s19, s18;
	s19 =	simm.s32 $0x0  }
.LBB2_1:
0x10: {  	[spmem:s10], [sflag:s6] =	dma.local [hbm:s5], $0x1480  }
0x11: {  	_ =	swait.ge [sflag:s11], $0x1480  }
0x12: {  	[sflag:s11] =	ssyncset.done $0x0  }
0x13: {  	[sflag:s11] =	ssyncadd.s32 $0xFFFFEB80  }
0x14: {  	[tilespmem:s2], [sflag:$0x1] =	stream.linear.gather [hbm4b:s4+s2], $0x4000, $0x38;
	[tilespmem:$0xE500] =	vst v63  }
0x15: {  	_ =	swait.ge [sflag:s11], $0x4000  }
0x16: {  	[sflag:s11] =	ssyncset.done $0x0  }
0x17: {  	[sflag:s11] =	ssyncadd.s32 $0xFFFFC000  }
0x18: {  	s20 =	sadd.s32 $0x0, s7;
	s21 =	sand.u32 $0x60, s2;
	[bflag:$0x0] =	sbarrier.arrive $0xFFFF  }
0x19: {  	[tilespmem:s13], [sflag:$0x1] =	stream.linear.gather [hbm4b:s12+s2], $0x80, $0x38;
	[tilespmem:$0xE500] =	vst v63  }
0x1a: {  	s20 =	sand.u32 $0xFF80, s20;
	s21 =	sadd.s32 s21, s8;
	_ =	swait.ge [sflag:s11], $0x80  }
0x1b: {  	s20 =	sadd.s32 s20, s21;
	[sflag:s11] =	ssyncset.done $0x0  }
0x1c: {  	s20 =	sadd.s32 $0x10, s20;
	[sflag:s11] =	ssyncadd.s32 $0xFFFFFF80  }
0x1d: {  	[tilespmem:s15], [sflag:$0x1] =	stream.linear.gather [hbm4b:s20+s2], $0x80, $0x38;
	[tilespmem:$0xE500] =	vst v63  }
0x1e: {  	_ =	swait.ge [sflag:s11], $0x80  }
0x1f: {  	[sflag:s11] =	ssyncset.done $0x0  }
0x20: {  	[sflag:s11] =	ssyncadd.s32 $0xFFFFFF80  }
0x21: {  	[spmem:s1] =	stream.indirect.scatter.add.f32 [tilespmem:s2], [sflag:$0x1], $0x80, s13, s16, $0xb8;
	[tilespmem:$0xE500] =	vst v63  }
0x22: {  	_ =	swait.ge [sflag:s11], $0x4000  }
0x23: {  	[sflag:s11] =	ssyncset.done $0x0  }
0x24: {  	s30 =	sadd.s32 $0x0, s14;
	[sflag:s11] =	ssyncadd.s32 $0xFFFFC000  }
0x25: {  	[tilespmem:s13], [sflag:$0x1] =	stream.linear.gather [hbm4b:s30+s2], $0x80, $0x38;
	[tilespmem:$0xE500] =	vst v63  }
0x26: {  	_ =	swait.ge [sflag:s11], $0x80  }
0x27: {  	s20 =	simm.s32 $0x20;
	[sflag:s11] =	ssyncset.done $0x0  }
0x28: {  	s31 =	sadd.s32 $0x20, s7;
	s22 =	sand.u32 $0x60, s20;
	[sflag:s11] =	ssyncadd.s32 $0xFFFFFF80  }
0x29: {  	[spmem:s1] =	stream.indirect.scatter.add.f32 [tilespmem:s2], [sflag:$0x1], $0x80, s15, s16, $0xb8;
	[tilespmem:$0xE500] =	vst v63  }
0x2a: {  	s23 =	sand.u32 $0xFF80, s31;
	s22 =	sadd.s32 s22, s8;
	_ =	swait.ge [sflag:s11], $0x4000  }
0x2b: {  	s21 =	simm.s32 $0x40;
	s22 =	sadd.s32 s23, s22;
	[sflag:s11] =	ssyncset.done $0x0  }
.LBB2_2:
0x2c: {  	s22 =	sadd.s32 $0x10, s22  }
0x2d: {  	[sflag:s11] =	ssyncadd.s32 $0xFFFFC000;
	s23 =	smov.u32 s21;
	s24 =	sadd.s32 $0x20, s21  }
0x2e: {  	[tilespmem:s15], [sflag:$0x1] =	stream.linear.gather [hbm4b:s22+s2], $0x80, $0x38;
	[tilespmem:$0xE500] =	vst v63  }
0x2f: {  	p0 =	sne.s32 s21, $0x4C0;
	_ =	swait.ge [sflag:s11], $0x80  }
0x30: {  	[sflag:s11] =	ssyncset.done $0x0  }
0x31: {  	[sflag:s11] =	ssyncadd.s32 $0xFFFFFF80  }
0x32: {  	[spmem:s1] =	stream.indirect.scatter.add.f32 [tilespmem:s2], [sflag:$0x1], $0x80, s13, s16, $0xb8;
	[tilespmem:$0xE500] =	vst v63  }
0x33: {  	_ =	swait.ge [sflag:s11], $0x4000  }
0x34: {  	[sflag:s11] =	ssyncset.done $0x0  }
0x35: {  	s21 =	sadd.s32 s20, s14;
	s20 =	smov.u32 s23;
	[sflag:s11] =	ssyncadd.s32 $0xFFFFC000  }
0x36: {  	[tilespmem:s13], [sflag:$0x1] =	stream.linear.gather [hbm4b:s21+s2], $0x80, $0x38;
	[tilespmem:$0xE500] =	vst v63  }
0x37: {  	_ =	swait.ge [sflag:s11], $0x80  }
.Ltmp0:
0x38: {  	[sflag:s11] =	ssyncset.done $0x0;
	(pc) =	sbr.rel @p0 .LBB2_2-.Ltmp0, $4  }
0x39: {  	s22 =	sand.u32 $0x60, s20;
	s21 =	sadd.s32 s20, s7;
	[sflag:s11] =	ssyncadd.s32 $0xFFFFFF80  }
0x3a: {  	[spmem:s1] =	stream.indirect.scatter.add.f32 [tilespmem:s2], [sflag:$0x1], $0x80, s15, s16, $0xb8;
	[tilespmem:$0xE500] =	vst v63  }
0x3b: {  	s22 =	sadd.s32 s22, s8;
	s21 =	sand.u32 $0xFF80, s21;
	_ =	swait.ge [sflag:s11], $0x4000  }
0x3c: {  	s22 =	sadd.s32 s21, s22;
	s21 =	smov.u32 s24;
	[sflag:s11] =	ssyncset.done $0x0  }
0x3d: {  	s21 =	sadd.s32 $0x10, s22;
	[sflag:s11] =	ssyncadd.s32 $0xFFFFC000  }
0x3e: {  	[tilespmem:s15], [sflag:$0x1] =	stream.linear.gather [hbm4b:s21+s2], $0x80, $0x38;
	[tilespmem:$0xE500] =	vst v63  }
0x3f: {  	_ =	swait.ge [sflag:s11], $0x80  }
0x40: {  	[sflag:s11] =	ssyncset.done $0x0  }
0x41: {  	[sflag:s11] =	ssyncadd.s32 $0xFFFFFF80  }
0x42: {  	[spmem:s1] =	stream.indirect.scatter.add.f32 [tilespmem:s2], [sflag:$0x1], $0x80, s13, s16, $0xb8;
	[tilespmem:$0xE500] =	vst v63  }
0x43: {  	_ =	swait.ge [sflag:s11], $0x4000  }
0x44: {  	[sflag:s11] =	ssyncset.done $0x0  }
0x45: {  	s20 =	sadd.s32 s20, s14;
	[sflag:s11] =	ssyncadd.s32 $0xFFFFC000  }
0x46: {  	[tilespmem:s13], [sflag:$0x1] =	stream.linear.gather [hbm4b:s20+s2], $0x80, $0x38;
	[tilespmem:$0xE500] =	vst v63  }
0x47: {  	_ =	swait.ge [sflag:s11], $0x80  }
0x48: {  	[sflag:s11] =	ssyncset.done $0x0  }
0x49: {  	[sflag:s11] =	ssyncadd.s32 $0xFFFFFF80  }
0x4a: {  	[spmem:s1] =	stream.indirect.scatter.add.f32 [tilespmem:s2], [sflag:$0x1], $0x80, s15, s16, $0xb8;
	[tilespmem:$0xE500] =	vst v63  }
0x4b: {  	_ =	swait.ge [sflag:s11], $0x4000  }
0x4c: {  	[sflag:s11] =	ssyncset.done $0x0  }
0x4d: {  	[sflag:s11] =	ssyncadd.s32 $0xFFFFC000  }
0x4e: {  	[tilespmem:s15], [sflag:$0x1] =	stream.linear.gather [hbm4b:s17+s2], $0x80, $0x38;
	[tilespmem:$0xE500] =	vst v63  }
0x4f: {  	_ =	swait.ge [sflag:s11], $0x80  }
0x50: {  	[sflag:s11] =	ssyncset.done $0x0  }
0x51: {  	[sflag:s11] =	ssyncadd.s32 $0xFFFFFF80  }
0x52: {  	[spmem:s1] =	stream.indirect.scatter.add.f32 [tilespmem:s2], [sflag:$0x1], $0x80, s13, s16, $0xb8;
	[tilespmem:$0xE500] =	vst v63  }
0x53: {  	_ =	swait.ge [sflag:s11], $0x4000  }
0x54: {  	[sflag:s11] =	ssyncset.done $0x0  }
0x55: {  	[sflag:s11] =	ssyncadd.s32 $0xFFFFC000  }
0x56: {  	[spmem:s1] =	stream.indirect.scatter.add.f32 [tilespmem:s2], [sflag:$0x1], $0x80, s15, s16, $0xb8;
	[tilespmem:$0xE500] =	vst v63  }
0x57: {  	_ =	swait.ge [sflag:s11], $0x4000  }
0x58: {  	s19 =	sadd.s32 $0x1, s19;
	[sflag:s11] =	ssyncset.done $0x0  }
0x59: {  	p0 =	sne.s32 s19, s9;
	[sflag:s11] =	ssyncadd.s32 $0xFFFFC000  }
.Ltmp1:
0x5a: {  	[bflag:$0x0] =	sbarrier.arrive $0xFFFF;
	(pc) =	sbr.rel @p0 .LBB2_1-.Ltmp1, $4  }
0x5b: {  	[hbm:s18], [sflag:s6] =	dma.local [spmem:s10], $0x1480  }
0x5c: {  	_ =	swait.ge [sflag:s11], $0x1480  }
0x5d: {  	[sflag:s11] =	ssyncset.done $0x0  }
0x5e: {  	[sflag:s11] =	ssyncadd.s32 $0xFFFFEB80  }
0x5f: {  	_ =	sfence.sel $0x180000  }
0x60: {  	[bflag:$0x0] =	sbarrier.arrive $0xFFFF  }
0x61: {  	p0 =	sne.s32 s3, $0x0;
	_ =	strace $0x90000047  }
0x62: {  	s0 =	sadd.s32 @!p0 $0x100000, s0;
	[bflag:$0x2] =	sbarrier.arrive $0xFFFF  }
0x63: {  	[sflag:s0] =	ssyncadd.tile.s32 @!p0 $0x1;
	_ =	shalt  }
.Lfunc_end2:
_tile_overlayer_lowered:
.L_overlay_start_2:
0x64: {  	(tag) =	ssettag $0x2  }
0x65: {  	s0 =	rddreg [dreg:$0x0];
	s2 =	stileid.u32  }
0x66: {  	s1 =	rddreg [dreg:$0x1];
	p0 =	sne.s32 s2, $0x0  }
0x67: {  	s3 =	rddreg [dreg:$0x2];
	[bflag:$0x3] =	sbarrier.arrive $0xFFFF;
	s2 =	simm.s32 @!p0 $0x1C01  }
0x68: {  	[timem:s3], [sflag:s2] =	dma.local @!p0 [hbm:s0], s1  }
0x69: {  	s0 =	simm.s32 @!p0 $0x1  }
0x6a: {  	_ =	swait.ge @!p0 [sflag:s0], s1  }
0x6b: {  	s1 =	ssub.s32 @!p0 $0x0, s1;
	[sflag:s0] =	ssyncset.done @!p0 $0x0  }
0x6c: {  	[sflag:s0] =	ssyncadd.s32 @!p0 s1  }
0x6d: {  	[bflag:$0x3] =	sbarrier.arrive $0xFFFF  }
0x6e: {  	_ =	shalt  }

// kernel: _forward_impl.22.cloned.1.call-start
scs
__scs_entry_jumppad:
0x0: {  	(pc) =	sbr.rel $0x88, $3  }
0x1: {  	(tag) =	ssettag $0x0;
	lr =	simm.s32 $0x1  }
0x2: {  	[smem:$0x3F71] =	sst lr;
	_ =	strace $0xD0000000  }
0x3: {  	_ = 	snop  }
0x4: {  	_ = 	snop  }
0x5: {  	_ = 	snop  }
0x6: {  	_ = 	snop  }
0x7: {  	_ = 	snop  }
__scs_overlays_trampoline_lowered:
0x8: {  	[smem:$0x3F80] =	sst s0  }
0x9: {  	[smem:$0x3F81] =	sst s1  }
0xa: {  	[smem:$0x3F82] =	sst s2  }
0xb: {  	[smem:$0x3F83] =	sst s3  }
0xc: {  	[smem:$0x3F84] =	sst s4  }
0xd: {  	[smem:$0x3F85] =	sst s5  }
0xe: {  	[smem:$0x3F86] =	sst s6  }
0xf: {  	[smem:$0x3F87] =	sst s7  }
0x10: {  	[smem:$0x3F88] =	sst s8  }
0x11: {  	[smem:$0x3F89] =	sst s9;
	s0 =	simm.s32 @!p0 $0x0  }
0x12: {  	s1 =	sld [smem:$0x3F6F];
	s0 =	simm.s32 @p0 $0x1  }
0x13: {  	[smem:$0x3F8A] =	sst s0;
	s0 =	simm.s32 @!p1 $0x0  }
0x14: {  	s2 =	sld [smem:$0x3F6E];
	s0 =	simm.s32 @p1 $0x1  }
0x15: {  	[smem:$0x3F8B] =	sst s0;
	s0 =	simm.s32 @!p2 $0x0  }
0x16: {  	s3 =	sld [smem:$0x3FDB];
	s0 =	simm.s32 @p2 $0x1  }
0x17: {  	s4 =	simm.s32 $0x1BF5;
	[smem:$0x3F8D] =	sst s0  }
0x18: {  	s0 =	sld [smem:$0x3F70];
	_ =	swait.ge [sflag:s4], $0x0  }
0x19: {  	s7 =	sld [smem:$0x3F71]  }
0x1a: {  	s8 =	sadd.s32 $0xFFFFE003, lr  }
0x1b: {  	s9 =	sadd.s32 $0xFFFFFEF7, lr;
	s5 =	simm.s32 $0xFFFFFFFF;
	p2 =	slt.u32 s8, $0xFFFFF086  }
0x1c: {  	p1 =	slt.u32 s9, $0xF7A;
	s5 =	simm.s32 @!p2 $0x0  }
0x1d: {  	s5 =	simm.s32 @p1 $0x1;
	p0 =	seq.s32 s7, s2  }
0x1e: {  	s7 =	smul.u32 @!p0 $0xF7A, s2;
	p2 =	seq.s32 @!p0 s5, $0x0  }
0x1f: {  	s9 =	smul.u32 $0xF7A, s1;
	s8 =	simm.s32 @!p0 $0x1BF5;
	p2 =	por !p2, p0  }
0x20: {  	[sflag:s8] =	ssyncset.s32 @!p0 $0xFFFFF086;
	s6 =	sadd.s32 @!p0 s3, s7;
	s7 =	simm.s32 @!p0 $0x108  }
0x21: {  	s3 =	sadd.s32 s3, s9;
	s6 =	sadd.s32 @!p0 $0x88, s6;
	s7 =	simm.s32 @p2 $0x1082  }
0x22: {  	[simem:s7], [sflag:s8] =	dma.local @!p0 [hbm:s6], $0xF7A  }
0x23: {  	s9 =	sor.u32 $0xD0000000, s2;
	s6 =	simm.s32 $0x108;
	_ =	swait.ge @!p0 [sflag:s8], $0x0  }
0x24: {  	s3 =	sadd.s32 $0x88, s3;
	s6 =	simm.s32 @!p1 $0x1082;
	[sflag:s4] =	ssyncset.s32 $0xFFFFF086  }
0x25: {  	[simem:s6], [sflag:s4] =	dma.local [hbm:s3], $0xF7A  }
0x26: {  	[smem:$0x3F71] =	sst s1;
	(tag) =	ssettag s2;
	_ =	strace s9  }
0x27: {  	s1 =	sld [smem:$0x3F81]  }
0x28: {  	s2 =	sld [smem:$0x3F82]  }
0x29: {  	s4 =	sld [smem:$0x3F84]  }
0x2a: {  	p0 =	seq.s32 s5, $0x0;
	s5 =	sld [smem:$0x3F85]  }
0x2b: {  	s6 =	sld [smem:$0x3F86]  }
0x2c: {  	s7 =	sld [smem:$0x3F87]  }
0x2d: {  	s3 =	simm.s32 $0x108;
	s8 =	sld [smem:$0x3F88]  }
0x2e: {  	s3 =	simm.s32 @!p0 $0x1082;
	s9 =	sld [smem:$0x3F89]  }
0x2f: {  	lr =	sadd.s32 s0, s3;
	s0 =	sld [smem:$0x3F80]  }
0x30: {  	s3 =	sld [smem:$0x3F83]  }
0x31: {  	[smem:$0x3F8C] =	sst s10  }
0x32: {  	s10 =	sld [smem:$0x3F8A];
	_ =	sdelay $0x3  }
0x33: {  	p0 =	seq.s32 s10, $0x1;
	s10 =	sld [smem:$0x3F8C];
	_ =	sdelay $0x3  }
0x34: {  	[smem:$0x3F8C] =	sst s10  }
0x35: {  	s10 =	sld [smem:$0x3F8B];
	_ =	sdelay $0x3  }
0x36: {  	p1 =	seq.s32 s10, $0x1;
	s10 =	sld [smem:$0x3F8C];
	_ =	sdelay $0x3  }
0x37: {  	[smem:$0x3F8C] =	sst s10  }
0x38: {  	s10 =	sld [smem:$0x3F8D]  }
0x39: {  	_ = 	snop;
	(pc) =	sbr.ind lr, $3  }
0x3a: {  	_ = 	snop  }
0x3b: {  	_ = 	snop  }
0x3c: {  	p2 =	seq.s32 s10, $0x1;
	s10 =	sld [smem:$0x3F8C]  }
0x3d: {  	_ =	shalt  }
0x3e: {  	_ =	shalt  }
0x3f: {  	_ =	shalt  }
0x40: {  	_ =	shalt  }
0x41: {  	_ =	shalt  }
0x42: {  	_ =	shalt  }
0x43: {  	_ =	shalt  }
0x44: {  	_ =	shalt  }
0x45: {  	_ =	shalt  }
0x46: {  	_ =	shalt  }
0x47: {  	_ =	shalt  }
0x48: {  	_ =	shalt  }
0x49: {  	_ =	shalt  }
0x4a: {  	_ =	shalt  }
0x4b: {  	_ =	shalt  }
0x4c: {  	_ =	shalt  }
0x4d: {  	_ =	shalt  }
0x4e: {  	_ =	shalt  }
0x4f: {  	_ =	shalt  }
0x50: {  	_ =	shalt  }
0x51: {  	_ =	shalt  }
0x52: {  	_ =	shalt  }
0x53: {  	_ =	shalt  }
0x54: {  	_ =	shalt  }
0x55: {  	_ =	shalt  }
0x56: {  	_ =	shalt  }
0x57: {  	_ =	shalt  }
0x58: {  	_ =	shalt  }
0x59: {  	_ =	shalt  }
0x5a: {  	_ =	shalt  }
0x5b: {  	_ =	shalt  }
0x5c: {  	_ =	shalt  }
0x5d: {  	_ =	shalt  }
0x5e: {  	_ =	shalt  }
0x5f: {  	_ =	shalt  }
0x60: {  	_ =	shalt  }
0x61: {  	_ =	shalt  }
0x62: {  	_ =	shalt  }
0x63: {  	_ =	shalt  }
0x64: {  	_ =	shalt  }
0x65: {  	_ =	shalt  }
0x66: {  	_ =	shalt  }
0x67: {  	_ =	shalt  }
0x68: {  	_ =	shalt  }
0x69: {  	_ =	shalt  }
0x6a: {  	_ =	shalt  }
0x6b: {  	_ =	shalt  }
0x6c: {  	_ =	shalt  }
0x6d: {  	_ =	shalt  }
0x6e: {  	_ =	shalt  }
0x6f: {  	_ =	shalt  }
0x70: {  	_ =	shalt  }
0x71: {  	_ =	shalt  }
0x72: {  	_ =	shalt  }
0x73: {  	_ =	shalt  }
0x74: {  	_ =	shalt  }
0x75: {  	_ =	shalt  }
0x76: {  	_ =	shalt  }
0x77: {  	_ =	shalt  }
0x78: {  	_ =	shalt  }
0x79: {  	_ =	shalt  }
0x7a: {  	_ =	shalt  }
0x7b: {  	_ =	shalt  }
0x7c: {  	_ =	shalt  }
0x7d: {  	_ =	shalt  }
0x7e: {  	_ =	shalt  }
0x7f: {  	_ =	shalt  }
0x80: {  	_ =	shalt  }
0x81: {  	_ =	shalt  }
0x82: {  	_ =	shalt  }
0x83: {  	_ =	shalt  }
0x84: {  	_ =	shalt  }
0x85: {  	_ =	shalt  }
0x86: {  	_ =	shalt  }
0x87: {  	_ =	shalt  }
.Lfunc_end0:
.L_simem_size_0:
called_computation.1_lowered:
.L_overlay_start_0:
0x88: {  	s2 =	sld [smem:$0x3FD9]  }
0x89: {  	s3 =	sld [smem:$0x3FFE];
	_ =	sdelay $0x1  }
0x8a: {  	s1 =	srdreg.scid  }
0x8b: {  	s0 =	sand.u32 $0x1, s1  }
0x8c: {  	s17 =	sshll.u32 s0, $0xA;
	s2 =	sadd.s32 s3, s2  }
0x8d: {  	s2 =	sadd.s32 s2, s17  }
0x8e: {  	[smem:$0x3F98] =	sst s2  }
0x8f: {  	_ = 	snop  }
0x90: {  	s2 =	sld [smem:$0x3FD0];
	(tm) =	ssettm $0x1  }
0x91: {  	s18 =	sld [smem:$0x3FFB];
	_ =	sdelay $0x3  }
0x92: {  	_ =	strace s18  }
0x93: {  	s3 =	sld [smem:$0x3FFC];
	_ =	sdelay $0x3  }
0x94: {  	_ =	strace s3  }
0x95: {  	s3 =	sld [smem:$0x3FFD];
	_ =	sdelay $0x3  }
0x96: {  	_ =	strace s3  }
0x97: {  	_ =	strace $0x8FFFFFFF  }
0x98: {  	s19 =	sld [smem:$0x3FDB];
	_ =	sdelay $0x1  }
0x99: {  	s4 =	simm.s32 $_scs_section_size  }
0x9a: {  	s5 =	simm.s32 $_size__tile_overlayer_lowered;
	s6 =	simm.s32 $_tile_overlayer_lowered  }
0x9b: {  	s22 =	simm.s32 $0x1BFF;
	s21 =	sshll.u32 s6, $0x1;
	s3 =	sadd.s32 s4, s19  }
0x9c: {  	s7 =	simm.s32 $0x0;
	s20 =	sshll.u32 s5, $0x1;
	s5 =	sadd.s32 s21, s3  }
0x9d: {  	[timem:s7], [sflag:s22] =	dma.local [hbm:s5], s20  }
0x9e: {  	_ =	swait.ge [sflag:s22], s20  }
0x9f: {  	s4 =	ssub.s32 $0x0, s20;
	[sflag:s22] =	ssyncset.done $0x0  }
0xa0: {  	[sflag:s22] =	ssyncadd.s32 s4;
	_ =	sdelay $0x1  }
0xa1: {  	s23 =	simm.s32 $0x1B8B  }
0xa2: {  	_ =	swait.ge [sflag:s23], $0x1  }
0xa3: {  	[sflag:s23] =	ssyncset.done $0x0  }
0xa4: {  	s25 =	simm.s32 $0x1B8E;
	s24 =	sld [smem:$0x3FFE];
	[sflag:s23] =	ssyncadd.s32 $0xFFFFFFFF  }
0xa5: {  	s26 =	simm.s32 $execute0_lowered;
	[smem:$0x3FD2] =	sst s25  }
0xa6: {  	s5 =	sshll.u32 s26, $0x1;
	_ =	strace $0x80000049;
	[dreg:$0x1] =	wrdreg $0xFFFFFFFF  }
0xa7: {  	s28 =	simm.s32 $_size_execute0_lowered;
	s3 =	sadd.s32 s3, s5;
	[dreg:$0x0] =	wrdreg $0x0  }
0xa8: {  	s5 =	sshll.u32 s28, $0x1;
	[dreg:$0x2] =	wrdreg s3  }
0xa9: {  	[dreg:$0x3] =	wrdreg s5  }
0xaa: {  	[dreg:$0x4] =	wrdreg $0xC0  }
0xab: {  	_ =	task [dreg:s7], $0x5FFFF  }
0xac: {  	[dreg:$0x1] =	wrdreg $0xFFFFFFFF  }
0xad: {  	[dreg:$0x0] =	wrdreg $0x60  }
0xae: {  	[dreg:$0x2] =	wrdreg s24  }
0xaf: {  	[dreg:$0x3] =	wrdreg s2  }
0xb0: {  	[dreg:$0x4] =	wrdreg $0x82000  }
0xb1: {  	[dreg:$0x5] =	wrdreg $0x9  }
0xb2: {  	_ =	task.clear_ibuf [dreg:s7], $0x6FFFF;
	_ =	strace $0x90000049  }
0xb3: {  	s29 =	simm.s32 $0x9;
	_ =	strace $0x8000004B  }
0xb4: {  	_ =	swait.ge [sflag:s29], $0x1  }
0xb5: {  	[sflag:s29] =	ssyncadd.s32 $0xFFFFFFFF  }
0xb6: {  	_ =	strace $0x9000004B  }
0xb7: {  	_ =	sfence  }
0xb8: {  	s30 =	sld [smem:$0x0];
	_ =	sdelay $0x2  }
0xb9: {  	s31 =	sshll.u32 s1, $0xD;
	s1 =	sshrl.u32 s1, $0x2  }
0xba: {  	s3 =	sand.u32 $0x4000, s31;
	s1 =	sadd.s32 s1, s30  }
0xbb: {  	s0 =	sor.u32 s3, s0;
	s1 =	sshll.u32 s1, $0x11  }
0xbc: {  	s0 =	sor.u32 s1, s0  }
0xbd: {  	s0 =	sadd.s32 $0x8F2B, s0  }
0xbe: {  	[sflag:s0] =	ssyncadd.remote.s32 $0x1  }
0xbf: {  	_ =	sfence.sel $0xFFFF  }
0xc0: {  	[dreg:$0x0] =	wrdreg $0xFFFFFFFF;
	(pc) =	sbr.abs _section_cstart, $3  }
0xc1: {  	[dreg:$0x1] =	wrdreg $0xFFFFFFFF  }
0xc2: {  	_ =	task.clear_ibuf [dreg:s7], $0x2FFFF;
	_ =	strace $0x9FFFFFFF  }
0xc3: {  	(tm) =	ssettm $0x7FFFFFFF  }
tec
execute0_lowered:
.L_overlay_start_1:
0x0: {  	(tag) =	ssettag $0x1  }
0x1: {  	s0 =	rddreg [dreg:$0x0]  }
0x2: {  	s3 =	rddreg [dreg:$0x1]  }
0x3: {  	s1 =	rddreg [dreg:$0x2];
	s2 =	simm.s32 $0x0;
	s6 =	srdreg.scid  }
0x4: {  	s23 =	stileid.u32;
	s16 =	simm.s32 $0x3;
	s17 =	simm.s32 $0x8000  }
0x5: {  	s19 =	simm.s32 $0x8100;
	s20 =	simm.s32 $0x80;
	s22 =	simm.s32 $0x8080  }
0x6: {  	s28 =	simm.s32 $0x2;
	s29 =	simm.s32 $0x0;
	[smem:$0x7FF] =	sst s2  }
0x7: {  	s4 =	sadd.s32 $0x36800, s0;
	s5 =	sadd.s32 $0x9000, s0;
	s11 =	smul.u32 $0x29000, s23  }
0x8: {  	s8 =	sand.u32 $0x1, s6;
	s10 =	sadd.s32 $0xE000, s0;
	s31 =	smul.u32 $0x1480, s23  }
0x9: {  	s26 =	sshll.u32 s23, $0x6;
	_ =	strace $0x8000004A;
	s7 =	smul.u32 $0x14800, s8  }
0xa: {  	s9 =	ssub.s32 $0x2, s8;
	[dreg:$0x4] =	wrdreg s10;
	s30 =	smul.u32 $0x5000, s8  }
0xb: {  	s8 =	sor.u32 $0x1C03, s26;
	s26 =	simm.s32 $0x1;
	s24 =	sshrl.u32 s9, $0x1  }
0xc: {  	s25 =	sshrl.u32 s11, $0x2;
	s0 =	sadd.s32 s7, s0;
	s12 =	ssub.s32 s9, s24  }
0xd: {  	s7 =	smul.u32 $0x500, s23;
	s15 =	sadd.s32 s25, s1;
	s10 =	sadd.s32 s3, s30  }
0xe: {  	s23 =	simm.s32 $0x8180;
	s25 =	simm.s32 $0x4000;
	s0 =	sadd.s32 $0x5DA00, s0  }
0xf: {  	s12 =	smax.u32 s12, $0x1;
	s15 =	sshrl.u32 s15, $0x3;
	s9 =	sadd.s32 s5, s7  }
0x10: {  	s11 =	sadd.s32 $0x4F0, s7;
	s18 =	sadd.s32 s7, s10;
	s24 =	sadd.s32 s31, s0  }
0x11: {  	s13 =	sadd.s32 s5, s11;
	s14 =	sadd.s32 $0x20, s9;
	s21 =	sadd.s32 $0x20, s18  }
.LBB2_1:
0x12: {  	s0 =	rddreg [dreg:$0x4]  }
0x13: {  	[spmem:s15], [sflag:s8] =	dma.local [hbm:s0], $0x1480  }
0x14: {  	_ =	swait.ge [sflag:s16], $0x1480  }
0x15: {  	[sflag:s16] =	ssyncset.done $0x0  }
0x16: {  	[sflag:s16] =	ssyncadd.s32 $0xFFFFEB80  }
0x17: {  	[bflag:$0x0] =	sbarrier.arrive $0xFFFF  }
0x18: {  	[tilespmem:s17], [sflag:$0x3] =	stream.linear.gather [hbm4b:s9+s2], $0x80, $0x38;
	[tilespmem:$0x12600] =	vst v63  }
0x19: {  	_ =	swait.ge [sflag:s16], $0x80  }
0x1a: {  	[sflag:s16] =	ssyncset.done $0x0  }
0x1b: {  	s3 =	sadd.s32 $0x0, s7;
	[sflag:s16] =	ssyncadd.s32 $0xFFFFFF80  }
0x1c: {  	[tilespmem:s19], [sflag:$0x3] =	stream.linear.gather [hbm4b:s18+s2], $0x80, $0x38;
	[tilespmem:$0x12600] =	vst v63  }
0x1d: {  	s0 =	sand.u32 $0xFF80, s3;
	s3 =	sand.u32 $0x60, s2;
	_ =	swait.ge [sflag:s16], $0x80  }
0x1e: {  	s0 =	sor.u32 s0, s3;
	[sflag:s16] =	ssyncset.done $0x0  }
0x1f: {  	s0 =	sor.u32 $0x10, s0;
	[sflag:s16] =	ssyncadd.s32 $0xFFFFFF80  }
0x20: {  	[tilespmem:s2], [sflag:$0x1] =	stream.indirect.gather [hbm4b:s4+s20], $0x80, s17, s20, $0xb8;
	[tilespmem:$0x12600] =	vst v63  }
0x21: {  	s6 =	sadd.s32 s5, s0  }
0x22: {  	[tilespmem:s22], [sflag:$0x3] =	stream.linear.gather [hbm4b:s6+s2], $0x80, $0x38;
	[tilespmem:$0x12600] =	vst v63  }
0x23: {  	_ =	swait.ge [sflag:s16], $0x80  }
0x24: {  	[sflag:s16] =	ssyncset.done $0x0  }
0x25: {  	s0 =	sadd.s32 s10, s0;
	[sflag:s16] =	ssyncadd.s32 $0xFFFFFF80  }
0x26: {  	[tilespmem:s23], [sflag:$0x3] =	stream.linear.gather [hbm4b:s0+s2], $0x80, $0x38;
	[tilespmem:$0x12600] =	vst v63  }
0x27: {  	_ =	swait.ge [sflag:s16], $0x80  }
0x28: {  	[sflag:s16] =	ssyncset.done $0x0  }
0x29: {  	[sflag:s16] =	ssyncadd.s32 $0xFFFFFF80  }
0x2a: {  	[tilespmem:s25], [sflag:$0x2] =	stream.indirect.gather [hbm4b:s4+s20], $0x80, s22, s20, $0xb8;
	[tilespmem:$0x12600] =	vst v63  }
0x2b: {  	_ =	swait.ge [sflag:s26], $0x4000  }
0x2c: {  	[sflag:s26] =	ssyncset.done $0x0  }
0x2d: {  	[sflag:s26] =	ssyncadd.s32 $0xFFFFC000  }
0x2e: {  	[spmem:s1] =	stream.indirect.scatter.add.f32 [tilespmem:s2], [sflag:$0x3], $0x80, s19, s20, $0xb8;
	[tilespmem:$0x12600] =	vst v63  }
0x2f: {  	_ =	swait.ge [sflag:s16], $0x4000  }
0x30: {  	[sflag:s16] =	ssyncset.done $0x0  }
0x31: {  	s3 =	sadd.s32 $0x0, s14;
	[sflag:s16] =	ssyncadd.s32 $0xFFFFC000  }
0x32: {  	[tilespmem:s17], [sflag:$0x3] =	stream.linear.gather [hbm4b:s3+s2], $0x80, $0x38;
	[tilespmem:$0x12600] =	vst v63  }
0x33: {  	_ =	swait.ge [sflag:s16], $0x80  }
0x34: {  	[sflag:s16] =	ssyncset.done $0x0  }
0x35: {  	s6 =	sadd.s32 $0x0, s21;
	[sflag:s16] =	ssyncadd.s32 $0xFFFFFF80  }
0x36: {  	[tilespmem:s19], [sflag:$0x3] =	stream.linear.gather [hbm4b:s6+s2], $0x80, $0x38;
	[tilespmem:$0x12600] =	vst v63  }
0x37: {  	_ =	swait.ge [sflag:s16], $0x80  }
0x38: {  	[sflag:s16] =	ssyncset.done $0x0  }
0x39: {  	[sflag:s16] =	ssyncadd.s32 $0xFFFFFF80  }
0x3a: {  	[tilespmem:s2], [sflag:$0x1] =	stream.indirect.gather [hbm4b:s4+s20], $0x80, s17, s20, $0xb8;
	[tilespmem:$0x12600] =	vst v63  }
0x3b: {  	_ =	swait.ge [sflag:s28], $0x4000  }
0x3c: {  	[sflag:s28] =	ssyncset.done $0x0  }
0x3d: {  	s30 =	simm.s32 $0x20;
	s3 =	sadd.s32 $0x20, s7;
	[sflag:s28] =	ssyncadd.s32 $0xFFFFC000  }
0x3e: {  	[spmem:s1] =	stream.indirect.scatter.add.f32 [tilespmem:s25], [sflag:$0x3], $0x80, s23, s20, $0xb8;
	[tilespmem:$0x12600] =	vst v63  }
0x3f: {  	s0 =	sand.u32 $0xFF80, s3;
	s6 =	sand.u32 $0x60, s30;
	_ =	swait.ge [sflag:s16], $0x4000  }
0x40: {  	s31 =	simm.s32 $0x40;
	s3 =	sor.u32 s0, s6;
	[sflag:s16] =	ssyncset.done $0x0  }
.LBB2_2:
0x41: {  	s3 =	sor.u32 $0x10, s3  }
0x42: {  	[sflag:s16] =	ssyncadd.s32 $0xFFFFC000;
	s6 =	smov.u32 s31;
	s0 =	sadd.s32 $0x20, s31  }
0x43: {  	p0 =	sne.s32 s31, $0x4C0;
	s31 =	sadd.s32 s5, s3  }
0x44: {  	[tilespmem:s22], [sflag:$0x3] =	stream.linear.gather [hbm4b:s31+s2], $0x80, $0x38;
	[tilespmem:$0x12600] =	vst v63  }
0x45: {  	_ =	swait.ge [sflag:s16], $0x80  }
0x46: {  	[sflag:s16] =	ssyncset.done $0x0  }
0x47: {  	s3 =	sadd.s32 s10, s3;
	[sflag:s16] =	ssyncadd.s32 $0xFFFFFF80  }
0x48: {  	[tilespmem:s23], [sflag:$0x3] =	stream.linear.gather [hbm4b:s3+s2], $0x80, $0x38;
	[tilespmem:$0x12600] =	vst v63  }
0x49: {  	_ =	swait.ge [sflag:s16], $0x80  }
0x4a: {  	[sflag:s16] =	ssyncset.done $0x0  }
0x4b: {  	[sflag:s16] =	ssyncadd.s32 $0xFFFFFF80  }
0x4c: {  	[tilespmem:s25], [sflag:$0x2] =	stream.indirect.gather [hbm4b:s4+s20], $0x80, s22, s20, $0xb8;
	[tilespmem:$0x12600] =	vst v63  }
0x4d: {  	_ =	swait.ge [sflag:s26], $0x4000  }
0x4e: {  	[sflag:s26] =	ssyncset.done $0x0  }
0x4f: {  	[sflag:s26] =	ssyncadd.s32 $0xFFFFC000  }
0x50: {  	[spmem:s1] =	stream.indirect.scatter.add.f32 [tilespmem:s2], [sflag:$0x3], $0x80, s19, s20, $0xb8;
	[tilespmem:$0x12600] =	vst v63  }
0x51: {  	_ =	swait.ge [sflag:s16], $0x4000  }
0x52: {  	[sflag:s16] =	ssyncset.done $0x0  }
0x53: {  	s3 =	sadd.s32 s30, s14;
	[sflag:s16] =	ssyncadd.s32 $0xFFFFC000  }
0x54: {  	[tilespmem:s17], [sflag:$0x3] =	stream.linear.gather [hbm4b:s3+s2], $0x80, $0x38;
	[tilespmem:$0x12600] =	vst v63  }
0x55: {  	_ =	swait.ge [sflag:s16], $0x80  }
0x56: {  	[sflag:s16] =	ssyncset.done $0x0  }
0x57: {  	s3 =	sadd.s32 s30, s21;
	s30 =	smov.u32 s6;
	[sflag:s16] =	ssyncadd.s32 $0xFFFFFF80  }
0x58: {  	[tilespmem:s19], [sflag:$0x3] =	stream.linear.gather [hbm4b:s3+s2], $0x80, $0x38;
	[tilespmem:$0x12600] =	vst v63  }
0x59: {  	_ =	swait.ge [sflag:s16], $0x80  }
0x5a: {  	[sflag:s16] =	ssyncset.done $0x0  }
0x5b: {  	[sflag:s16] =	ssyncadd.s32 $0xFFFFFF80  }
0x5c: {  	[tilespmem:s2], [sflag:$0x1] =	stream.indirect.gather [hbm4b:s4+s20], $0x80, s17, s20, $0xb8;
	[tilespmem:$0x12600] =	vst v63  }
0x5d: {  	_ =	swait.ge [sflag:s28], $0x4000  }
.Ltmp0:
0x5e: {  	[sflag:s28] =	ssyncset.done $0x0;
	(pc) =	sbr.rel @p0 .LBB2_2-.Ltmp0, $4  }
0x5f: {  	s3 =	sadd.s32 s30, s7;
	[sflag:s28] =	ssyncadd.s32 $0xFFFFC000  }
0x60: {  	[spmem:s1] =	stream.indirect.scatter.add.f32 [tilespmem:s25], [sflag:$0x3], $0x80, s23, s20, $0xb8;
	[tilespmem:$0x12600] =	vst v63  }
0x61: {  	s6 =	sand.u32 $0x60, s30;
	s3 =	sand.u32 $0xFF80, s3;
	_ =	swait.ge [sflag:s16], $0x4000  }
0x62: {  	s31 =	smov.u32 s0;
	s3 =	sor.u32 s3, s6;
	[sflag:s16] =	ssyncset.done $0x0  }
0x63: {  	s0 =	sor.u32 $0x10, s3  }
0x64: {  	[sflag:s16] =	ssyncadd.s32 $0xFFFFC000;
	s3 =	sadd.s32 s5, s0  }
0x65: {  	[tilespmem:s22], [sflag:$0x3] =	stream.linear.gather [hbm4b:s3+s2], $0x80, $0x38;
	[tilespmem:$0x12600] =	vst v63  }
0x66: {  	_ =	swait.ge [sflag:s16], $0x80  }
0x67: {  	[sflag:s16] =	ssyncset.done $0x0  }
0x68: {  	s0 =	sadd.s32 s10, s0;
	[sflag:s16] =	ssyncadd.s32 $0xFFFFFF80  }
0x69: {  	[tilespmem:s23], [sflag:$0x3] =	stream.linear.gather [hbm4b:s0+s2], $0x80, $0x38;
	[tilespmem:$0x12600] =	vst v63  }
0x6a: {  	_ =	swait.ge [sflag:s16], $0x80  }
0x6b: {  	[sflag:s16] =	ssyncset.done $0x0  }
0x6c: {  	[sflag:s16] =	ssyncadd.s32 $0xFFFFFF80  }
0x6d: {  	[tilespmem:s25], [sflag:$0x2] =	stream.indirect.gather [hbm4b:s4+s20], $0x80, s22, s20, $0xb8;
	[tilespmem:$0x12600] =	vst v63  }
0x6e: {  	_ =	swait.ge [sflag:s26], $0x4000  }
0x6f: {  	[sflag:s26] =	ssyncset.done $0x0  }
0x70: {  	[sflag:s26] =	ssyncadd.s32 $0xFFFFC000  }
0x71: {  	[spmem:s1] =	stream.indirect.scatter.add.f32 [tilespmem:s2], [sflag:$0x3], $0x80, s19, s20, $0xb8;
	[tilespmem:$0x12600] =	vst v63  }
0x72: {  	_ =	swait.ge [sflag:s16], $0x4000  }
0x73: {  	[sflag:s16] =	ssyncset.done $0x0  }
0x74: {  	s6 =	sadd.s32 s30, s14;
	[sflag:s16] =	ssyncadd.s32 $0xFFFFC000  }
0x75: {  	[tilespmem:s17], [sflag:$0x3] =	stream.linear.gather [hbm4b:s6+s2], $0x80, $0x38;
	[tilespmem:$0x12600] =	vst v63  }
0x76: {  	_ =	swait.ge [sflag:s16], $0x80  }
0x77: {  	[sflag:s16] =	ssyncset.done $0x0  }
0x78: {  	s30 =	sadd.s32 s30, s21;
	[sflag:s16] =	ssyncadd.s32 $0xFFFFFF80  }
0x79: {  	[tilespmem:s19], [sflag:$0x3] =	stream.linear.gather [hbm4b:s30+s2], $0x80, $0x38;
	[tilespmem:$0x12600] =	vst v63  }
0x7a: {  	_ =	swait.ge [sflag:s16], $0x80  }
0x7b: {  	[sflag:s16] =	ssyncset.done $0x0  }
0x7c: {  	[sflag:s16] =	ssyncadd.s32 $0xFFFFFF80  }
0x7d: {  	[tilespmem:s2], [sflag:$0x1] =	stream.indirect.gather [hbm4b:s4+s20], $0x80, s17, s20, $0xb8;
	[tilespmem:$0x12600] =	vst v63  }
0x7e: {  	_ =	swait.ge [sflag:s28], $0x4000  }
0x7f: {  	[sflag:s28] =	ssyncset.done $0x0  }
0x80: {  	[sflag:s28] =	ssyncadd.s32 $0xFFFFC000  }
0x81: {  	[spmem:s1] =	stream.indirect.scatter.add.f32 [tilespmem:s25], [sflag:$0x3], $0x80, s23, s20, $0xb8;
	[tilespmem:$0x12600] =	vst v63  }
0x82: {  	_ =	swait.ge [sflag:s16], $0x4000  }
0x83: {  	[sflag:s16] =	ssyncset.done $0x0  }
0x84: {  	[sflag:s16] =	ssyncadd.s32 $0xFFFFC000  }
0x85: {  	[tilespmem:s22], [sflag:$0x3] =	stream.linear.gather [hbm4b:s13+s2], $0x80, $0x38;
	[tilespmem:$0x12600] =	vst v63  }
0x86: {  	_ =	swait.ge [sflag:s16], $0x80  }
0x87: {  	[sflag:s16] =	ssyncset.done $0x0  }
0x88: {  	s31 =	sadd.s32 s10, s11;
	[sflag:s16] =	ssyncadd.s32 $0xFFFFFF80  }
0x89: {  	[tilespmem:s23], [sflag:$0x3] =	stream.linear.gather [hbm4b:s31+s2], $0x80, $0x38;
	[tilespmem:$0x12600] =	vst v63  }
0x8a: {  	_ =	swait.ge [sflag:s16], $0x80  }
0x8b: {  	[sflag:s16] =	ssyncset.done $0x0  }
0x8c: {  	[sflag:s16] =	ssyncadd.s32 $0xFFFFFF80  }
0x8d: {  	[tilespmem:s25], [sflag:$0x2] =	stream.indirect.gather [hbm4b:s4+s20], $0x80, s22, s20, $0xb8;
	[tilespmem:$0x12600] =	vst v63  }
0x8e: {  	_ =	swait.ge [sflag:s26], $0x4000  }
0x8f: {  	[sflag:s26] =	ssyncset.done $0x0  }
0x90: {  	[sflag:s26] =	ssyncadd.s32 $0xFFFFC000  }
0x91: {  	[spmem:s1] =	stream.indirect.scatter.add.f32 [tilespmem:s2], [sflag:$0x3], $0x80, s19, s20, $0xb8;
	[tilespmem:$0x12600] =	vst v63  }
0x92: {  	_ =	swait.ge [sflag:s16], $0x4000  }
0x93: {  	[sflag:s16] =	ssyncset.done $0x0  }
0x94: {  	[sflag:s16] =	ssyncadd.s32 $0xFFFFC000  }
0x95: {  	_ =	swait.ge [sflag:s28], $0x4000  }
0x96: {  	[sflag:s28] =	ssyncset.done $0x0  }
0x97: {  	[sflag:s28] =	ssyncadd.s32 $0xFFFFC000  }
0x98: {  	[spmem:s1] =	stream.indirect.scatter.add.f32 [tilespmem:s25], [sflag:$0x3], $0x80, s23, s20, $0xb8;
	[tilespmem:$0x12600] =	vst v63  }
0x99: {  	_ =	swait.ge [sflag:s16], $0x4000  }
0x9a: {  	s29 =	sadd.s32 $0x1, s29;
	[sflag:s16] =	ssyncset.done $0x0  }
0x9b: {  	p0 =	sne.s32 s29, s12;
	[sflag:s16] =	ssyncadd.s32 $0xFFFFC000  }
.Ltmp1:
0x9c: {  	[bflag:$0x0] =	sbarrier.arrive $0xFFFF;
	(pc) =	sbr.rel @p0 .LBB2_1-.Ltmp1, $4  }
0x9d: {  	[hbm:s24], [sflag:s8] =	dma.local [spmem:s15], $0x1480  }
0x9e: {  	_ =	swait.ge [sflag:s16], $0x1480  }
0x9f: {  	[sflag:s16] =	ssyncset.done $0x0  }
0xa0: {  	[sflag:s16] =	ssyncadd.s32 $0xFFFFEB80  }
0xa1: {  	_ =	sfence.sel $0x180000  }
0xa2: {  	[bflag:$0x0] =	sbarrier.arrive $0xFFFF  }
0xa3: {  	_ =	strace $0x9000004A  }
0xa4: {  	s0 =	stileid.u32;
	[bflag:$0x2] =	sbarrier.arrive $0xFFFF  }
0xa5: {  	p0 =	sne.s32 s0, $0x0;
	s0 =	rddreg [dreg:$0x3]  }
0xa6: {  	s0 =	sadd.s32 @!p0 $0x100000, s0  }
0xa7: {  	[sflag:s0] =	ssyncadd.tile.s32 @!p0 $0x1;
	_ =	shalt  }
.Lfunc_end2:
_tile_overlayer_lowered:
.L_overlay_start_2:
0xa8: {  	(tag) =	ssettag $0x2  }
0xa9: {  	s0 =	rddreg [dreg:$0x0];
	s2 =	stileid.u32  }
0xaa: {  	s1 =	rddreg [dreg:$0x1];
	p0 =	sne.s32 s2, $0x0  }
0xab: {  	s3 =	rddreg [dreg:$0x2];
	[bflag:$0x3] =	sbarrier.arrive $0xFFFF;
	s2 =	simm.s32 @!p0 $0x1C03  }
0xac: {  	[timem:s3], [sflag:s2] =	dma.local @!p0 [hbm:s0], s1  }
0xad: {  	s0 =	simm.s32 @!p0 $0x3  }
0xae: {  	_ =	swait.ge @!p0 [sflag:s0], s1  }
0xaf: {  	s1 =	ssub.s32 @!p0 $0x0, s1;
	[sflag:s0] =	ssyncset.done @!p0 $0x0  }
0xb0: {  	[sflag:s0] =	ssyncadd.s32 @!p0 s1  }
0xb1: {  	[bflag:$0x3] =	sbarrier.arrive $0xFFFF  }
0xb2: {  	_ =	shalt  }

// kernel: _forward_impl.25.cloned.1.call-start
scs
__scs_entry_jumppad:
0x0: {  	(pc) =	sbr.rel $0x88, $3  }
0x1: {  	(tag) =	ssettag $0x0;
	lr =	simm.s32 $0x1  }
0x2: {  	[smem:$0x3F71] =	sst lr;
	_ =	strace $0xD0000000  }
0x3: {  	_ = 	snop  }
0x4: {  	_ = 	snop  }
0x5: {  	_ = 	snop  }
0x6: {  	_ = 	snop  }
0x7: {  	_ = 	snop  }
__scs_overlays_trampoline_lowered:
0x8: {  	[smem:$0x3F80] =	sst s0  }
0x9: {  	[smem:$0x3F81] =	sst s1  }
0xa: {  	[smem:$0x3F82] =	sst s2  }
0xb: {  	[smem:$0x3F83] =	sst s3  }
0xc: {  	[smem:$0x3F84] =	sst s4  }
0xd: {  	[smem:$0x3F85] =	sst s5  }
0xe: {  	[smem:$0x3F86] =	sst s6  }
0xf: {  	[smem:$0x3F87] =	sst s7  }
0x10: {  	[smem:$0x3F88] =	sst s8  }
0x11: {  	[smem:$0x3F89] =	sst s9;
	s0 =	simm.s32 @!p0 $0x0  }
0x12: {  	s1 =	sld [smem:$0x3F6F];
	s0 =	simm.s32 @p0 $0x1  }
0x13: {  	[smem:$0x3F8A] =	sst s0;
	s0 =	simm.s32 @!p1 $0x0  }
0x14: {  	s2 =	sld [smem:$0x3F6E];
	s0 =	simm.s32 @p1 $0x1  }
0x15: {  	[smem:$0x3F8B] =	sst s0;
	s0 =	simm.s32 @!p2 $0x0  }
0x16: {  	s3 =	sld [smem:$0x3FDB];
	s0 =	simm.s32 @p2 $0x1  }
0x17: {  	s4 =	simm.s32 $0x1BF5;
	[smem:$0x3F8D] =	sst s0  }
0x18: {  	s0 =	sld [smem:$0x3F70];
	_ =	swait.ge [sflag:s4], $0x0  }
0x19: {  	s7 =	sld [smem:$0x3F71]  }
0x1a: {  	s8 =	sadd.s32 $0xFFFFE003, lr  }
0x1b: {  	s9 =	sadd.s32 $0xFFFFFEF7, lr;
	s5 =	simm.s32 $0xFFFFFFFF;
	p2 =	slt.u32 s8, $0xFFFFF086  }
0x1c: {  	p1 =	slt.u32 s9, $0xF7A;
	s5 =	simm.s32 @!p2 $0x0  }
0x1d: {  	s5 =	simm.s32 @p1 $0x1;
	p0 =	seq.s32 s7, s2  }
0x1e: {  	s7 =	smul.u32 @!p0 $0xF7A, s2;
	p2 =	seq.s32 @!p0 s5, $0x0  }
0x1f: {  	s9 =	smul.u32 $0xF7A, s1;
	s8 =	simm.s32 @!p0 $0x1BF5;
	p2 =	por !p2, p0  }
0x20: {  	[sflag:s8] =	ssyncset.s32 @!p0 $0xFFFFF086;
	s6 =	sadd.s32 @!p0 s3, s7;
	s7 =	simm.s32 @!p0 $0x108  }
0x21: {  	s3 =	sadd.s32 s3, s9;
	s6 =	sadd.s32 @!p0 $0x88, s6;
	s7 =	simm.s32 @p2 $0x1082  }
0x22: {  	[simem:s7], [sflag:s8] =	dma.local @!p0 [hbm:s6], $0xF7A  }
0x23: {  	s9 =	sor.u32 $0xD0000000, s2;
	s6 =	simm.s32 $0x108;
	_ =	swait.ge @!p0 [sflag:s8], $0x0  }
0x24: {  	s3 =	sadd.s32 $0x88, s3;
	s6 =	simm.s32 @!p1 $0x1082;
	[sflag:s4] =	ssyncset.s32 $0xFFFFF086  }
0x25: {  	[simem:s6], [sflag:s4] =	dma.local [hbm:s3], $0xF7A  }
0x26: {  	[smem:$0x3F71] =	sst s1;
	(tag) =	ssettag s2;
	_ =	strace s9  }
0x27: {  	s1 =	sld [smem:$0x3F81]  }
0x28: {  	s2 =	sld [smem:$0x3F82]  }
0x29: {  	s4 =	sld [smem:$0x3F84]  }
0x2a: {  	p0 =	seq.s32 s5, $0x0;
	s5 =	sld [smem:$0x3F85]  }
0x2b: {  	s6 =	sld [smem:$0x3F86]  }
0x2c: {  	s7 =	sld [smem:$0x3F87]  }
0x2d: {  	s3 =	simm.s32 $0x108;
	s8 =	sld [smem:$0x3F88]  }
0x2e: {  	s3 =	simm.s32 @!p0 $0x1082;
	s9 =	sld [smem:$0x3F89]  }
0x2f: {  	lr =	sadd.s32 s0, s3;
	s0 =	sld [smem:$0x3F80]  }
0x30: {  	s3 =	sld [smem:$0x3F83]  }
0x31: {  	[smem:$0x3F8C] =	sst s10  }
0x32: {  	s10 =	sld [smem:$0x3F8A];
	_ =	sdelay $0x3  }
0x33: {  	p0 =	seq.s32 s10, $0x1;
	s10 =	sld [smem:$0x3F8C];
	_ =	sdelay $0x3  }
0x34: {  	[smem:$0x3F8C] =	sst s10  }
0x35: {  	s10 =	sld [smem:$0x3F8B];
	_ =	sdelay $0x3  }
0x36: {  	p1 =	seq.s32 s10, $0x1;
	s10 =	sld [smem:$0x3F8C];
	_ =	sdelay $0x3  }
0x37: {  	[smem:$0x3F8C] =	sst s10  }
0x38: {  	s10 =	sld [smem:$0x3F8D]  }
0x39: {  	_ = 	snop;
	(pc) =	sbr.ind lr, $3  }
0x3a: {  	_ = 	snop  }
0x3b: {  	_ = 	snop  }
0x3c: {  	p2 =	seq.s32 s10, $0x1;
	s10 =	sld [smem:$0x3F8C]  }
0x3d: {  	_ =	shalt  }
0x3e: {  	_ =	shalt  }
0x3f: {  	_ =	shalt  }
0x40: {  	_ =	shalt  }
0x41: {  	_ =	shalt  }
0x42: {  	_ =	shalt  }
0x43: {  	_ =	shalt  }
0x44: {  	_ =	shalt  }
0x45: {  	_ =	shalt  }
0x46: {  	_ =	shalt  }
0x47: {  	_ =	shalt  }
0x48: {  	_ =	shalt  }
0x49: {  	_ =	shalt  }
0x4a: {  	_ =	shalt  }
0x4b: {  	_ =	shalt  }
0x4c: {  	_ =	shalt  }
0x4d: {  	_ =	shalt  }
0x4e: {  	_ =	shalt  }
0x4f: {  	_ =	shalt  }
0x50: {  	_ =	shalt  }
0x51: {  	_ =	shalt  }
0x52: {  	_ =	shalt  }
0x53: {  	_ =	shalt  }
0x54: {  	_ =	shalt  }
0x55: {  	_ =	shalt  }
0x56: {  	_ =	shalt  }
0x57: {  	_ =	shalt  }
0x58: {  	_ =	shalt  }
0x59: {  	_ =	shalt  }
0x5a: {  	_ =	shalt  }
0x5b: {  	_ =	shalt  }
0x5c: {  	_ =	shalt  }
0x5d: {  	_ =	shalt  }
0x5e: {  	_ =	shalt  }
0x5f: {  	_ =	shalt  }
0x60: {  	_ =	shalt  }
0x61: {  	_ =	shalt  }
0x62: {  	_ =	shalt  }
0x63: {  	_ =	shalt  }
0x64: {  	_ =	shalt  }
0x65: {  	_ =	shalt  }
0x66: {  	_ =	shalt  }
0x67: {  	_ =	shalt  }
0x68: {  	_ =	shalt  }
0x69: {  	_ =	shalt  }
0x6a: {  	_ =	shalt  }
0x6b: {  	_ =	shalt  }
0x6c: {  	_ =	shalt  }
0x6d: {  	_ =	shalt  }
0x6e: {  	_ =	shalt  }
0x6f: {  	_ =	shalt  }
0x70: {  	_ =	shalt  }
0x71: {  	_ =	shalt  }
0x72: {  	_ =	shalt  }
0x73: {  	_ =	shalt  }
0x74: {  	_ =	shalt  }
0x75: {  	_ =	shalt  }
0x76: {  	_ =	shalt  }
0x77: {  	_ =	shalt  }
0x78: {  	_ =	shalt  }
0x79: {  	_ =	shalt  }
0x7a: {  	_ =	shalt  }
0x7b: {  	_ =	shalt  }
0x7c: {  	_ =	shalt  }
0x7d: {  	_ =	shalt  }
0x7e: {  	_ =	shalt  }
0x7f: {  	_ =	shalt  }
0x80: {  	_ =	shalt  }
0x81: {  	_ =	shalt  }
0x82: {  	_ =	shalt  }
0x83: {  	_ =	shalt  }
0x84: {  	_ =	shalt  }
0x85: {  	_ =	shalt  }
0x86: {  	_ =	shalt  }
0x87: {  	_ =	shalt  }
.Lfunc_end0:
.L_simem_size_0:
called_computation.2_lowered:
.L_overlay_start_0:
0x88: {  	s2 =	sld [smem:$0x3FD9]  }
0x89: {  	s3 =	sld [smem:$0x3FFE];
	_ =	sdelay $0x1  }
0x8a: {  	s1 =	srdreg.scid  }
0x8b: {  	s0 =	sand.u32 $0x1, s1  }
0x8c: {  	s17 =	sshll.u32 s0, $0xA;
	s2 =	sadd.s32 s3, s2  }
0x8d: {  	s2 =	sadd.s32 s2, s17  }
0x8e: {  	[smem:$0x3F98] =	sst s2  }
0x8f: {  	_ = 	snop  }
0x90: {  	s2 =	sld [smem:$0x3FD0];
	(tm) =	ssettm $0x1  }
0x91: {  	s18 =	sld [smem:$0x3FFB];
	_ =	sdelay $0x3  }
0x92: {  	_ =	strace s18  }
0x93: {  	s3 =	sld [smem:$0x3FFC];
	_ =	sdelay $0x3  }
0x94: {  	_ =	strace s3  }
0x95: {  	s3 =	sld [smem:$0x3FFD];
	_ =	sdelay $0x3  }
0x96: {  	_ =	strace s3  }
0x97: {  	_ =	strace $0x8FFFFFFF  }
0x98: {  	s19 =	sld [smem:$0x3FDB];
	_ =	sdelay $0x1  }
0x99: {  	s4 =	simm.s32 $_scs_section_size  }
0x9a: {  	s5 =	simm.s32 $_size__tile_overlayer_lowered;
	s6 =	simm.s32 $_tile_overlayer_lowered  }
0x9b: {  	s22 =	simm.s32 $0x1BFF;
	s21 =	sshll.u32 s6, $0x1;
	s3 =	sadd.s32 s4, s19  }
0x9c: {  	s7 =	simm.s32 $0x0;
	s20 =	sshll.u32 s5, $0x1;
	s5 =	sadd.s32 s21, s3  }
0x9d: {  	[timem:s7], [sflag:s22] =	dma.local [hbm:s5], s20  }
0x9e: {  	_ =	swait.ge [sflag:s22], s20  }
0x9f: {  	s4 =	ssub.s32 $0x0, s20;
	[sflag:s22] =	ssyncset.done $0x0  }
0xa0: {  	[sflag:s22] =	ssyncadd.s32 s4;
	_ =	sdelay $0x1  }
0xa1: {  	s23 =	simm.s32 $0x1B8B  }
0xa2: {  	_ =	swait.ge [sflag:s23], $0x1  }
0xa3: {  	[sflag:s23] =	ssyncset.done $0x0  }
0xa4: {  	s25 =	simm.s32 $0x1B8E;
	s24 =	sld [smem:$0x3FFE];
	[sflag:s23] =	ssyncadd.s32 $0xFFFFFFFF  }
0xa5: {  	s26 =	simm.s32 $execute0_lowered;
	[smem:$0x3FD2] =	sst s25  }
0xa6: {  	s5 =	sshll.u32 s26, $0x1;
	_ =	strace $0x8000004C;
	[dreg:$0x1] =	wrdreg $0xFFFFFFFF  }
0xa7: {  	s28 =	simm.s32 $_size_execute0_lowered;
	s3 =	sadd.s32 s3, s5;
	[dreg:$0x0] =	wrdreg $0x0  }
0xa8: {  	s5 =	sshll.u32 s28, $0x1;
	[dreg:$0x2] =	wrdreg s3  }
0xa9: {  	[dreg:$0x3] =	wrdreg s5  }
0xaa: {  	[dreg:$0x4] =	wrdreg $0xC0  }
0xab: {  	_ =	task [dreg:s7], $0x5FFFF  }
0xac: {  	[dreg:$0x1] =	wrdreg $0xFFFFFFFF  }
0xad: {  	[dreg:$0x0] =	wrdreg $0x60  }
0xae: {  	[dreg:$0x2] =	wrdreg s24  }
0xaf: {  	[dreg:$0x3] =	wrdreg s2  }
0xb0: {  	[dreg:$0x4] =	wrdreg $0x82000  }
0xb1: {  	[dreg:$0x5] =	wrdreg $0x9  }
0xb2: {  	_ =	task.clear_ibuf [dreg:s7], $0x6FFFF;
	_ =	strace $0x9000004C  }
0xb3: {  	s29 =	simm.s32 $0x9;
	_ =	strace $0x8000004E  }
0xb4: {  	_ =	swait.ge [sflag:s29], $0x1  }
0xb5: {  	[sflag:s29] =	ssyncadd.s32 $0xFFFFFFFF  }
0xb6: {  	_ =	strace $0x9000004E  }
0xb7: {  	_ =	sfence  }
0xb8: {  	s30 =	sld [smem:$0x0];
	_ =	sdelay $0x2  }
0xb9: {  	s31 =	sshll.u32 s1, $0xD;
	s1 =	sshrl.u32 s1, $0x2  }
0xba: {  	s3 =	sand.u32 $0x4000, s31;
	s1 =	sadd.s32 s1, s30  }
0xbb: {  	s0 =	sor.u32 s3, s0;
	s1 =	sshll.u32 s1, $0x11  }
0xbc: {  	s0 =	sor.u32 s1, s0  }
0xbd: {  	s0 =	sadd.s32 $0x8F2B, s0  }
0xbe: {  	[sflag:s0] =	ssyncadd.remote.s32 $0x1  }
0xbf: {  	_ =	sfence.sel $0xFFFF  }
0xc0: {  	[dreg:$0x0] =	wrdreg $0xFFFFFFFF;
	(pc) =	sbr.abs _section_cstart, $3  }
0xc1: {  	[dreg:$0x1] =	wrdreg $0xFFFFFFFF  }
0xc2: {  	_ =	task.clear_ibuf [dreg:s7], $0x2FFFF;
	_ =	strace $0x9FFFFFFF  }
0xc3: {  	(tm) =	ssettm $0x7FFFFFFF  }
tec
execute0_lowered:
.L_overlay_start_1:
0x0: {  	(tag) =	ssettag $0x1  }
0x1: {  	s0 =	rddreg [dreg:$0x0]  }
0x2: {  	s3 =	rddreg [dreg:$0x1]  }
0x3: {  	s1 =	rddreg [dreg:$0x2];
	s2 =	simm.s32 $0x0;
	s6 =	srdreg.scid  }
0x4: {  	s23 =	stileid.u32;
	s16 =	simm.s32 $0x3;
	s17 =	simm.s32 $0x8000  }
0x5: {  	s19 =	simm.s32 $0x8100;
	s20 =	simm.s32 $0x80;
	s22 =	simm.s32 $0x8080  }
0x6: {  	s28 =	simm.s32 $0x2;
	s29 =	simm.s32 $0x0;
	[smem:$0x7FF] =	sst s2  }
0x7: {  	s4 =	sadd.s32 $0x36800, s0;
	s5 =	sadd.s32 $0x9000, s0;
	s11 =	smul.u32 $0x29000, s23  }
0x8: {  	s8 =	sand.u32 $0x1, s6;
	s10 =	sadd.s32 $0xE000, s0;
	s31 =	smul.u32 $0x1480, s23  }
0x9: {  	s26 =	sshll.u32 s23, $0x6;
	_ =	strace $0x8000004D;
	s7 =	smul.u32 $0x14800, s8  }
0xa: {  	s9 =	ssub.s32 $0x2, s8;
	[dreg:$0x4] =	wrdreg s10;
	s30 =	smul.u32 $0x5000, s8  }
0xb: {  	s8 =	sor.u32 $0x1C03, s26;
	s26 =	simm.s32 $0x1;
	s24 =	sshrl.u32 s9, $0x1  }
0xc: {  	s25 =	sshrl.u32 s11, $0x2;
	s0 =	sadd.s32 s7, s0;
	s12 =	ssub.s32 s9, s24  }
0xd: {  	s7 =	smul.u32 $0x500, s23;
	s15 =	sadd.s32 s25, s1;
	s10 =	sadd.s32 s3, s30  }
0xe: {  	s23 =	simm.s32 $0x8180;
	s25 =	simm.s32 $0x4000;
	s0 =	sadd.s32 $0x5DA00, s0  }
0xf: {  	s12 =	smax.u32 s12, $0x1;
	s15 =	sshrl.u32 s15, $0x3;
	s9 =	sadd.s32 s5, s7  }
0x10: {  	s11 =	sadd.s32 $0x4F0, s7;
	s18 =	sadd.s32 s7, s10;
	s24 =	sadd.s32 s31, s0  }
0x11: {  	s13 =	sadd.s32 s5, s11;
	s14 =	sadd.s32 $0x20, s9;
	s21 =	sadd.s32 $0x20, s18  }
.LBB2_1:
0x12: {  	s0 =	rddreg [dreg:$0x4]  }
0x13: {  	[spmem:s15], [sflag:s8] =	dma.local [hbm:s0], $0x1480  }
0x14: {  	_ =	swait.ge [sflag:s16], $0x1480  }
0x15: {  	[sflag:s16] =	ssyncset.done $0x0  }
0x16: {  	[sflag:s16] =	ssyncadd.s32 $0xFFFFEB80  }
0x17: {  	[bflag:$0x0] =	sbarrier.arrive $0xFFFF  }
0x18: {  	[tilespmem:s17], [sflag:$0x3] =	stream.linear.gather [hbm4b:s9+s2], $0x80, $0x38;
	[tilespmem:$0x12600] =	vst v63  }
0x19: {  	_ =	swait.ge [sflag:s16], $0x80  }
0x1a: {  	[sflag:s16] =	ssyncset.done $0x0  }
0x1b: {  	s3 =	sadd.s32 $0x0, s7;
	[sflag:s16] =	ssyncadd.s32 $0xFFFFFF80  }
0x1c: {  	[tilespmem:s19], [sflag:$0x3] =	stream.linear.gather [hbm4b:s18+s2], $0x80, $0x38;
	[tilespmem:$0x12600] =	vst v63  }
0x1d: {  	s0 =	sand.u32 $0xFF80, s3;
	s3 =	sand.u32 $0x60, s2;
	_ =	swait.ge [sflag:s16], $0x80  }
0x1e: {  	s0 =	sor.u32 s0, s3;
	[sflag:s16] =	ssyncset.done $0x0  }
0x1f: {  	s0 =	sor.u32 $0x10, s0;
	[sflag:s16] =	ssyncadd.s32 $0xFFFFFF80  }
0x20: {  	[tilespmem:s2], [sflag:$0x1] =	stream.indirect.gather [hbm4b:s4+s20], $0x80, s17, s20, $0xb8;
	[tilespmem:$0x12600] =	vst v63  }
0x21: {  	s6 =	sadd.s32 s5, s0  }
0x22: {  	[tilespmem:s22], [sflag:$0x3] =	stream.linear.gather [hbm4b:s6+s2], $0x80, $0x38;
	[tilespmem:$0x12600] =	vst v63  }
0x23: {  	_ =	swait.ge [sflag:s16], $0x80  }
0x24: {  	[sflag:s16] =	ssyncset.done $0x0  }
0x25: {  	s0 =	sadd.s32 s10, s0;
	[sflag:s16] =	ssyncadd.s32 $0xFFFFFF80  }
0x26: {  	[tilespmem:s23], [sflag:$0x3] =	stream.linear.gather [hbm4b:s0+s2], $0x80, $0x38;
	[tilespmem:$0x12600] =	vst v63  }
0x27: {  	_ =	swait.ge [sflag:s16], $0x80  }
0x28: {  	[sflag:s16] =	ssyncset.done $0x0  }
0x29: {  	[sflag:s16] =	ssyncadd.s32 $0xFFFFFF80  }
0x2a: {  	[tilespmem:s25], [sflag:$0x2] =	stream.indirect.gather [hbm4b:s4+s20], $0x80, s22, s20, $0xb8;
	[tilespmem:$0x12600] =	vst v63  }
0x2b: {  	_ =	swait.ge [sflag:s26], $0x4000  }
0x2c: {  	[sflag:s26] =	ssyncset.done $0x0  }
0x2d: {  	[sflag:s26] =	ssyncadd.s32 $0xFFFFC000  }
0x2e: {  	[spmem:s1] =	stream.indirect.scatter.add.f32 [tilespmem:s2], [sflag:$0x3], $0x80, s19, s20, $0xb8;
	[tilespmem:$0x12600] =	vst v63  }
0x2f: {  	_ =	swait.ge [sflag:s16], $0x4000  }
0x30: {  	[sflag:s16] =	ssyncset.done $0x0  }
0x31: {  	s3 =	sadd.s32 $0x0, s14;
	[sflag:s16] =	ssyncadd.s32 $0xFFFFC000  }
0x32: {  	[tilespmem:s17], [sflag:$0x3] =	stream.linear.gather [hbm4b:s3+s2], $0x80, $0x38;
	[tilespmem:$0x12600] =	vst v63  }
0x33: {  	_ =	swait.ge [sflag:s16], $0x80  }
0x34: {  	[sflag:s16] =	ssyncset.done $0x0  }
0x35: {  	s6 =	sadd.s32 $0x0, s21;
	[sflag:s16] =	ssyncadd.s32 $0xFFFFFF80  }
0x36: {  	[tilespmem:s19], [sflag:$0x3] =	stream.linear.gather [hbm4b:s6+s2], $0x80, $0x38;
	[tilespmem:$0x12600] =	vst v63  }
0x37: {  	_ =	swait.ge [sflag:s16], $0x80  }
0x38: {  	[sflag:s16] =	ssyncset.done $0x0  }
0x39: {  	[sflag:s16] =	ssyncadd.s32 $0xFFFFFF80  }
0x3a: {  	[tilespmem:s2], [sflag:$0x1] =	stream.indirect.gather [hbm4b:s4+s20], $0x80, s17, s20, $0xb8;
	[tilespmem:$0x12600] =	vst v63  }
0x3b: {  	_ =	swait.ge [sflag:s28], $0x4000  }
0x3c: {  	[sflag:s28] =	ssyncset.done $0x0  }
0x3d: {  	s30 =	simm.s32 $0x20;
	s3 =	sadd.s32 $0x20, s7;
	[sflag:s28] =	ssyncadd.s32 $0xFFFFC000  }
0x3e: {  	[spmem:s1] =	stream.indirect.scatter.add.f32 [tilespmem:s25], [sflag:$0x3], $0x80, s23, s20, $0xb8;
	[tilespmem:$0x12600] =	vst v63  }
0x3f: {  	s0 =	sand.u32 $0xFF80, s3;
	s6 =	sand.u32 $0x60, s30;
	_ =	swait.ge [sflag:s16], $0x4000  }
0x40: {  	s31 =	simm.s32 $0x40;
	s3 =	sor.u32 s0, s6;
	[sflag:s16] =	ssyncset.done $0x0  }
.LBB2_2:
0x41: {  	s3 =	sor.u32 $0x10, s3  }
0x42: {  	[sflag:s16] =	ssyncadd.s32 $0xFFFFC000;
	s6 =	smov.u32 s31;
	s0 =	sadd.s32 $0x20, s31  }
0x43: {  	p0 =	sne.s32 s31, $0x4C0;
	s31 =	sadd.s32 s5, s3  }
0x44: {  	[tilespmem:s22], [sflag:$0x3] =	stream.linear.gather [hbm4b:s31+s2], $0x80, $0x38;
	[tilespmem:$0x12600] =	vst v63  }
0x45: {  	_ =	swait.ge [sflag:s16], $0x80  }
0x46: {  	[sflag:s16] =	ssyncset.done $0x0  }
0x47: {  	s3 =	sadd.s32 s10, s3;
	[sflag:s16] =	ssyncadd.s32 $0xFFFFFF80  }
0x48: {  	[tilespmem:s23], [sflag:$0x3] =	stream.linear.gather [hbm4b:s3+s2], $0x80, $0x38;
	[tilespmem:$0x12600] =	vst v63  }
0x49: {  	_ =	swait.ge [sflag:s16], $0x80  }
0x4a: {  	[sflag:s16] =	ssyncset.done $0x0  }
0x4b: {  	[sflag:s16] =	ssyncadd.s32 $0xFFFFFF80  }
0x4c: {  	[tilespmem:s25], [sflag:$0x2] =	stream.indirect.gather [hbm4b:s4+s20], $0x80, s22, s20, $0xb8;
	[tilespmem:$0x12600] =	vst v63  }
0x4d: {  	_ =	swait.ge [sflag:s26], $0x4000  }
0x4e: {  	[sflag:s26] =	ssyncset.done $0x0  }
0x4f: {  	[sflag:s26] =	ssyncadd.s32 $0xFFFFC000  }
0x50: {  	[spmem:s1] =	stream.indirect.scatter.add.f32 [tilespmem:s2], [sflag:$0x3], $0x80, s19, s20, $0xb8;
	[tilespmem:$0x12600] =	vst v63  }
0x51: {  	_ =	swait.ge [sflag:s16], $0x4000  }
0x52: {  	[sflag:s16] =	ssyncset.done $0x0  }
0x53: {  	s3 =	sadd.s32 s30, s14;
	[sflag:s16] =	ssyncadd.s32 $0xFFFFC000  }
0x54: {  	[tilespmem:s17], [sflag:$0x3] =	stream.linear.gather [hbm4b:s3+s2], $0x80, $0x38;
	[tilespmem:$0x12600] =	vst v63  }
0x55: {  	_ =	swait.ge [sflag:s16], $0x80  }
0x56: {  	[sflag:s16] =	ssyncset.done $0x0  }
0x57: {  	s3 =	sadd.s32 s30, s21;
	s30 =	smov.u32 s6;
	[sflag:s16] =	ssyncadd.s32 $0xFFFFFF80  }
0x58: {  	[tilespmem:s19], [sflag:$0x3] =	stream.linear.gather [hbm4b:s3+s2], $0x80, $0x38;
	[tilespmem:$0x12600] =	vst v63  }
0x59: {  	_ =	swait.ge [sflag:s16], $0x80  }
0x5a: {  	[sflag:s16] =	ssyncset.done $0x0  }
0x5b: {  	[sflag:s16] =	ssyncadd.s32 $0xFFFFFF80  }
0x5c: {  	[tilespmem:s2], [sflag:$0x1] =	stream.indirect.gather [hbm4b:s4+s20], $0x80, s17, s20, $0xb8;
	[tilespmem:$0x12600] =	vst v63  }
0x5d: {  	_ =	swait.ge [sflag:s28], $0x4000  }
.Ltmp0:
0x5e: {  	[sflag:s28] =	ssyncset.done $0x0;
	(pc) =	sbr.rel @p0 .LBB2_2-.Ltmp0, $4  }
0x5f: {  	s3 =	sadd.s32 s30, s7;
	[sflag:s28] =	ssyncadd.s32 $0xFFFFC000  }
0x60: {  	[spmem:s1] =	stream.indirect.scatter.add.f32 [tilespmem:s25], [sflag:$0x3], $0x80, s23, s20, $0xb8;
	[tilespmem:$0x12600] =	vst v63  }
0x61: {  	s6 =	sand.u32 $0x60, s30;
	s3 =	sand.u32 $0xFF80, s3;
	_ =	swait.ge [sflag:s16], $0x4000  }
0x62: {  	s31 =	smov.u32 s0;
	s3 =	sor.u32 s3, s6;
	[sflag:s16] =	ssyncset.done $0x0  }
0x63: {  	s0 =	sor.u32 $0x10, s3  }
0x64: {  	[sflag:s16] =	ssyncadd.s32 $0xFFFFC000;
	s3 =	sadd.s32 s5, s0  }
0x65: {  	[tilespmem:s22], [sflag:$0x3] =	stream.linear.gather [hbm4b:s3+s2], $0x80, $0x38;
	[tilespmem:$0x12600] =	vst v63  }
0x66: {  	_ =	swait.ge [sflag:s16], $0x80  }
0x67: {  	[sflag:s16] =	ssyncset.done $0x0  }
0x68: {  	s0 =	sadd.s32 s10, s0;
	[sflag:s16] =	ssyncadd.s32 $0xFFFFFF80  }
0x69: {  	[tilespmem:s23], [sflag:$0x3] =	stream.linear.gather [hbm4b:s0+s2], $0x80, $0x38;
	[tilespmem:$0x12600] =	vst v63  }
0x6a: {  	_ =	swait.ge [sflag:s16], $0x80  }
0x6b: {  	[sflag:s16] =	ssyncset.done $0x0  }
0x6c: {  	[sflag:s16] =	ssyncadd.s32 $0xFFFFFF80  }
0x6d: {  	[tilespmem:s25], [sflag:$0x2] =	stream.indirect.gather [hbm4b:s4+s20], $0x80, s22, s20, $0xb8;
	[tilespmem:$0x12600] =	vst v63  }
0x6e: {  	_ =	swait.ge [sflag:s26], $0x4000  }
0x6f: {  	[sflag:s26] =	ssyncset.done $0x0  }
0x70: {  	[sflag:s26] =	ssyncadd.s32 $0xFFFFC000  }
0x71: {  	[spmem:s1] =	stream.indirect.scatter.add.f32 [tilespmem:s2], [sflag:$0x3], $0x80, s19, s20, $0xb8;
	[tilespmem:$0x12600] =	vst v63  }
0x72: {  	_ =	swait.ge [sflag:s16], $0x4000  }
0x73: {  	[sflag:s16] =	ssyncset.done $0x0  }
0x74: {  	s6 =	sadd.s32 s30, s14;
	[sflag:s16] =	ssyncadd.s32 $0xFFFFC000  }
0x75: {  	[tilespmem:s17], [sflag:$0x3] =	stream.linear.gather [hbm4b:s6+s2], $0x80, $0x38;
	[tilespmem:$0x12600] =	vst v63  }
0x76: {  	_ =	swait.ge [sflag:s16], $0x80  }
0x77: {  	[sflag:s16] =	ssyncset.done $0x0  }
0x78: {  	s30 =	sadd.s32 s30, s21;
	[sflag:s16] =	ssyncadd.s32 $0xFFFFFF80  }
0x79: {  	[tilespmem:s19], [sflag:$0x3] =	stream.linear.gather [hbm4b:s30+s2], $0x80, $0x38;
	[tilespmem:$0x12600] =	vst v63  }
0x7a: {  	_ =	swait.ge [sflag:s16], $0x80  }
0x7b: {  	[sflag:s16] =	ssyncset.done $0x0  }
0x7c: {  	[sflag:s16] =	ssyncadd.s32 $0xFFFFFF80  }
0x7d: {  	[tilespmem:s2], [sflag:$0x1] =	stream.indirect.gather [hbm4b:s4+s20], $0x80, s17, s20, $0xb8;
	[tilespmem:$0x12600] =	vst v63  }
0x7e: {  	_ =	swait.ge [sflag:s28], $0x4000  }
0x7f: {  	[sflag:s28] =	ssyncset.done $0x0  }
0x80: {  	[sflag:s28] =	ssyncadd.s32 $0xFFFFC000  }
0x81: {  	[spmem:s1] =	stream.indirect.scatter.add.f32 [tilespmem:s25], [sflag:$0x3], $0x80, s23, s20, $0xb8;
	[tilespmem:$0x12600] =	vst v63  }
0x82: {  	_ =	swait.ge [sflag:s16], $0x4000  }
0x83: {  	[sflag:s16] =	ssyncset.done $0x0  }
0x84: {  	[sflag:s16] =	ssyncadd.s32 $0xFFFFC000  }
0x85: {  	[tilespmem:s22], [sflag:$0x3] =	stream.linear.gather [hbm4b:s13+s2], $0x80, $0x38;
	[tilespmem:$0x12600] =	vst v63  }
0x86: {  	_ =	swait.ge [sflag:s16], $0x80  }
0x87: {  	[sflag:s16] =	ssyncset.done $0x0  }
0x88: {  	s31 =	sadd.s32 s10, s11;
	[sflag:s16] =	ssyncadd.s32 $0xFFFFFF80  }
0x89: {  	[tilespmem:s23], [sflag:$0x3] =	stream.linear.gather [hbm4b:s31+s2], $0x80, $0x38;
	[tilespmem:$0x12600] =	vst v63  }
0x8a: {  	_ =	swait.ge [sflag:s16], $0x80  }
0x8b: {  	[sflag:s16] =	ssyncset.done $0x0  }
0x8c: {  	[sflag:s16] =	ssyncadd.s32 $0xFFFFFF80  }
0x8d: {  	[tilespmem:s25], [sflag:$0x2] =	stream.indirect.gather [hbm4b:s4+s20], $0x80, s22, s20, $0xb8;
	[tilespmem:$0x12600] =	vst v63  }
0x8e: {  	_ =	swait.ge [sflag:s26], $0x4000  }
0x8f: {  	[sflag:s26] =	ssyncset.done $0x0  }
0x90: {  	[sflag:s26] =	ssyncadd.s32 $0xFFFFC000  }
0x91: {  	[spmem:s1] =	stream.indirect.scatter.add.f32 [tilespmem:s2], [sflag:$0x3], $0x80, s19, s20, $0xb8;
	[tilespmem:$0x12600] =	vst v63  }
0x92: {  	_ =	swait.ge [sflag:s16], $0x4000  }
0x93: {  	[sflag:s16] =	ssyncset.done $0x0  }
0x94: {  	[sflag:s16] =	ssyncadd.s32 $0xFFFFC000  }
0x95: {  	_ =	swait.ge [sflag:s28], $0x4000  }
0x96: {  	[sflag:s28] =	ssyncset.done $0x0  }
0x97: {  	[sflag:s28] =	ssyncadd.s32 $0xFFFFC000  }
0x98: {  	[spmem:s1] =	stream.indirect.scatter.add.f32 [tilespmem:s25], [sflag:$0x3], $0x80, s23, s20, $0xb8;
	[tilespmem:$0x12600] =	vst v63  }
0x99: {  	_ =	swait.ge [sflag:s16], $0x4000  }
0x9a: {  	s29 =	sadd.s32 $0x1, s29;
	[sflag:s16] =	ssyncset.done $0x0  }
0x9b: {  	p0 =	sne.s32 s29, s12;
	[sflag:s16] =	ssyncadd.s32 $0xFFFFC000  }
.Ltmp1:
0x9c: {  	[bflag:$0x0] =	sbarrier.arrive $0xFFFF;
	(pc) =	sbr.rel @p0 .LBB2_1-.Ltmp1, $4  }
0x9d: {  	[hbm:s24], [sflag:s8] =	dma.local [spmem:s15], $0x1480  }
0x9e: {  	_ =	swait.ge [sflag:s16], $0x1480  }
0x9f: {  	[sflag:s16] =	ssyncset.done $0x0  }
0xa0: {  	[sflag:s16] =	ssyncadd.s32 $0xFFFFEB80  }
0xa1: {  	_ =	sfence.sel $0x180000  }
0xa2: {  	[bflag:$0x0] =	sbarrier.arrive $0xFFFF  }
0xa3: {  	_ =	strace $0x9000004D  }
0xa4: {  	s0 =	stileid.u32;
	[bflag:$0x2] =	sbarrier.arrive $0xFFFF  }
0xa5: {  	p0 =	sne.s32 s0, $0x0;
	s0 =	rddreg [dreg:$0x3]  }
0xa6: {  	s0 =	sadd.s32 @!p0 $0x100000, s0  }
0xa7: {  	[sflag:s0] =	ssyncadd.tile.s32 @!p0 $0x1;
	_ =	shalt  }
.Lfunc_end2:
_tile_overlayer_lowered:
.L_overlay_start_2:
0xa8: {  	(tag) =	ssettag $0x2  }
0xa9: {  	s0 =	rddreg [dreg:$0x0];
	s2 =	stileid.u32  }
0xaa: {  	s1 =	rddreg [dreg:$0x1];
	p0 =	sne.s32 s2, $0x0  }
0xab: {  	s3 =	rddreg [dreg:$0x2];
	[bflag:$0x3] =	sbarrier.arrive $0xFFFF;
	s2 =	simm.s32 @!p0 $0x1C03  }
0xac: {  	[timem:s3], [sflag:s2] =	dma.local @!p0 [hbm:s0], s1  }
0xad: {  	s0 =	simm.s32 @!p0 $0x3  }
0xae: {  	_ =	swait.ge @!p0 [sflag:s0], s1  }
0xaf: {  	s1 =	ssub.s32 @!p0 $0x0, s1;
	[sflag:s0] =	ssyncset.done @!p0 $0x0  }
0xb0: {  	[sflag:s0] =	ssyncadd.s32 @!p0 s1  }
0xb1: {  	[bflag:$0x3] =	sbarrier.arrive $0xFFFF  }
0xb2: {  	_ =	shalt  }

</sc_bundles>
